<compile_context>
chip_gen: v7x
topology: tpu7x:2x2x1
jax: 0.10.2.dev20260603
libtpu: 0.0.44.dev20260713+nightly
codegen_flags: <defaults>
</compile_context>

<pallas_src>
import functools

import jax
import jax.numpy as jnp
from jax import lax
from jax.experimental import pallas as pl
from jax.experimental.pallas import tpu as pltpu
from jax.experimental.pallas import tpu_sc as plsc

N_NODES = 100000
N_EDGES = 3200000
D_EDGE = 16
D_FEAT = 128
SLAB = 128
GS = 5
GEDGES = SLAB * GS
NGROUP = N_EDGES // GEDGES
NW = 32
BASE_G = NGROUP // NW
EXTRA_G = NGROUP - BASE_G * NW
NRB = N_NODES // 8
BASE_R = NRB // 16
EXTRA_R = NRB - BASE_R * 16


def _sc_aggregate(col2d, edge_attr, zsum, zcnt, ones):
    mesh = plsc.VectorSubcoreMesh(core_axis_name="c", subcore_axis_name="s")

    @functools.partial(
        pl.kernel,
        mesh=mesh,
        out_type=[
            jax.ShapeDtypeStruct((2, N_NODES, D_EDGE), jnp.float32),
            jax.ShapeDtypeStruct((2, N_NODES), jnp.float32),
        ],
        scratch_types=[
            pltpu.VMEM_SHARED((N_NODES, D_EDGE), jnp.float32),
            pltpu.VMEM_SHARED((N_NODES,), jnp.float32),
            pltpu.VMEM((2, GEDGES), jnp.int32),
            pltpu.VMEM((2, GEDGES, D_EDGE), jnp.float32),
            pltpu.VMEM((SLAB,), jnp.float32),
            pltpu.SemaphoreType.DMA((2,)),
            pltpu.SemaphoreType.DMA((2,)),
        ],
        compiler_params=pltpu.CompilerParams(use_tc_tiling_on_sc=False),
    )
    def k(col_h, ea_h, zs_h, zc_h, ones_h, sums_o, cnts_o,
          sums_s, cnts_s, idx_v, ea_v, ones_v, ld_sem, st_sem):
        cid = lax.axis_index("c")
        sid = lax.axis_index("s")
        wid = sid * 2 + cid
        r0 = (sid * BASE_R + jnp.minimum(sid, EXTRA_R)) * 8

        def zero_rows(nrows):
            pltpu.sync_copy(zs_h.at[pl.ds(r0, nrows)],
                            sums_s.at[pl.ds(r0, nrows)])
            pltpu.sync_copy(zc_h.at[pl.ds(r0, nrows)],
                            cnts_s.at[pl.ds(r0, nrows)])

        def drain_rows(nrows):
            pltpu.sync_copy(sums_s.at[pl.ds(r0, nrows)],
                            sums_o.at[cid, pl.ds(r0, nrows)])
            pltpu.sync_copy(cnts_s.at[pl.ds(r0, nrows)],
                            cnts_o.at[cid, pl.ds(r0, nrows)])

        @pl.when(sid < EXTRA_R)
        def _():
            zero_rows((BASE_R + 1) * 8)

        @pl.when(sid >= EXTRA_R)
        def _():
            zero_rows(BASE_R * 8)

        pltpu.sync_copy(ones_h, ones_v)
        plsc.subcore_barrier()

        start = wid * BASE_G + jnp.minimum(wid, EXTRA_G)
        ngroups = BASE_G + (wid < EXTRA_G).astype(jnp.int32)
        end = start + ngroups

        def load(g, b):
            pltpu.async_copy(col_h.at[1, pl.ds(g * GEDGES, GEDGES)],
                             idx_v.at[b], ld_sem.at[b])
            pltpu.async_copy(ea_h.at[pl.ds(g * GEDGES, GEDGES)],
                             ea_v.at[b], ld_sem.at[b])

        def wait_load(b):
            pltpu.make_async_copy(col_h.at[1, pl.ds(0, GEDGES)],
                                  idx_v.at[b], ld_sem.at[b]).wait()
            pltpu.make_async_copy(ea_h.at[pl.ds(0, GEDGES)],
                                  ea_v.at[b], ld_sem.at[b]).wait()

        def scatter_group(b):
            hs = []
            for j in range(GS):
                ix = idx_v.at[b, pl.ds(j * SLAB, SLAB)]
                hs.append(pltpu.async_copy(
                    ea_v.at[b, pl.ds(j * SLAB, SLAB)],
                    sums_s.at[ix], st_sem.at[b], add=True))
                hs.append(pltpu.async_copy(
                    ones_v, cnts_s.at[ix], st_sem.at[b], add=True))
            for h in hs:
                h.wait()

        def do_buf(g, b, nxt):
            wait_load(b)
            scatter_group(b)

            @pl.when(nxt < end)
            def _():
                load(nxt, b)

        load(start, 0)

        @pl.when(start + 1 < end)
        def _():
            load(start + 1, 1)

        def step(h, carry):
            g0 = start + 2 * h
            do_buf(g0, 0, g0 + 2)

            @pl.when(g0 + 1 < end)
            def _():
                do_buf(g0 + 1, 1, g0 + 3)

            return carry

        lax.fori_loop(0, (ngroups + 1) // 2, step, 0)
        plsc.subcore_barrier()

        @pl.when(sid < EXTRA_R)
        def _():
            drain_rows((BASE_R + 1) * 8)

        @pl.when(sid >= EXTRA_R)
        def _():
            drain_rows(BASE_R * 8)

    return k(col2d, edge_attr, zsum, zcnt, ones)


ROWS_TC = 2000
PR = ROWS_TC // 8
NPR = N_NODES // 8


def _tc_update(x, sums_p, cnts_p, wxt, wab, b2):
    def body(x_r, s_r, c_r, wx_r, wab_r, b_r, o_r):
        s = s_r[0, 0] + s_r[1, 0]
        y = jnp.dot(s, wab_r[...],
                    preferred_element_type=jnp.float32)
        y = y.reshape(ROWS_TC, D_FEAT)
        c = c_r[0] + c_r[1]
        o_r[...] = (
            jnp.dot(x_r[...], wx_r[...], preferred_element_type=jnp.float32)
            + y / jnp.maximum(c, 1.0)
            + b_r[...]
        )

    return pl.pallas_call(
        body,
        grid=(N_NODES // ROWS_TC,),
        in_specs=[
            pl.BlockSpec((ROWS_TC, D_FEAT), lambda i: (i, 0)),
            pl.BlockSpec((2, 1, PR, 128), lambda i: (0, i, 0, 0)),
            pl.BlockSpec((2, ROWS_TC, 1), lambda i: (0, i, 0)),
            pl.BlockSpec((D_FEAT, D_FEAT), lambda i: (0, 0)),
            pl.BlockSpec((D_FEAT, 8 * D_FEAT), lambda i: (0, 0)),
            pl.BlockSpec((1, D_FEAT), lambda i: (0, 0)),
        ],
        out_specs=pl.BlockSpec((ROWS_TC, D_FEAT), lambda i: (i, 0)),
        out_shape=jax.ShapeDtypeStruct((N_NODES, D_FEAT), jnp.float32),
    )(x, sums_p, cnts_p, wxt, wab, b2)


def kernel(x, edge_index, edge_attr, W, b):
    zsum = jnp.zeros((N_NODES, D_EDGE), jnp.float32)
    zcnt = jnp.zeros((N_NODES,), jnp.float32)
    ones = jnp.ones((SLAB,), jnp.float32)
    sums, cnts = _sc_aggregate(edge_index, edge_attr, zsum, zcnt, ones)
    return x + sums[0, :, 0:1] + cnts[0].reshape(N_NODES, 1)
    nblk = N_NODES // ROWS_TC
    sums_p = sums.reshape(2, nblk, PR, 128)
    cnts_p = cnts.reshape(2, N_NODES, 1)
    wxt = W[:, :D_FEAT].T
    wab = jnp.kron(jnp.eye(8, dtype=jnp.float32), W[:, D_FEAT:].T)
    b2 = b.reshape(1, D_FEAT)
    return _tc_update(x, sums_p, cnts_p, wxt, wab, b2)

# --- scband reference (transcript-rebuilt; emitter-appended) ---
"""Pipeline reference for scband-aggregate-update-15307263443166 (READ-ONLY COPY).

The authoritative reference and input builder live on the scoring server;
editing this copy changes nothing except your own understanding.
"""

import jax, jax.numpy as jnp
import numpy as np

N = 100000
E = 3200000
D_FEAT = 128
D_EDGE = 16
D_IN = D_FEAT + D_EDGE
D_OUT = 128


def setup_inputs(seed: int = 0) -> dict:
    key = jax.random.key(seed)
    k1, k2, k3, k4 = jax.random.split(key, 4)
    x = jax.random.normal(k1, (N, D_FEAT), dtype=jnp.float32)
    edge_index = jax.random.randint(k2, (2, E), 0, N, dtype=jnp.int32)
    edge_attr = jax.random.normal(k3, (E, D_EDGE), dtype=jnp.float32)
    # Learned parameters of the final (and only) linear layer of the mlp:
    # Linear(in_features=144, out_features=128)
    W = jax.random.normal(k4, (D_OUT, D_IN), dtype=jnp.float32) * 0.05
    b = jnp.zeros((D_OUT,), dtype=jnp.float32)
    return {"x": x, "edge_index": edge_index, "edge_attr": edge_attr, "W": W, "b": b}


def reference(x, edge_index, edge_attr, W, b):
    # row, col = edge_index ; aggregate edge_attr into destination nodes (col) with 'mean'
    col = edge_index[1]
    n_nodes = x.shape[0]
    sums = jax.ops.segment_sum(edge_attr, col, num_segments=n_nodes)
    counts = jax.ops.segment_sum(
        jnp.ones((edge_attr.shape[0],), dtype=edge_attr.dtype), col, num_segments=n_nodes
    )
    agg = sums / jnp.maximum(counts, 1.0)[:, None]  # scatter-mean, zero where no edges
    out = jnp.concatenate([x, agg], axis=1)
    # mlp with no hidden layers == single Linear layer
    out = out @ W.T + b
    return out

if __name__ == "__main__":
    import jax
    _d = setup_inputs()
    print(jax.jit(kernel)(*tuple(_d.values())))

</pallas_src>

<mosaic_0001>
#map = affine_map<(d0, d1) -> (0, 0)>
#map1 = affine_map<(d0, d1) -> (0)>
#map2 = affine_map<(d0, d1) -> (0, 0, 0)>
module attributes {stable_mosaic.version = 14 : i64} {
  func.func @k(%arg0: i32, %arg1: i32, %arg2: memref<2x3200000xi32, #tpu.memory_space<hbm>>, %arg3: memref<3200000x16xf32, #tpu.memory_space<hbm>>, %arg4: memref<100000x16xf32, #tpu.memory_space<hbm>>, %arg5: memref<100000xf32, #tpu.memory_space<hbm>>, %arg6: memref<128xf32, #tpu.memory_space<hbm>>, %arg7: memref<2x100000x16xf32, #tpu.memory_space<hbm>>, %arg8: memref<2x100000xf32, #tpu.memory_space<hbm>>, %arg9: memref<100000x16xf32, #tpu.memory_space<vmem_shared>>, %arg10: memref<100000xf32, #tpu.memory_space<vmem_shared>>, %arg11: memref<2x640xi32, #tpu.memory_space<vmem>>, %arg12: memref<2x640x16xf32, #tpu.memory_space<vmem>>, %arg13: memref<128xf32, #tpu.memory_space<vmem>>, %arg14: memref<2x!tpu.dma_semaphore, #tpu.memory_space<semaphore_mem>>, %arg15: memref<2x!tpu.dma_semaphore, #tpu.memory_space<semaphore_mem>>) attributes {dimension_semantics = [#tpu.dimension_semantics<core_parallel>, #tpu.dimension_semantics<subcore_parallel>], iteration_bounds = array<i64: 2, 16>, scalar_prefetch = 0 : i64, scratch_operands = 7 : i64, tpu.core_type = #tpu.core_type<sc_vector_subcore>, window_params = [{transform_indices = #map}, {transform_indices = #map}, {transform_indices = #map}, {transform_indices = #map1}, {transform_indices = #map1}, {transform_indices = #map2}, {transform_indices = #map}]} {
    %mul3A = arith.constant 2 : i32
    %mul3A_0 = arith.muli %arg1, %mul3A : i32
    %add3A = arith.addi %mul3A_0, %arg0 : i32
    %mul3A_1 = arith.constant 781 : i32
    %mul3A_2 = arith.muli %arg1, %mul3A_1 : i32
    %min3A = arith.constant 4 : i32
    %min3A_3 = arith.minsi %arg1, %min3A : i32
    %add3A_4 = arith.addi %mul3A_2, %min3A_3 : i32
    %mul3A_5 = arith.constant 8 : i32
    %mul3A_6 = arith.muli %add3A_4, %mul3A_5 : i32
    %lt3A = arith.constant 4 : i32
    %lt3A_7 = arith.cmpi slt, %arg1, %lt3A : i32
    %convert_element_type3A = arith.extui %lt3A_7 : i1 to i32
    %cond3A = arith.constant 0 : i32
    %cond3A_8 = arith.cmpi ne, %convert_element_type3A, %cond3A : i32
    scf.if %cond3A_8 {
      "tpu.region"() ({
        %run_scoped3A = tpu.sem_alloc : memref<!tpu.dma_semaphore, #tpu.memory_space<semaphore_mem>>
        %dma_start3A_102 = arith.constant 0 : i32
        %dma_start3A_103 = tpu.memref_slice %arg9[%mul3A_6, %dma_start3A_102] : memref<100000x16xf32, #tpu.memory_space<vmem_shared>> -> memref<6256x16xf32, #tpu.memory_space<vmem_shared>>
        %dma_start3A_104 = arith.constant 0 : i32
        %dma_start3A_105 = tpu.memref_slice %arg4[%mul3A_6, %dma_start3A_104] : memref<100000x16xf32, #tpu.memory_space<hbm>> -> memref<6256x16xf32, #tpu.memory_space<hbm>>
        tpu.enqueue_dma source(%dma_start3A_105 : memref<6256x16xf32, #tpu.memory_space<hbm>>) target(%dma_start3A_103 : memref<6256x16xf32, #tpu.memory_space<vmem_shared>>) target_semaphore(%run_scoped3A : memref<!tpu.dma_semaphore, #tpu.memory_space<semaphore_mem>>)
        %dma_wait3A = arith.constant 0 : i32
        %dma_wait3A_106 = tpu.memref_slice %arg9[%mul3A_6, %dma_wait3A] : memref<100000x16xf32, #tpu.memory_space<vmem_shared>> -> memref<6256x16xf32, #tpu.memory_space<vmem_shared>>
        %dma_wait3A_107 = arith.constant 0 : i32
        %dma_wait3A_108 = tpu.memref_slice %arg4[%mul3A_6, %dma_wait3A_107] : memref<100000x16xf32, #tpu.memory_space<hbm>> -> memref<6256x16xf32, #tpu.memory_space<hbm>>
        tpu.wait_dma2 semaphore(%run_scoped3A : memref<!tpu.dma_semaphore, #tpu.memory_space<semaphore_mem>>) src(%dma_wait3A_108 : memref<6256x16xf32, #tpu.memory_space<hbm>>) dst(%dma_wait3A_106 : memref<6256x16xf32, #tpu.memory_space<vmem_shared>>)
        tpu.yield
      }) : () -> ()
      "tpu.region"() ({
        %run_scoped3A = tpu.sem_alloc : memref<!tpu.dma_semaphore, #tpu.memory_space<semaphore_mem>>
        %dma_start3A_102 = tpu.memref_slice %arg10[%mul3A_6] : memref<100000xf32, #tpu.memory_space<vmem_shared>> -> memref<6256xf32, #tpu.memory_space<vmem_shared>>
        %dma_start3A_103 = tpu.memref_slice %arg5[%mul3A_6] : memref<100000xf32, #tpu.memory_space<hbm>> -> memref<6256xf32, #tpu.memory_space<hbm>>
        tpu.enqueue_dma source(%dma_start3A_103 : memref<6256xf32, #tpu.memory_space<hbm>>) target(%dma_start3A_102 : memref<6256xf32, #tpu.memory_space<vmem_shared>>) target_semaphore(%run_scoped3A : memref<!tpu.dma_semaphore, #tpu.memory_space<semaphore_mem>>)
        %dma_wait3A = tpu.memref_slice %arg10[%mul3A_6] : memref<100000xf32, #tpu.memory_space<vmem_shared>> -> memref<6256xf32, #tpu.memory_space<vmem_shared>>
        %dma_wait3A_104 = tpu.memref_slice %arg5[%mul3A_6] : memref<100000xf32, #tpu.memory_space<hbm>> -> memref<6256xf32, #tpu.memory_space<hbm>>
        tpu.wait_dma2 semaphore(%run_scoped3A : memref<!tpu.dma_semaphore, #tpu.memory_space<semaphore_mem>>) src(%dma_wait3A_104 : memref<6256xf32, #tpu.memory_space<hbm>>) dst(%dma_wait3A : memref<6256xf32, #tpu.memory_space<vmem_shared>>)
        tpu.yield
      }) : () -> ()
    } else {
    }
    %ge3A = arith.constant 4 : i32
    %ge3A_9 = arith.cmpi sge, %arg1, %ge3A : i32
    %convert_element_type3A_10 = arith.extui %ge3A_9 : i1 to i32
    %cond3A_11 = arith.constant 0 : i32
    %cond3A_12 = arith.cmpi ne, %convert_element_type3A_10, %cond3A_11 : i32
    scf.if %cond3A_12 {
      "tpu.region"() ({
        %run_scoped3A = tpu.sem_alloc : memref<!tpu.dma_semaphore, #tpu.memory_space<semaphore_mem>>
        %dma_start3A_102 = arith.constant 0 : i32
        %dma_start3A_103 = tpu.memref_slice %arg9[%mul3A_6, %dma_start3A_102] : memref<100000x16xf32, #tpu.memory_space<vmem_shared>> -> memref<6248x16xf32, #tpu.memory_space<vmem_shared>>
        %dma_start3A_104 = arith.constant 0 : i32
        %dma_start3A_105 = tpu.memref_slice %arg4[%mul3A_6, %dma_start3A_104] : memref<100000x16xf32, #tpu.memory_space<hbm>> -> memref<6248x16xf32, #tpu.memory_space<hbm>>
        tpu.enqueue_dma source(%dma_start3A_105 : memref<6248x16xf32, #tpu.memory_space<hbm>>) target(%dma_start3A_103 : memref<6248x16xf32, #tpu.memory_space<vmem_shared>>) target_semaphore(%run_scoped3A : memref<!tpu.dma_semaphore, #tpu.memory_space<semaphore_mem>>)
        %dma_wait3A = arith.constant 0 : i32
        %dma_wait3A_106 = tpu.memref_slice %arg9[%mul3A_6, %dma_wait3A] : memref<100000x16xf32, #tpu.memory_space<vmem_shared>> -> memref<6248x16xf32, #tpu.memory_space<vmem_shared>>
        %dma_wait3A_107 = arith.constant 0 : i32
        %dma_wait3A_108 = tpu.memref_slice %arg4[%mul3A_6, %dma_wait3A_107] : memref<100000x16xf32, #tpu.memory_space<hbm>> -> memref<6248x16xf32, #tpu.memory_space<hbm>>
        tpu.wait_dma2 semaphore(%run_scoped3A : memref<!tpu.dma_semaphore, #tpu.memory_space<semaphore_mem>>) src(%dma_wait3A_108 : memref<6248x16xf32, #tpu.memory_space<hbm>>) dst(%dma_wait3A_106 : memref<6248x16xf32, #tpu.memory_space<vmem_shared>>)
        tpu.yield
      }) : () -> ()
      "tpu.region"() ({
        %run_scoped3A = tpu.sem_alloc : memref<!tpu.dma_semaphore, #tpu.memory_space<semaphore_mem>>
        %dma_start3A_102 = tpu.memref_slice %arg10[%mul3A_6] : memref<100000xf32, #tpu.memory_space<vmem_shared>> -> memref<6248xf32, #tpu.memory_space<vmem_shared>>
        %dma_start3A_103 = tpu.memref_slice %arg5[%mul3A_6] : memref<100000xf32, #tpu.memory_space<hbm>> -> memref<6248xf32, #tpu.memory_space<hbm>>
        tpu.enqueue_dma source(%dma_start3A_103 : memref<6248xf32, #tpu.memory_space<hbm>>) target(%dma_start3A_102 : memref<6248xf32, #tpu.memory_space<vmem_shared>>) target_semaphore(%run_scoped3A : memref<!tpu.dma_semaphore, #tpu.memory_space<semaphore_mem>>)
        %dma_wait3A = tpu.memref_slice %arg10[%mul3A_6] : memref<100000xf32, #tpu.memory_space<vmem_shared>> -> memref<6248xf32, #tpu.memory_space<vmem_shared>>
        %dma_wait3A_104 = tpu.memref_slice %arg5[%mul3A_6] : memref<100000xf32, #tpu.memory_space<hbm>> -> memref<6248xf32, #tpu.memory_space<hbm>>
        tpu.wait_dma2 semaphore(%run_scoped3A : memref<!tpu.dma_semaphore, #tpu.memory_space<semaphore_mem>>) src(%dma_wait3A_104 : memref<6248xf32, #tpu.memory_space<hbm>>) dst(%dma_wait3A : memref<6248xf32, #tpu.memory_space<vmem_shared>>)
        tpu.yield
      }) : () -> ()
    } else {
    }
    "tpu.region"() ({
      %run_scoped3A = tpu.sem_alloc : memref<!tpu.dma_semaphore, #tpu.memory_space<semaphore_mem>>
      tpu.enqueue_dma source(%arg6 : memref<128xf32, #tpu.memory_space<hbm>>) target(%arg13 : memref<128xf32, #tpu.memory_space<vmem>>) target_semaphore(%run_scoped3A : memref<!tpu.dma_semaphore, #tpu.memory_space<semaphore_mem>>)
      tpu.wait_dma2 semaphore(%run_scoped3A : memref<!tpu.dma_semaphore, #tpu.memory_space<semaphore_mem>>) src(%arg6 : memref<128xf32, #tpu.memory_space<hbm>>) dst(%arg13 : memref<128xf32, #tpu.memory_space<vmem>>)
      tpu.yield
    }) : () -> ()
    %barrier3A = arith.constant 0 : index
    tpu.barrier barrier_id(%barrier3A)
    %mul3A_13 = arith.constant 156 : i32
    %mul3A_14 = arith.muli %add3A, %mul3A_13 : i32
    %min3A_15 = arith.constant 8 : i32
    %min3A_16 = arith.minsi %add3A, %min3A_15 : i32
    %add3A_17 = arith.addi %mul3A_14, %min3A_16 : i32
    %lt3A_18 = arith.constant 8 : i32
    %lt3A_19 = arith.cmpi slt, %add3A, %lt3A_18 : i32
    %convert_element_type3A_20 = arith.extui %lt3A_19 : i1 to i32
    %add3A_21 = arith.constant 156 : i32
    %add3A_22 = arith.addi %add3A_21, %convert_element_type3A_20 : i32
    %add3A_23 = arith.addi %add3A_17, %add3A_22 : i32
    %mul3A_24 = arith.constant 640 : i32
    %mul3A_25 = arith.muli %add3A_17, %mul3A_24 : i32
    %dma_start3A = arith.constant 1 : i32
    %dma_start3A_26 = arith.constant 0 : i32
    %dma_start3A_27 = arith.constant 0 : i32
    %dma_start3A_28 = arith.constant 0 : i32
    %dma_start3A_29 = tpu.memref_slice %arg11[%dma_start3A_26, %dma_start3A_28] : memref<2x640xi32, #tpu.memory_space<vmem>> -> memref<1x640xi32, #tpu.memory_space<vmem>>
    %dma_start3A_30 = tpu.memref_squeeze %dma_start3A_29 : memref<1x640xi32, #tpu.memory_space<vmem>> -> memref<640xi32, #tpu.memory_space<vmem>>
    %dma_start3A_31 = tpu.memref_slice %arg2[%dma_start3A, %mul3A_25] : memref<2x3200000xi32, #tpu.memory_space<hbm>> -> memref<1x640xi32, #tpu.memory_space<hbm>>
    %dma_start3A_32 = tpu.memref_squeeze %dma_start3A_31 : memref<1x640xi32, #tpu.memory_space<hbm>> -> memref<640xi32, #tpu.memory_space<hbm>>
    %dma_start3A_33 = tpu.memref_slice %arg14[%dma_start3A_27] : memref<2x!tpu.dma_semaphore, #tpu.memory_space<semaphore_mem>> -> memref<1x!tpu.dma_semaphore, #tpu.memory_space<semaphore_mem>>
    %dma_start3A_34 = tpu.memref_squeeze %dma_start3A_33 : memref<1x!tpu.dma_semaphore, #tpu.memory_space<semaphore_mem>> -> memref<!tpu.dma_semaphore, #tpu.memory_space<semaphore_mem>>
    %dma_start3A_35 = arith.constant 0 : i32
    %dma_start3A_36 = tpu.memref_slice %arg11[%dma_start3A_26, %dma_start3A_35] : memref<2x640xi32, #tpu.memory_space<vmem>> -> memref<1x640xi32, #tpu.memory_space<vmem>>
    %dma_start3A_37 = tpu.memref_squeeze %dma_start3A_36 : memref<1x640xi32, #tpu.memory_space<vmem>> -> memref<640xi32, #tpu.memory_space<vmem>>
    %dma_start3A_38 = tpu.memref_slice %arg2[%dma_start3A, %mul3A_25] : memref<2x3200000xi32, #tpu.memory_space<hbm>> -> memref<1x640xi32, #tpu.memory_space<hbm>>
    %dma_start3A_39 = tpu.memref_squeeze %dma_start3A_38 : memref<1x640xi32, #tpu.memory_space<hbm>> -> memref<640xi32, #tpu.memory_space<hbm>>
    tpu.enqueue_dma source(%dma_start3A_39 : memref<640xi32, #tpu.memory_space<hbm>>) target(%dma_start3A_37 : memref<640xi32, #tpu.memory_space<vmem>>) target_semaphore(%dma_start3A_34 : memref<!tpu.dma_semaphore, #tpu.memory_space<semaphore_mem>>)
    %mul3A_40 = arith.constant 640 : i32
    %mul3A_41 = arith.muli %add3A_17, %mul3A_40 : i32
    %dma_start3A_42 = arith.constant 0 : i32
    %dma_start3A_43 = arith.constant 0 : i32
    %dma_start3A_44 = arith.constant 0 : i32
    %dma_start3A_45 = arith.constant 0 : i32
    %dma_start3A_46 = tpu.memref_slice %arg12[%dma_start3A_42, %dma_start3A_44, %dma_start3A_45] : memref<2x640x16xf32, #tpu.memory_space<vmem>> -> memref<1x640x16xf32, #tpu.memory_space<vmem>>
    %dma_start3A_47 = tpu.memref_squeeze %dma_start3A_46 : memref<1x640x16xf32, #tpu.memory_space<vmem>> -> memref<640x16xf32, #tpu.memory_space<vmem>>
    %dma_start3A_48 = arith.constant 0 : i32
    %dma_start3A_49 = tpu.memref_slice %arg3[%mul3A_41, %dma_start3A_48] : memref<3200000x16xf32, #tpu.memory_space<hbm>> -> memref<640x16xf32, #tpu.memory_space<hbm>>
    %dma_start3A_50 = tpu.memref_slice %arg14[%dma_start3A_43] : memref<2x!tpu.dma_semaphore, #tpu.memory_space<semaphore_mem>> -> memref<1x!tpu.dma_semaphore, #tpu.memory_space<semaphore_mem>>
    %dma_start3A_51 = tpu.memref_squeeze %dma_start3A_50 : memref<1x!tpu.dma_semaphore, #tpu.memory_space<semaphore_mem>> -> memref<!tpu.dma_semaphore, #tpu.memory_space<semaphore_mem>>
    %dma_start3A_52 = arith.constant 0 : i32
    %dma_start3A_53 = arith.constant 0 : i32
    %dma_start3A_54 = tpu.memref_slice %arg12[%dma_start3A_42, %dma_start3A_52, %dma_start3A_53] : memref<2x640x16xf32, #tpu.memory_space<vmem>> -> memref<1x640x16xf32, #tpu.memory_space<vmem>>
    %dma_start3A_55 = tpu.memref_squeeze %dma_start3A_54 : memref<1x640x16xf32, #tpu.memory_space<vmem>> -> memref<640x16xf32, #tpu.memory_space<vmem>>
    %dma_start3A_56 = arith.constant 0 : i32
    %dma_start3A_57 = tpu.memref_slice %arg3[%mul3A_41, %dma_start3A_56] : memref<3200000x16xf32, #tpu.memory_space<hbm>> -> memref<640x16xf32, #tpu.memory_space<hbm>>
    tpu.enqueue_dma source(%dma_start3A_57 : memref<640x16xf32, #tpu.memory_space<hbm>>) target(%dma_start3A_55 : memref<640x16xf32, #tpu.memory_space<vmem>>) target_semaphore(%dma_start3A_51 : memref<!tpu.dma_semaphore, #tpu.memory_space<semaphore_mem>>)
    %add3A_58 = arith.constant 1 : i32
    %add3A_59 = arith.addi %add3A_17, %add3A_58 : i32
    %lt3A_60 = arith.cmpi slt, %add3A_59, %add3A_23 : i32
    %convert_element_type3A_61 = arith.extui %lt3A_60 : i1 to i32
    %cond3A_62 = arith.constant 0 : i32
    %cond3A_63 = arith.cmpi ne, %convert_element_type3A_61, %cond3A_62 : i32
    scf.if %cond3A_63 {
      %add3A_102 = arith.constant 1 : i32
      %add3A_103 = arith.addi %add3A_17, %add3A_102 : i32
      %mul3A_104 = arith.constant 640 : i32
      %mul3A_105 = arith.muli %add3A_103, %mul3A_104 : i32
      %dma_start3A_106 = arith.constant 1 : i32
      %dma_start3A_107 = arith.constant 1 : i32
      %dma_start3A_108 = arith.constant 1 : i32
      %dma_start3A_109 = arith.constant 0 : i32
      %dma_start3A_110 = tpu.memref_slice %arg11[%dma_start3A_107, %dma_start3A_109] : memref<2x640xi32, #tpu.memory_space<vmem>> -> memref<1x640xi32, #tpu.memory_space<vmem>>
      %dma_start3A_111 = tpu.memref_squeeze %dma_start3A_110 : memref<1x640xi32, #tpu.memory_space<vmem>> -> memref<640xi32, #tpu.memory_space<vmem>>
      %dma_start3A_112 = tpu.memref_slice %arg2[%dma_start3A_106, %mul3A_105] : memref<2x3200000xi32, #tpu.memory_space<hbm>> -> memref<1x640xi32, #tpu.memory_space<hbm>>
      %dma_start3A_113 = tpu.memref_squeeze %dma_start3A_112 : memref<1x640xi32, #tpu.memory_space<hbm>> -> memref<640xi32, #tpu.memory_space<hbm>>
      %dma_start3A_114 = tpu.memref_slice %arg14[%dma_start3A_108] : memref<2x!tpu.dma_semaphore, #tpu.memory_space<semaphore_mem>> -> memref<1x!tpu.dma_semaphore, #tpu.memory_space<semaphore_mem>>
      %dma_start3A_115 = tpu.memref_squeeze %dma_start3A_114 : memref<1x!tpu.dma_semaphore, #tpu.memory_space<semaphore_mem>> -> memref<!tpu.dma_semaphore, #tpu.memory_space<semaphore_mem>>
      %dma_start3A_116 = arith.constant 0 : i32
      %dma_start3A_117 = tpu.memref_slice %arg11[%dma_start3A_107, %dma_start3A_116] : memref<2x640xi32, #tpu.memory_space<vmem>> -> memref<1x640xi32, #tpu.memory_space<vmem>>
      %dma_start3A_118 = tpu.memref_squeeze %dma_start3A_117 : memref<1x640xi32, #tpu.memory_space<vmem>> -> memref<640xi32, #tpu.memory_space<vmem>>
      %dma_start3A_119 = tpu.memref_slice %arg2[%dma_start3A_106, %mul3A_105] : memref<2x3200000xi32, #tpu.memory_space<hbm>> -> memref<1x640xi32, #tpu.memory_space<hbm>>
      %dma_start3A_120 = tpu.memref_squeeze %dma_start3A_119 : memref<1x640xi32, #tpu.memory_space<hbm>> -> memref<640xi32, #tpu.memory_space<hbm>>
      tpu.enqueue_dma source(%dma_start3A_120 : memref<640xi32, #tpu.memory_space<hbm>>) target(%dma_start3A_118 : memref<640xi32, #tpu.memory_space<vmem>>) target_semaphore(%dma_start3A_115 : memref<!tpu.dma_semaphore, #tpu.memory_space<semaphore_mem>>)
      %mul3A_121 = arith.constant 640 : i32
      %mul3A_122 = arith.muli %add3A_103, %mul3A_121 : i32
      %dma_start3A_123 = arith.constant 1 : i32
      %dma_start3A_124 = arith.constant 1 : i32
      %dma_start3A_125 = arith.constant 0 : i32
      %dma_start3A_126 = arith.constant 0 : i32
      %dma_start3A_127 = tpu.memref_slice %arg12[%dma_start3A_123, %dma_start3A_125, %dma_start3A_126] : memref<2x640x16xf32, #tpu.memory_space<vmem>> -> memref<1x640x16xf32, #tpu.memory_space<vmem>>
      %dma_start3A_128 = tpu.memref_squeeze %dma_start3A_127 : memref<1x640x16xf32, #tpu.memory_space<vmem>> -> memref<640x16xf32, #tpu.memory_space<vmem>>
      %dma_start3A_129 = arith.constant 0 : i32
      %dma_start3A_130 = tpu.memref_slice %arg3[%mul3A_122, %dma_start3A_129] : memref<3200000x16xf32, #tpu.memory_space<hbm>> -> memref<640x16xf32, #tpu.memory_space<hbm>>
      %dma_start3A_131 = tpu.memref_slice %arg14[%dma_start3A_124] : memref<2x!tpu.dma_semaphore, #tpu.memory_space<semaphore_mem>> -> memref<1x!tpu.dma_semaphore, #tpu.memory_space<semaphore_mem>>
      %dma_start3A_132 = tpu.memref_squeeze %dma_start3A_131 : memref<1x!tpu.dma_semaphore, #tpu.memory_space<semaphore_mem>> -> memref<!tpu.dma_semaphore, #tpu.memory_space<semaphore_mem>>
      %dma_start3A_133 = arith.constant 0 : i32
      %dma_start3A_134 = arith.constant 0 : i32
      %dma_start3A_135 = tpu.memref_slice %arg12[%dma_start3A_123, %dma_start3A_133, %dma_start3A_134] : memref<2x640x16xf32, #tpu.memory_space<vmem>> -> memref<1x640x16xf32, #tpu.memory_space<vmem>>
      %dma_start3A_136 = tpu.memref_squeeze %dma_start3A_135 : memref<1x640x16xf32, #tpu.memory_space<vmem>> -> memref<640x16xf32, #tpu.memory_space<vmem>>
      %dma_start3A_137 = arith.constant 0 : i32
      %dma_start3A_138 = tpu.memref_slice %arg3[%mul3A_122, %dma_start3A_137] : memref<3200000x16xf32, #tpu.memory_space<hbm>> -> memref<640x16xf32, #tpu.memory_space<hbm>>
      tpu.enqueue_dma source(%dma_start3A_138 : memref<640x16xf32, #tpu.memory_space<hbm>>) target(%dma_start3A_136 : memref<640x16xf32, #tpu.memory_space<vmem>>) target_semaphore(%dma_start3A_132 : memref<!tpu.dma_semaphore, #tpu.memory_space<semaphore_mem>>)
    } else {
    }
    %add3A_64 = arith.constant 1 : i32
    %add3A_65 = arith.addi %add3A_22, %add3A_64 : i32
    %jit3A = arith.constant 2 : i32
    %div3A = arith.divsi %add3A_65, %jit3A : i32
    %sign3A = arith.constant 0 : i32
    %sign3A_66 = arith.cmpi sgt, %add3A_65, %sign3A : i32
    %sign3A_67 = arith.extui %sign3A_66 : i1 to i32
    %sign3A_68 = arith.constant 0 : i32
    %sign3A_69 = arith.cmpi slt, %add3A_65, %sign3A_68 : i32
    %sign3A_70 = arith.extui %sign3A_69 : i1 to i32
    %sign3A_71 = arith.subi %sign3A_67, %sign3A_70 : i32
    %sign3A_72 = arith.constant 0 : i32
    %sign3A_73 = arith.cmpi sgt, %jit3A, %sign3A_72 : i32
    %sign3A_74 = arith.extui %sign3A_73 : i1 to i32
    %sign3A_75 = arith.constant 0 : i32
    %sign3A_76 = arith.cmpi slt, %jit3A, %sign3A_75 : i32
    %sign3A_77 = arith.extui %sign3A_76 : i1 to i32
    %sign3A_78 = arith.subi %sign3A_74, %sign3A_77 : i32
    %ne3A = arith.cmpi ne, %sign3A_71, %sign3A_78 : i32
    %rem3A = arith.remsi %add3A_65, %jit3A : i32
    %ne3A_79 = arith.constant 0 : i32
    %ne3A_80 = arith.cmpi ne, %rem3A, %ne3A_79 : i32
    %and3A = arith.andi %ne3A, %ne3A_80 : i1
    %sub3A = arith.constant 1 : i32
    %sub3A_81 = arith.subi %div3A, %sub3A : i32
    %select_n3A = arith.select %and3A, %sub3A_81, %div3A : i32
    %while3A = arith.constant 0 : i32
    %while3A_82 = arith.constant 0 : i32
    %while3A_83 = arith.subi %select_n3A, %while3A_82 : i32
    %while3A_84 = arith.addi %while3A_82, %while3A_83 : i32
    %while3A_85 = arith.constant 1 : i32
    %while3A_86 = arith.divsi %while3A_83, %while3A_85 : i32
    %while3A_87 = arith.muli %while3A_86, %while3A_85 : i32
    %while3A_88 = arith.addi %while3A_82, %while3A_87 : i32
    %while3A_89 = arith.constant 1 : i32
    scf.for %while3A_102 = %while3A_82 to %while3A_88 step %while3A_89  : i32 {
      %mul3A_103 = arith.constant 2 : i32
      %mul3A_104 = arith.muli %mul3A_103, %while3A_102 : i32
      %add3A_105 = arith.addi %add3A_17, %mul3A_104 : i32
      %add3A_106 = arith.constant 2 : i32
      %add3A_107 = arith.addi %add3A_105, %add3A_106 : i32
      %dma_wait3A = arith.constant 1 : i32
      %dma_wait3A_108 = arith.constant 0 : i32
      %dma_wait3A_109 = arith.constant 0 : i32
      %dma_wait3A_110 = arith.constant 0 : i32
      %dma_wait3A_111 = tpu.memref_slice %arg11[%dma_wait3A_108, %dma_wait3A_110] : memref<2x640xi32, #tpu.memory_space<vmem>> -> memref<1x640xi32, #tpu.memory_space<vmem>>
      %dma_wait3A_112 = tpu.memref_squeeze %dma_wait3A_111 : memref<1x640xi32, #tpu.memory_space<vmem>> -> memref<640xi32, #tpu.memory_space<vmem>>
      %dma_wait3A_113 = arith.constant 0 : i32
      %dma_wait3A_114 = tpu.memref_slice %arg2[%dma_wait3A, %dma_wait3A_113] : memref<2x3200000xi32, #tpu.memory_space<hbm>> -> memref<1x640xi32, #tpu.memory_space<hbm>>
      %dma_wait3A_115 = tpu.memref_squeeze %dma_wait3A_114 : memref<1x640xi32, #tpu.memory_space<hbm>> -> memref<640xi32, #tpu.memory_space<hbm>>
      %dma_wait3A_116 = tpu.memref_slice %arg14[%dma_wait3A_109] : memref<2x!tpu.dma_semaphore, #tpu.memory_space<semaphore_mem>> -> memref<1x!tpu.dma_semaphore, #tpu.memory_space<semaphore_mem>>
      %dma_wait3A_117 = tpu.memref_squeeze %dma_wait3A_116 : memref<1x!tpu.dma_semaphore, #tpu.memory_space<semaphore_mem>> -> memref<!tpu.dma_semaphore, #tpu.memory_space<semaphore_mem>>
      %dma_wait3A_118 = arith.constant 0 : i32
      %dma_wait3A_119 = tpu.memref_slice %arg11[%dma_wait3A_108, %dma_wait3A_118] : memref<2x640xi32, #tpu.memory_space<vmem>> -> memref<1x640xi32, #tpu.memory_space<vmem>>
      %dma_wait3A_120 = tpu.memref_squeeze %dma_wait3A_119 : memref<1x640xi32, #tpu.memory_space<vmem>> -> memref<640xi32, #tpu.memory_space<vmem>>
      %dma_wait3A_121 = arith.constant 0 : i32
      %dma_wait3A_122 = tpu.memref_slice %arg2[%dma_wait3A, %dma_wait3A_121] : memref<2x3200000xi32, #tpu.memory_space<hbm>> -> memref<1x640xi32, #tpu.memory_space<hbm>>
      %dma_wait3A_123 = tpu.memref_squeeze %dma_wait3A_122 : memref<1x640xi32, #tpu.memory_space<hbm>> -> memref<640xi32, #tpu.memory_space<hbm>>
      tpu.wait_dma2 semaphore(%dma_wait3A_117 : memref<!tpu.dma_semaphore, #tpu.memory_space<semaphore_mem>>) src(%dma_wait3A_123 : memref<640xi32, #tpu.memory_space<hbm>>) dst(%dma_wait3A_120 : memref<640xi32, #tpu.memory_space<vmem>>)
      %dma_wait3A_124 = arith.constant 0 : i32
      %dma_wait3A_125 = arith.constant 0 : i32
      %dma_wait3A_126 = arith.constant 0 : i32
      %dma_wait3A_127 = arith.constant 0 : i32
      %dma_wait3A_128 = tpu.memref_slice %arg12[%dma_wait3A_124, %dma_wait3A_126, %dma_wait3A_127] : memref<2x640x16xf32, #tpu.memory_space<vmem>> -> memref<1x640x16xf32, #tpu.memory_space<vmem>>
      %dma_wait3A_129 = tpu.memref_squeeze %dma_wait3A_128 : memref<1x640x16xf32, #tpu.memory_space<vmem>> -> memref<640x16xf32, #tpu.memory_space<vmem>>
      %dma_wait3A_130 = arith.constant 0 : i32
      %dma_wait3A_131 = arith.constant 0 : i32
      %dma_wait3A_132 = tpu.memref_slice %arg3[%dma_wait3A_130, %dma_wait3A_131] : memref<3200000x16xf32, #tpu.memory_space<hbm>> -> memref<640x16xf32, #tpu.memory_space<hbm>>
      %dma_wait3A_133 = tpu.memref_slice %arg14[%dma_wait3A_125] : memref<2x!tpu.dma_semaphore, #tpu.memory_space<semaphore_mem>> -> memref<1x!tpu.dma_semaphore, #tpu.memory_space<semaphore_mem>>
      %dma_wait3A_134 = tpu.memref_squeeze %dma_wait3A_133 : memref<1x!tpu.dma_semaphore, #tpu.memory_space<semaphore_mem>> -> memref<!tpu.dma_semaphore, #tpu.memory_space<semaphore_mem>>
      %dma_wait3A_135 = arith.constant 0 : i32
      %dma_wait3A_136 = arith.constant 0 : i32
      %dma_wait3A_137 = tpu.memref_slice %arg12[%dma_wait3A_124, %dma_wait3A_135, %dma_wait3A_136] : memref<2x640x16xf32, #tpu.memory_space<vmem>> -> memref<1x640x16xf32, #tpu.memory_space<vmem>>
      %dma_wait3A_138 = tpu.memref_squeeze %dma_wait3A_137 : memref<1x640x16xf32, #tpu.memory_space<vmem>> -> memref<640x16xf32, #tpu.memory_space<vmem>>
      %dma_wait3A_139 = arith.constant 0 : i32
      %dma_wait3A_140 = arith.constant 0 : i32
      %dma_wait3A_141 = tpu.memref_slice %arg3[%dma_wait3A_139, %dma_wait3A_140] : memref<3200000x16xf32, #tpu.memory_space<hbm>> -> memref<640x16xf32, #tpu.memory_space<hbm>>
      tpu.wait_dma2 semaphore(%dma_wait3A_134 : memref<!tpu.dma_semaphore, #tpu.memory_space<semaphore_mem>>) src(%dma_wait3A_141 : memref<640x16xf32, #tpu.memory_space<hbm>>) dst(%dma_wait3A_138 : memref<640x16xf32, #tpu.memory_space<vmem>>)
      %dma_start3A_142 = arith.constant 0 : i32
      %dma_start3A_143 = arith.constant 0 : i32
      %dma_start3A_144 = arith.constant 0 : i32
      %dma_start3A_145 = arith.constant 0 : i32
      %dma_start3A_146 = arith.constant 0 : i32
      %dma_start3A_147 = tpu.memref_slice %arg12[%dma_start3A_142, %dma_start3A_145, %dma_start3A_146] : memref<2x640x16xf32, #tpu.memory_space<vmem>> -> memref<1x128x16xf32, #tpu.memory_space<vmem>>
      %dma_start3A_148 = tpu.memref_squeeze %dma_start3A_147 : memref<1x128x16xf32, #tpu.memory_space<vmem>> -> memref<128x16xf32, #tpu.memory_space<vmem>>
      %dma_start3A_149 = arith.constant 0 : i32
      %dma_start3A_150 = tpu.memref_slice %arg11[%dma_start3A_143, %dma_start3A_149] : memref<2x640xi32, #tpu.memory_space<vmem>> -> memref<1x128xi32, #tpu.memory_space<vmem>>
      %dma_start3A_151 = tpu.memref_squeeze %dma_start3A_150 : memref<1x128xi32, #tpu.memory_space<vmem>> -> memref<128xi32, #tpu.memory_space<vmem>>
      %dma_start3A_152 = arith.constant 0 : i32
      %dma_start3A_153 = arith.constant 0 : i32
      %dma_start3A_154 = tpu.memref_slice %arg9[%dma_start3A_152, %dma_start3A_153] : memref<100000x16xf32, #tpu.memory_space<vmem_shared>> -> memref<100000x16xf32, #tpu.memory_space<vmem_shared>>
      %dma_start3A_155 = tpu.memref_slice %arg15[%dma_start3A_144] : memref<2x!tpu.dma_semaphore, #tpu.memory_space<semaphore_mem>> -> memref<1x!tpu.dma_semaphore, #tpu.memory_space<semaphore_mem>>
      %dma_start3A_156 = tpu.memref_squeeze %dma_start3A_155 : memref<1x!tpu.dma_semaphore, #tpu.memory_space<semaphore_mem>> -> memref<!tpu.dma_semaphore, #tpu.memory_space<semaphore_mem>>
      tpu.enqueue_indirect_dma source(%dma_start3A_148 : memref<128x16xf32, #tpu.memory_space<vmem>>) target(%dma_start3A_154 : memref<100000x16xf32, #tpu.memory_space<vmem_shared>>) offsets(%dma_start3A_151 : memref<128xi32, #tpu.memory_space<vmem>>) semaphore(%dma_start3A_156 : memref<!tpu.dma_semaphore, #tpu.memory_space<semaphore_mem>>) {add = true}
      %dma_start3A_157 = arith.constant 0 : i32
      %dma_start3A_158 = arith.constant 0 : i32
      %dma_start3A_159 = arith.constant 0 : i32
      %dma_start3A_160 = tpu.memref_slice %arg11[%dma_start3A_157, %dma_start3A_159] : memref<2x640xi32, #tpu.memory_space<vmem>> -> memref<1x128xi32, #tpu.memory_space<vmem>>
      %dma_start3A_161 = tpu.memref_squeeze %dma_start3A_160 : memref<1x128xi32, #tpu.memory_space<vmem>> -> memref<128xi32, #tpu.memory_space<vmem>>
      %dma_start3A_162 = arith.constant 0 : i32
      %dma_start3A_163 = tpu.memref_slice %arg10[%dma_start3A_162] : memref<100000xf32, #tpu.memory_space<vmem_shared>> -> memref<100000xf32, #tpu.memory_space<vmem_shared>>
      %dma_start3A_164 = tpu.memref_slice %arg15[%dma_start3A_158] : memref<2x!tpu.dma_semaphore, #tpu.memory_space<semaphore_mem>> -> memref<1x!tpu.dma_semaphore, #tpu.memory_space<semaphore_mem>>
      %dma_start3A_165 = tpu.memref_squeeze %dma_start3A_164 : memref<1x!tpu.dma_semaphore, #tpu.memory_space<semaphore_mem>> -> memref<!tpu.dma_semaphore, #tpu.memory_space<semaphore_mem>>
      tpu.enqueue_indirect_dma source(%arg13 : memref<128xf32, #tpu.memory_space<vmem>>) target(%dma_start3A_163 : memref<100000xf32, #tpu.memory_space<vmem_shared>>) offsets(%dma_start3A_161 : memref<128xi32, #tpu.memory_space<vmem>>) semaphore(%dma_start3A_165 : memref<!tpu.dma_semaphore, #tpu.memory_space<semaphore_mem>>) {add = true}
      %dma_start3A_166 = arith.constant 0 : i32
      %dma_start3A_167 = arith.constant 0 : i32
      %dma_start3A_168 = arith.constant 0 : i32
      %dma_start3A_169 = arith.constant 128 : i32
      %dma_start3A_170 = arith.constant 0 : i32
      %dma_start3A_171 = tpu.memref_slice %arg12[%dma_start3A_166, %dma_start3A_169, %dma_start3A_170] : memref<2x640x16xf32, #tpu.memory_space<vmem>> -> memref<1x128x16xf32, #tpu.memory_space<vmem>>
      %dma_start3A_172 = tpu.memref_squeeze %dma_start3A_171 : memref<1x128x16xf32, #tpu.memory_space<vmem>> -> memref<128x16xf32, #tpu.memory_space<vmem>>
      %dma_start3A_173 = arith.constant 128 : i32
      %dma_start3A_174 = tpu.memref_slice %arg11[%dma_start3A_167, %dma_start3A_173] : memref<2x640xi32, #tpu.memory_space<vmem>> -> memref<1x128xi32, #tpu.memory_space<vmem>>
      %dma_start3A_175 = tpu.memref_squeeze %dma_start3A_174 : memref<1x128xi32, #tpu.memory_space<vmem>> -> memref<128xi32, #tpu.memory_space<vmem>>
      %dma_start3A_176 = arith.constant 0 : i32
      %dma_start3A_177 = arith.constant 0 : i32
      %dma_start3A_178 = tpu.memref_slice %arg9[%dma_start3A_176, %dma_start3A_177] : memref<100000x16xf32, #tpu.memory_space<vmem_shared>> -> memref<100000x16xf32, #tpu.memory_space<vmem_shared>>
      %dma_start3A_179 = tpu.memref_slice %arg15[%dma_start3A_168] : memref<2x!tpu.dma_semaphore, #tpu.memory_space<semaphore_mem>> -> memref<1x!tpu.dma_semaphore, #tpu.memory_space<semaphore_mem>>
      %dma_start3A_180 = tpu.memref_squeeze %dma_start3A_179 : memref<1x!tpu.dma_semaphore, #tpu.memory_space<semaphore_mem>> -> memref<!tpu.dma_semaphore, #tpu.memory_space<semaphore_mem>>
      tpu.enqueue_indirect_dma source(%dma_start3A_172 : memref<128x16xf32, #tpu.memory_space<vmem>>) target(%dma_start3A_178 : memref<100000x16xf32, #tpu.memory_space<vmem_shared>>) offsets(%dma_start3A_175 : memref<128xi32, #tpu.memory_space<vmem>>) semaphore(%dma_start3A_180 : memref<!tpu.dma_semaphore, #tpu.memory_space<semaphore_mem>>) {add = true}
      %dma_start3A_181 = arith.constant 0 : i32
      %dma_start3A_182 = arith.constant 0 : i32
      %dma_start3A_183 = arith.constant 128 : i32
      %dma_start3A_184 = tpu.memref_slice %arg11[%dma_start3A_181, %dma_start3A_183] : memref<2x640xi32, #tpu.memory_space<vmem>> -> memref<1x128xi32, #tpu.memory_space<vmem>>
      %dma_start3A_185 = tpu.memref_squeeze %dma_start3A_184 : memref<1x128xi32, #tpu.memory_space<vmem>> -> memref<128xi32, #tpu.memory_space<vmem>>
      %dma_start3A_186 = arith.constant 0 : i32
      %dma_start3A_187 = tpu.memref_slice %arg10[%dma_start3A_186] : memref<100000xf32, #tpu.memory_space<vmem_shared>> -> memref<100000xf32, #tpu.memory_space<vmem_shared>>
      %dma_start3A_188 = tpu.memref_slice %arg15[%dma_start3A_182] : memref<2x!tpu.dma_semaphore, #tpu.memory_space<semaphore_mem>> -> memref<1x!tpu.dma_semaphore, #tpu.memory_space<semaphore_mem>>
      %dma_start3A_189 = tpu.memref_squeeze %dma_start3A_188 : memref<1x!tpu.dma_semaphore, #tpu.memory_space<semaphore_mem>> -> memref<!tpu.dma_semaphore, #tpu.memory_space<semaphore_mem>>
      tpu.enqueue_indirect_dma source(%arg13 : memref<128xf32, #tpu.memory_space<vmem>>) target(%dma_start3A_187 : memref<100000xf32, #tpu.memory_space<vmem_shared>>) offsets(%dma_start3A_185 : memref<128xi32, #tpu.memory_space<vmem>>) semaphore(%dma_start3A_189 : memref<!tpu.dma_semaphore, #tpu.memory_space<semaphore_mem>>) {add = true}
      %dma_start3A_190 = arith.constant 0 : i32
      %dma_start3A_191 = arith.constant 0 : i32
      %dma_start3A_192 = arith.constant 0 : i32
      %dma_start3A_193 = arith.constant 256 : i32
      %dma_start3A_194 = arith.constant 0 : i32
      %dma_start3A_195 = tpu.memref_slice %arg12[%dma_start3A_190, %dma_start3A_193, %dma_start3A_194] : memref<2x640x16xf32, #tpu.memory_space<vmem>> -> memref<1x128x16xf32, #tpu.memory_space<vmem>>
      %dma_start3A_196 = tpu.memref_squeeze %dma_start3A_195 : memref<1x128x16xf32, #tpu.memory_space<vmem>> -> memref<128x16xf32, #tpu.memory_space<vmem>>
      %dma_start3A_197 = arith.constant 256 : i32
      %dma_start3A_198 = tpu.memref_slice %arg11[%dma_start3A_191, %dma_start3A_197] : memref<2x640xi32, #tpu.memory_space<vmem>> -> memref<1x128xi32, #tpu.memory_space<vmem>>
      %dma_start3A_199 = tpu.memref_squeeze %dma_start3A_198 : memref<1x128xi32, #tpu.memory_space<vmem>> -> memref<128xi32, #tpu.memory_space<vmem>>
      %dma_start3A_200 = arith.constant 0 : i32
      %dma_start3A_201 = arith.constant 0 : i32
      %dma_start3A_202 = tpu.memref_slice %arg9[%dma_start3A_200, %dma_start3A_201] : memref<100000x16xf32, #tpu.memory_space<vmem_shared>> -> memref<100000x16xf32, #tpu.memory_space<vmem_shared>>
      %dma_start3A_203 = tpu.memref_slice %arg15[%dma_start3A_192] : memref<2x!tpu.dma_semaphore, #tpu.memory_space<semaphore_mem>> -> memref<1x!tpu.dma_semaphore, #tpu.memory_space<semaphore_mem>>
      %dma_start3A_204 = tpu.memref_squeeze %dma_start3A_203 : memref<1x!tpu.dma_semaphore, #tpu.memory_space<semaphore_mem>> -> memref<!tpu.dma_semaphore, #tpu.memory_space<semaphore_mem>>
      tpu.enqueue_indirect_dma source(%dma_start3A_196 : memref<128x16xf32, #tpu.memory_space<vmem>>) target(%dma_start3A_202 : memref<100000x16xf32, #tpu.memory_space<vmem_shared>>) offsets(%dma_start3A_199 : memref<128xi32, #tpu.memory_space<vmem>>) semaphore(%dma_start3A_204 : memref<!tpu.dma_semaphore, #tpu.memory_space<semaphore_mem>>) {add = true}
      %dma_start3A_205 = arith.constant 0 : i32
      %dma_start3A_206 = arith.constant 0 : i32
      %dma_start3A_207 = arith.constant 256 : i32
      %dma_start3A_208 = tpu.memref_slice %arg11[%dma_start3A_205, %dma_start3A_207] : memref<2x640xi32, #tpu.memory_space<vmem>> -> memref<1x128xi32, #tpu.memory_space<vmem>>
      %dma_start3A_209 = tpu.memref_squeeze %dma_start3A_208 : memref<1x128xi32, #tpu.memory_space<vmem>> -> memref<128xi32, #tpu.memory_space<vmem>>
      %dma_start3A_210 = arith.constant 0 : i32
      %dma_start3A_211 = tpu.memref_slice %arg10[%dma_start3A_210] : memref<100000xf32, #tpu.memory_space<vmem_shared>> -> memref<100000xf32, #tpu.memory_space<vmem_shared>>
      %dma_start3A_212 = tpu.memref_slice %arg15[%dma_start3A_206] : memref<2x!tpu.dma_semaphore, #tpu.memory_space<semaphore_mem>> -> memref<1x!tpu.dma_semaphore, #tpu.memory_space<semaphore_mem>>
      %dma_start3A_213 = tpu.memref_squeeze %dma_start3A_212 : memref<1x!tpu.dma_semaphore, #tpu.memory_space<semaphore_mem>> -> memref<!tpu.dma_semaphore, #tpu.memory_space<semaphore_mem>>
      tpu.enqueue_indirect_dma source(%arg13 : memref<128xf32, #tpu.memory_space<vmem>>) target(%dma_start3A_211 : memref<100000xf32, #tpu.memory_space<vmem_shared>>) offsets(%dma_start3A_209 : memref<128xi32, #tpu.memory_space<vmem>>) semaphore(%dma_start3A_213 : memref<!tpu.dma_semaphore, #tpu.memory_space<semaphore_mem>>) {add = true}
      %dma_start3A_214 = arith.constant 0 : i32
      %dma_start3A_215 = arith.constant 0 : i32
      %dma_start3A_216 = arith.constant 0 : i32
      %dma_start3A_217 = arith.constant 384 : i32
      %dma_start3A_218 = arith.constant 0 : i32
      %dma_start3A_219 = tpu.memref_slice %arg12[%dma_start3A_214, %dma_start3A_217, %dma_start3A_218] : memref<2x640x16xf32, #tpu.memory_space<vmem>> -> memref<1x128x16xf32, #tpu.memory_space<vmem>>
      %dma_start3A_220 = tpu.memref_squeeze %dma_start3A_219 : memref<1x128x16xf32, #tpu.memory_space<vmem>> -> memref<128x16xf32, #tpu.memory_space<vmem>>
      %dma_start3A_221 = arith.constant 384 : i32
      %dma_start3A_222 = tpu.memref_slice %arg11[%dma_start3A_215, %dma_start3A_221] : memref<2x640xi32, #tpu.memory_space<vmem>> -> memref<1x128xi32, #tpu.memory_space<vmem>>
      %dma_start3A_223 = tpu.memref_squeeze %dma_start3A_222 : memref<1x128xi32, #tpu.memory_space<vmem>> -> memref<128xi32, #tpu.memory_space<vmem>>
      %dma_start3A_224 = arith.constant 0 : i32
      %dma_start3A_225 = arith.constant 0 : i32
      %dma_start3A_226 = tpu.memref_slice %arg9[%dma_start3A_224, %dma_start3A_225] : memref<100000x16xf32, #tpu.memory_space<vmem_shared>> -> memref<100000x16xf32, #tpu.memory_space<vmem_shared>>
      %dma_start3A_227 = tpu.memref_slice %arg15[%dma_start3A_216] : memref<2x!tpu.dma_semaphore, #tpu.memory_space<semaphore_mem>> -> memref<1x!tpu.dma_semaphore, #tpu.memory_space<semaphore_mem>>
      %dma_start3A_228 = tpu.memref_squeeze %dma_start3A_227 : memref<1x!tpu.dma_semaphore, #tpu.memory_space<semaphore_mem>> -> memref<!tpu.dma_semaphore, #tpu.memory_space<semaphore_mem>>
      tpu.enqueue_indirect_dma source(%dma_start3A_220 : memref<128x16xf32, #tpu.memory_space<vmem>>) target(%dma_start3A_226 : memref<100000x16xf32, #tpu.memory_space<vmem_shared>>) offsets(%dma_start3A_223 : memref<128xi32, #tpu.memory_space<vmem>>) semaphore(%dma_start3A_228 : memref<!tpu.dma_semaphore, #tpu.memory_space<semaphore_mem>>) {add = true}
      %dma_start3A_229 = arith.constant 0 : i32
      %dma_start3A_230 = arith.constant 0 : i32
      %dma_start3A_231 = arith.constant 384 : i32
      %dma_start3A_232 = tpu.memref_slice %arg11[%dma_start3A_229, %dma_start3A_231] : memref<2x640xi32, #tpu.memory_space<vmem>> -> memref<1x128xi32, #tpu.memory_space<vmem>>
      %dma_start3A_233 = tpu.memref_squeeze %dma_start3A_232 : memref<1x128xi32, #tpu.memory_space<vmem>> -> memref<128xi32, #tpu.memory_space<vmem>>
      %dma_start3A_234 = arith.constant 0 : i32
      %dma_start3A_235 = tpu.memref_slice %arg10[%dma_start3A_234] : memref<100000xf32, #tpu.memory_space<vmem_shared>> -> memref<100000xf32, #tpu.memory_space<vmem_shared>>
      %dma_start3A_236 = tpu.memref_slice %arg15[%dma_start3A_230] : memref<2x!tpu.dma_semaphore, #tpu.memory_space<semaphore_mem>> -> memref<1x!tpu.dma_semaphore, #tpu.memory_space<semaphore_mem>>
      %dma_start3A_237 = tpu.memref_squeeze %dma_start3A_236 : memref<1x!tpu.dma_semaphore, #tpu.memory_space<semaphore_mem>> -> memref<!tpu.dma_semaphore, #tpu.memory_space<semaphore_mem>>
      tpu.enqueue_indirect_dma source(%arg13 : memref<128xf32, #tpu.memory_space<vmem>>) target(%dma_start3A_235 : memref<100000xf32, #tpu.memory_space<vmem_shared>>) offsets(%dma_start3A_233 : memref<128xi32, #tpu.memory_space<vmem>>) semaphore(%dma_start3A_237 : memref<!tpu.dma_semaphore, #tpu.memory_space<semaphore_mem>>) {add = true}
      %dma_start3A_238 = arith.constant 0 : i32
      %dma_start3A_239 = arith.constant 0 : i32
      %dma_start3A_240 = arith.constant 0 : i32
      %dma_start3A_241 = arith.constant 512 : i32
      %dma_start3A_242 = arith.constant 0 : i32
      %dma_start3A_243 = tpu.memref_slice %arg12[%dma_start3A_238, %dma_start3A_241, %dma_start3A_242] : memref<2x640x16xf32, #tpu.memory_space<vmem>> -> memref<1x128x16xf32, #tpu.memory_space<vmem>>
      %dma_start3A_244 = tpu.memref_squeeze %dma_start3A_243 : memref<1x128x16xf32, #tpu.memory_space<vmem>> -> memref<128x16xf32, #tpu.memory_space<vmem>>
      %dma_start3A_245 = arith.constant 512 : i32
      %dma_start3A_246 = tpu.memref_slice %arg11[%dma_start3A_239, %dma_start3A_245] : memref<2x640xi32, #tpu.memory_space<vmem>> -> memref<1x128xi32, #tpu.memory_space<vmem>>
      %dma_start3A_247 = tpu.memref_squeeze %dma_start3A_246 : memref<1x128xi32, #tpu.memory_space<vmem>> -> memref<128xi32, #tpu.memory_space<vmem>>
      %dma_start3A_248 = arith.constant 0 : i32
      %dma_start3A_249 = arith.constant 0 : i32
      %dma_start3A_250 = tpu.memref_slice %arg9[%dma_start3A_248, %dma_start3A_249] : memref<100000x16xf32, #tpu.memory_space<vmem_shared>> -> memref<100000x16xf32, #tpu.memory_space<vmem_shared>>
      %dma_start3A_251 = tpu.memref_slice %arg15[%dma_start3A_240] : memref<2x!tpu.dma_semaphore, #tpu.memory_space<semaphore_mem>> -> memref<1x!tpu.dma_semaphore, #tpu.memory_space<semaphore_mem>>
      %dma_start3A_252 = tpu.memref_squeeze %dma_start3A_251 : memref<1x!tpu.dma_semaphore, #tpu.memory_space<semaphore_mem>> -> memref<!tpu.dma_semaphore, #tpu.memory_space<semaphore_mem>>
      tpu.enqueue_indirect_dma source(%dma_start3A_244 : memref<128x16xf32, #tpu.memory_space<vmem>>) target(%dma_start3A_250 : memref<100000x16xf32, #tpu.memory_space<vmem_shared>>) offsets(%dma_start3A_247 : memref<128xi32, #tpu.memory_space<vmem>>) semaphore(%dma_start3A_252 : memref<!tpu.dma_semaphore, #tpu.memory_space<semaphore_mem>>) {add = true}
      %dma_start3A_253 = arith.constant 0 : i32
      %dma_start3A_254 = arith.constant 0 : i32
      %dma_start3A_255 = arith.constant 512 : i32
      %dma_start3A_256 = tpu.memref_slice %arg11[%dma_start3A_253, %dma_start3A_255] : memref<2x640xi32, #tpu.memory_space<vmem>> -> memref<1x128xi32, #tpu.memory_space<vmem>>
      %dma_start3A_257 = tpu.memref_squeeze %dma_start3A_256 : memref<1x128xi32, #tpu.memory_space<vmem>> -> memref<128xi32, #tpu.memory_space<vmem>>
      %dma_start3A_258 = arith.constant 0 : i32
      %dma_start3A_259 = tpu.memref_slice %arg10[%dma_start3A_258] : memref<100000xf32, #tpu.memory_space<vmem_shared>> -> memref<100000xf32, #tpu.memory_space<vmem_shared>>
      %dma_start3A_260 = tpu.memref_slice %arg15[%dma_start3A_254] : memref<2x!tpu.dma_semaphore, #tpu.memory_space<semaphore_mem>> -> memref<1x!tpu.dma_semaphore, #tpu.memory_space<semaphore_mem>>
      %dma_start3A_261 = tpu.memref_squeeze %dma_start3A_260 : memref<1x!tpu.dma_semaphore, #tpu.memory_space<semaphore_mem>> -> memref<!tpu.dma_semaphore, #tpu.memory_space<semaphore_mem>>
      tpu.enqueue_indirect_dma source(%arg13 : memref<128xf32, #tpu.memory_space<vmem>>) target(%dma_start3A_259 : memref<100000xf32, #tpu.memory_space<vmem_shared>>) offsets(%dma_start3A_257 : memref<128xi32, #tpu.memory_space<vmem>>) semaphore(%dma_start3A_261 : memref<!tpu.dma_semaphore, #tpu.memory_space<semaphore_mem>>) {add = true}
      %dma_wait3A_262 = arith.constant 0 : i32
      %dma_wait3A_263 = arith.constant 0 : i32
      %dma_wait3A_264 = arith.constant 0 : i32
      %dma_wait3A_265 = arith.constant 0 : i32
      %dma_wait3A_266 = arith.constant 0 : i32
      %dma_wait3A_267 = tpu.memref_slice %arg12[%dma_wait3A_262, %dma_wait3A_265, %dma_wait3A_266] : memref<2x640x16xf32, #tpu.memory_space<vmem>> -> memref<1x128x16xf32, #tpu.memory_space<vmem>>
      %dma_wait3A_268 = tpu.memref_squeeze %dma_wait3A_267 : memref<1x128x16xf32, #tpu.memory_space<vmem>> -> memref<128x16xf32, #tpu.memory_space<vmem>>
      %dma_wait3A_269 = arith.constant 0 : i32
      %dma_wait3A_270 = tpu.memref_slice %arg11[%dma_wait3A_263, %dma_wait3A_269] : memref<2x640xi32, #tpu.memory_space<vmem>> -> memref<1x128xi32, #tpu.memory_space<vmem>>
      %dma_wait3A_271 = tpu.memref_squeeze %dma_wait3A_270 : memref<1x128xi32, #tpu.memory_space<vmem>> -> memref<128xi32, #tpu.memory_space<vmem>>
      %dma_wait3A_272 = arith.constant 0 : i32
      %dma_wait3A_273 = arith.constant 0 : i32
      %dma_wait3A_274 = tpu.memref_slice %arg9[%dma_wait3A_272, %dma_wait3A_273] : memref<100000x16xf32, #tpu.memory_space<vmem_shared>> -> memref<100000x16xf32, #tpu.memory_space<vmem_shared>>
      %dma_wait3A_275 = tpu.memref_slice %arg15[%dma_wait3A_264] : memref<2x!tpu.dma_semaphore, #tpu.memory_space<semaphore_mem>> -> memref<1x!tpu.dma_semaphore, #tpu.memory_space<semaphore_mem>>
      %dma_wait3A_276 = tpu.memref_squeeze %dma_wait3A_275 : memref<1x!tpu.dma_semaphore, #tpu.memory_space<semaphore_mem>> -> memref<!tpu.dma_semaphore, #tpu.memory_space<semaphore_mem>>
      tpu.wait_indirect_dma semaphore(%dma_wait3A_276 : memref<!tpu.dma_semaphore, #tpu.memory_space<semaphore_mem>>) src(%dma_wait3A_268 : memref<128x16xf32, #tpu.memory_space<vmem>>) dst(%dma_wait3A_274 : memref<100000x16xf32, #tpu.memory_space<vmem_shared>>)
      %dma_wait3A_277 = arith.constant 0 : i32
      %dma_wait3A_278 = arith.constant 0 : i32
      %dma_wait3A_279 = arith.constant 0 : i32
      %dma_wait3A_280 = tpu.memref_slice %arg11[%dma_wait3A_277, %dma_wait3A_279] : memref<2x640xi32, #tpu.memory_space<vmem>> -> memref<1x128xi32, #tpu.memory_space<vmem>>
      %dma_wait3A_281 = tpu.memref_squeeze %dma_wait3A_280 : memref<1x128xi32, #tpu.memory_space<vmem>> -> memref<128xi32, #tpu.memory_space<vmem>>
      %dma_wait3A_282 = arith.constant 0 : i32
      %dma_wait3A_283 = tpu.memref_slice %arg10[%dma_wait3A_282] : memref<100000xf32, #tpu.memory_space<vmem_shared>> -> memref<100000xf32, #tpu.memory_space<vmem_shared>>
      %dma_wait3A_284 = tpu.memref_slice %arg15[%dma_wait3A_278] : memref<2x!tpu.dma_semaphore, #tpu.memory_space<semaphore_mem>> -> memref<1x!tpu.dma_semaphore, #tpu.memory_space<semaphore_mem>>
      %dma_wait3A_285 = tpu.memref_squeeze %dma_wait3A_284 : memref<1x!tpu.dma_semaphore, #tpu.memory_space<semaphore_mem>> -> memref<!tpu.dma_semaphore, #tpu.memory_space<semaphore_mem>>
      tpu.wait_indirect_dma semaphore(%dma_wait3A_285 : memref<!tpu.dma_semaphore, #tpu.memory_space<semaphore_mem>>) src(%arg13 : memref<128xf32, #tpu.memory_space<vmem>>) dst(%dma_wait3A_283 : memref<100000xf32, #tpu.memory_space<vmem_shared>>)
      %dma_wait3A_286 = arith.constant 0 : i32
      %dma_wait3A_287 = arith.constant 0 : i32
      %dma_wait3A_288 = arith.constant 0 : i32
      %dma_wait3A_289 = arith.constant 128 : i32
      %dma_wait3A_290 = arith.constant 0 : i32
      %dma_wait3A_291 = tpu.memref_slice %arg12[%dma_wait3A_286, %dma_wait3A_289, %dma_wait3A_290] : memref<2x640x16xf32, #tpu.memory_space<vmem>> -> memref<1x128x16xf32, #tpu.memory_space<vmem>>
      %dma_wait3A_292 = tpu.memref_squeeze %dma_wait3A_291 : memref<1x128x16xf32, #tpu.memory_space<vmem>> -> memref<128x16xf32, #tpu.memory_space<vmem>>
      %dma_wait3A_293 = arith.constant 128 : i32
      %dma_wait3A_294 = tpu.memref_slice %arg11[%dma_wait3A_287, %dma_wait3A_293] : memref<2x640xi32, #tpu.memory_space<vmem>> -> memref<1x128xi32, #tpu.memory_space<vmem>>
      %dma_wait3A_295 = tpu.memref_squeeze %dma_wait3A_294 : memref<1x128xi32, #tpu.memory_space<vmem>> -> memref<128xi32, #tpu.memory_space<vmem>>
      %dma_wait3A_296 = arith.constant 0 : i32
      %dma_wait3A_297 = arith.constant 0 : i32
      %dma_wait3A_298 = tpu.memref_slice %arg9[%dma_wait3A_296, %dma_wait3A_297] : memref<100000x16xf32, #tpu.memory_space<vmem_shared>> -> memref<100000x16xf32, #tpu.memory_space<vmem_shared>>
      %dma_wait3A_299 = tpu.memref_slice %arg15[%dma_wait3A_288] : memref<2x!tpu.dma_semaphore, #tpu.memory_space<semaphore_mem>> -> memref<1x!tpu.dma_semaphore, #tpu.memory_space<semaphore_mem>>
      %dma_wait3A_300 = tpu.memref_squeeze %dma_wait3A_299 : memref<1x!tpu.dma_semaphore, #tpu.memory_space<semaphore_mem>> -> memref<!tpu.dma_semaphore, #tpu.memory_space<semaphore_mem>>
      tpu.wait_indirect_dma semaphore(%dma_wait3A_300 : memref<!tpu.dma_semaphore, #tpu.memory_space<semaphore_mem>>) src(%dma_wait3A_292 : memref<128x16xf32, #tpu.memory_space<vmem>>) dst(%dma_wait3A_298 : memref<100000x16xf32, #tpu.memory_space<vmem_shared>>)
      %dma_wait3A_301 = arith.constant 0 : i32
      %dma_wait3A_302 = arith.constant 0 : i32
      %dma_wait3A_303 = arith.constant 128 : i32
      %dma_wait3A_304 = tpu.memref_slice %arg11[%dma_wait3A_301, %dma_wait3A_303] : memref<2x640xi32, #tpu.memory_space<vmem>> -> memref<1x128xi32, #tpu.memory_space<vmem>>
      %dma_wait3A_305 = tpu.memref_squeeze %dma_wait3A_304 : memref<1x128xi32, #tpu.memory_space<vmem>> -> memref<128xi32, #tpu.memory_space<vmem>>
      %dma_wait3A_306 = arith.constant 0 : i32
      %dma_wait3A_307 = tpu.memref_slice %arg10[%dma_wait3A_306] : memref<100000xf32, #tpu.memory_space<vmem_shared>> -> memref<100000xf32, #tpu.memory_space<vmem_shared>>
      %dma_wait3A_308 = tpu.memref_slice %arg15[%dma_wait3A_302] : memref<2x!tpu.dma_semaphore, #tpu.memory_space<semaphore_mem>> -> memref<1x!tpu.dma_semaphore, #tpu.memory_space<semaphore_mem>>
      %dma_wait3A_309 = tpu.memref_squeeze %dma_wait3A_308 : memref<1x!tpu.dma_semaphore, #tpu.memory_space<semaphore_mem>> -> memref<!tpu.dma_semaphore, #tpu.memory_space<semaphore_mem>>
      tpu.wait_indirect_dma semaphore(%dma_wait3A_309 : memref<!tpu.dma_semaphore, #tpu.memory_space<semaphore_mem>>) src(%arg13 : memref<128xf32, #tpu.memory_space<vmem>>) dst(%dma_wait3A_307 : memref<100000xf32, #tpu.memory_space<vmem_shared>>)
      %dma_wait3A_310 = arith.constant 0 : i32
      %dma_wait3A_311 = arith.constant 0 : i32
      %dma_wait3A_312 = arith.constant 0 : i32
      %dma_wait3A_313 = arith.constant 256 : i32
      %dma_wait3A_314 = arith.constant 0 : i32
      %dma_wait3A_315 = tpu.memref_slice %arg12[%dma_wait3A_310, %dma_wait3A_313, %dma_wait3A_314] : memref<2x640x16xf32, #tpu.memory_space<vmem>> -> memref<1x128x16xf32, #tpu.memory_space<vmem>>
      %dma_wait3A_316 = tpu.memref_squeeze %dma_wait3A_315 : memref<1x128x16xf32, #tpu.memory_space<vmem>> -> memref<128x16xf32, #tpu.memory_space<vmem>>
      %dma_wait3A_317 = arith.constant 256 : i32
      %dma_wait3A_318 = tpu.memref_slice %arg11[%dma_wait3A_311, %dma_wait3A_317] : memref<2x640xi32, #tpu.memory_space<vmem>> -> memref<1x128xi32, #tpu.memory_space<vmem>>
      %dma_wait3A_319 = tpu.memref_squeeze %dma_wait3A_318 : memref<1x128xi32, #tpu.memory_space<vmem>> -> memref<128xi32, #tpu.memory_space<vmem>>
      %dma_wait3A_320 = arith.constant 0 : i32
      %dma_wait3A_321 = arith.constant 0 : i32
      %dma_wait3A_322 = tpu.memref_slice %arg9[%dma_wait3A_320, %dma_wait3A_321] : memref<100000x16xf32, #tpu.memory_space<vmem_shared>> -> memref<100000x16xf32, #tpu.memory_space<vmem_shared>>
      %dma_wait3A_323 = tpu.memref_slice %arg15[%dma_wait3A_312] : memref<2x!tpu.dma_semaphore, #tpu.memory_space<semaphore_mem>> -> memref<1x!tpu.dma_semaphore, #tpu.memory_space<semaphore_mem>>
      %dma_wait3A_324 = tpu.memref_squeeze %dma_wait3A_323 : memref<1x!tpu.dma_semaphore, #tpu.memory_space<semaphore_mem>> -> memref<!tpu.dma_semaphore, #tpu.memory_space<semaphore_mem>>
      tpu.wait_indirect_dma semaphore(%dma_wait3A_324 : memref<!tpu.dma_semaphore, #tpu.memory_space<semaphore_mem>>) src(%dma_wait3A_316 : memref<128x16xf32, #tpu.memory_space<vmem>>) dst(%dma_wait3A_322 : memref<100000x16xf32, #tpu.memory_space<vmem_shared>>)
      %dma_wait3A_325 = arith.constant 0 : i32
      %dma_wait3A_326 = arith.constant 0 : i32
      %dma_wait3A_327 = arith.constant 256 : i32
      %dma_wait3A_328 = tpu.memref_slice %arg11[%dma_wait3A_325, %dma_wait3A_327] : memref<2x640xi32, #tpu.memory_space<vmem>> -> memref<1x128xi32, #tpu.memory_space<vmem>>
      %dma_wait3A_329 = tpu.memref_squeeze %dma_wait3A_328 : memref<1x128xi32, #tpu.memory_space<vmem>> -> memref<128xi32, #tpu.memory_space<vmem>>
      %dma_wait3A_330 = arith.constant 0 : i32
      %dma_wait3A_331 = tpu.memref_slice %arg10[%dma_wait3A_330] : memref<100000xf32, #tpu.memory_space<vmem_shared>> -> memref<100000xf32, #tpu.memory_space<vmem_shared>>
      %dma_wait3A_332 = tpu.memref_slice %arg15[%dma_wait3A_326] : memref<2x!tpu.dma_semaphore, #tpu.memory_space<semaphore_mem>> -> memref<1x!tpu.dma_semaphore, #tpu.memory_space<semaphore_mem>>
      %dma_wait3A_333 = tpu.memref_squeeze %dma_wait3A_332 : memref<1x!tpu.dma_semaphore, #tpu.memory_space<semaphore_mem>> -> memref<!tpu.dma_semaphore, #tpu.memory_space<semaphore_mem>>
      tpu.wait_indirect_dma semaphore(%dma_wait3A_333 : memref<!tpu.dma_semaphore, #tpu.memory_space<semaphore_mem>>) src(%arg13 : memref<128xf32, #tpu.memory_space<vmem>>) dst(%dma_wait3A_331 : memref<100000xf32, #tpu.memory_space<vmem_shared>>)
      %dma_wait3A_334 = arith.constant 0 : i32
      %dma_wait3A_335 = arith.constant 0 : i32
      %dma_wait3A_336 = arith.constant 0 : i32
      %dma_wait3A_337 = arith.constant 384 : i32
      %dma_wait3A_338 = arith.constant 0 : i32
      %dma_wait3A_339 = tpu.memref_slice %arg12[%dma_wait3A_334, %dma_wait3A_337, %dma_wait3A_338] : memref<2x640x16xf32, #tpu.memory_space<vmem>> -> memref<1x128x16xf32, #tpu.memory_space<vmem>>
      %dma_wait3A_340 = tpu.memref_squeeze %dma_wait3A_339 : memref<1x128x16xf32, #tpu.memory_space<vmem>> -> memref<128x16xf32, #tpu.memory_space<vmem>>
      %dma_wait3A_341 = arith.constant 384 : i32
      %dma_wait3A_342 = tpu.memref_slice %arg11[%dma_wait3A_335, %dma_wait3A_341] : memref<2x640xi32, #tpu.memory_space<vmem>> -> memref<1x128xi32, #tpu.memory_space<vmem>>
      %dma_wait3A_343 = tpu.memref_squeeze %dma_wait3A_342 : memref<1x128xi32, #tpu.memory_space<vmem>> -> memref<128xi32, #tpu.memory_space<vmem>>
      %dma_wait3A_344 = arith.constant 0 : i32
      %dma_wait3A_345 = arith.constant 0 : i32
      %dma_wait3A_346 = tpu.memref_slice %arg9[%dma_wait3A_344, %dma_wait3A_345] : memref<100000x16xf32, #tpu.memory_space<vmem_shared>> -> memref<100000x16xf32, #tpu.memory_space<vmem_shared>>
      %dma_wait3A_347 = tpu.memref_slice %arg15[%dma_wait3A_336] : memref<2x!tpu.dma_semaphore, #tpu.memory_space<semaphore_mem>> -> memref<1x!tpu.dma_semaphore, #tpu.memory_space<semaphore_mem>>
      %dma_wait3A_348 = tpu.memref_squeeze %dma_wait3A_347 : memref<1x!tpu.dma_semaphore, #tpu.memory_space<semaphore_mem>> -> memref<!tpu.dma_semaphore, #tpu.memory_space<semaphore_mem>>
      tpu.wait_indirect_dma semaphore(%dma_wait3A_348 : memref<!tpu.dma_semaphore, #tpu.memory_space<semaphore_mem>>) src(%dma_wait3A_340 : memref<128x16xf32, #tpu.memory_space<vmem>>) dst(%dma_wait3A_346 : memref<100000x16xf32, #tpu.memory_space<vmem_shared>>)
      %dma_wait3A_349 = arith.constant 0 : i32
      %dma_wait3A_350 = arith.constant 0 : i32
      %dma_wait3A_351 = arith.constant 384 : i32
      %dma_wait3A_352 = tpu.memref_slice %arg11[%dma_wait3A_349, %dma_wait3A_351] : memref<2x640xi32, #tpu.memory_space<vmem>> -> memref<1x128xi32, #tpu.memory_space<vmem>>
      %dma_wait3A_353 = tpu.memref_squeeze %dma_wait3A_352 : memref<1x128xi32, #tpu.memory_space<vmem>> -> memref<128xi32, #tpu.memory_space<vmem>>
      %dma_wait3A_354 = arith.constant 0 : i32
      %dma_wait3A_355 = tpu.memref_slice %arg10[%dma_wait3A_354] : memref<100000xf32, #tpu.memory_space<vmem_shared>> -> memref<100000xf32, #tpu.memory_space<vmem_shared>>
      %dma_wait3A_356 = tpu.memref_slice %arg15[%dma_wait3A_350] : memref<2x!tpu.dma_semaphore, #tpu.memory_space<semaphore_mem>> -> memref<1x!tpu.dma_semaphore, #tpu.memory_space<semaphore_mem>>
      %dma_wait3A_357 = tpu.memref_squeeze %dma_wait3A_356 : memref<1x!tpu.dma_semaphore, #tpu.memory_space<semaphore_mem>> -> memref<!tpu.dma_semaphore, #tpu.memory_space<semaphore_mem>>
      tpu.wait_indirect_dma semaphore(%dma_wait3A_357 : memref<!tpu.dma_semaphore, #tpu.memory_space<semaphore_mem>>) src(%arg13 : memref<128xf32, #tpu.memory_space<vmem>>) dst(%dma_wait3A_355 : memref<100000xf32, #tpu.memory_space<vmem_shared>>)
      %dma_wait3A_358 = arith.constant 0 : i32
      %dma_wait3A_359 = arith.constant 0 : i32
      %dma_wait3A_360 = arith.constant 0 : i32
      %dma_wait3A_361 = arith.constant 512 : i32
      %dma_wait3A_362 = arith.constant 0 : i32
      %dma_wait3A_363 = tpu.memref_slice %arg12[%dma_wait3A_358, %dma_wait3A_361, %dma_wait3A_362] : memref<2x640x16xf32, #tpu.memory_space<vmem>> -> memref<1x128x16xf32, #tpu.memory_space<vmem>>
      %dma_wait3A_364 = tpu.memref_squeeze %dma_wait3A_363 : memref<1x128x16xf32, #tpu.memory_space<vmem>> -> memref<128x16xf32, #tpu.memory_space<vmem>>
      %dma_wait3A_365 = arith.constant 512 : i32
      %dma_wait3A_366 = tpu.memref_slice %arg11[%dma_wait3A_359, %dma_wait3A_365] : memref<2x640xi32, #tpu.memory_space<vmem>> -> memref<1x128xi32, #tpu.memory_space<vmem>>
      %dma_wait3A_367 = tpu.memref_squeeze %dma_wait3A_366 : memref<1x128xi32, #tpu.memory_space<vmem>> -> memref<128xi32, #tpu.memory_space<vmem>>
      %dma_wait3A_368 = arith.constant 0 : i32
      %dma_wait3A_369 = arith.constant 0 : i32
      %dma_wait3A_370 = tpu.memref_slice %arg9[%dma_wait3A_368, %dma_wait3A_369] : memref<100000x16xf32, #tpu.memory_space<vmem_shared>> -> memref<100000x16xf32, #tpu.memory_space<vmem_shared>>
      %dma_wait3A_371 = tpu.memref_slice %arg15[%dma_wait3A_360] : memref<2x!tpu.dma_semaphore, #tpu.memory_space<semaphore_mem>> -> memref<1x!tpu.dma_semaphore, #tpu.memory_space<semaphore_mem>>
      %dma_wait3A_372 = tpu.memref_squeeze %dma_wait3A_371 : memref<1x!tpu.dma_semaphore, #tpu.memory_space<semaphore_mem>> -> memref<!tpu.dma_semaphore, #tpu.memory_space<semaphore_mem>>
      tpu.wait_indirect_dma semaphore(%dma_wait3A_372 : memref<!tpu.dma_semaphore, #tpu.memory_space<semaphore_mem>>) src(%dma_wait3A_364 : memref<128x16xf32, #tpu.memory_space<vmem>>) dst(%dma_wait3A_370 : memref<100000x16xf32, #tpu.memory_space<vmem_shared>>)
      %dma_wait3A_373 = arith.constant 0 : i32
      %dma_wait3A_374 = arith.constant 0 : i32
      %dma_wait3A_375 = arith.constant 512 : i32
      %dma_wait3A_376 = tpu.memref_slice %arg11[%dma_wait3A_373, %dma_wait3A_375] : memref<2x640xi32, #tpu.memory_space<vmem>> -> memref<1x128xi32, #tpu.memory_space<vmem>>
      %dma_wait3A_377 = tpu.memref_squeeze %dma_wait3A_376 : memref<1x128xi32, #tpu.memory_space<vmem>> -> memref<128xi32, #tpu.memory_space<vmem>>
      %dma_wait3A_378 = arith.constant 0 : i32
      %dma_wait3A_379 = tpu.memref_slice %arg10[%dma_wait3A_378] : memref<100000xf32, #tpu.memory_space<vmem_shared>> -> memref<100000xf32, #tpu.memory_space<vmem_shared>>
      %dma_wait3A_380 = tpu.memref_slice %arg15[%dma_wait3A_374] : memref<2x!tpu.dma_semaphore, #tpu.memory_space<semaphore_mem>> -> memref<1x!tpu.dma_semaphore, #tpu.memory_space<semaphore_mem>>
      %dma_wait3A_381 = tpu.memref_squeeze %dma_wait3A_380 : memref<1x!tpu.dma_semaphore, #tpu.memory_space<semaphore_mem>> -> memref<!tpu.dma_semaphore, #tpu.memory_space<semaphore_mem>>
      tpu.wait_indirect_dma semaphore(%dma_wait3A_381 : memref<!tpu.dma_semaphore, #tpu.memory_space<semaphore_mem>>) src(%arg13 : memref<128xf32, #tpu.memory_space<vmem>>) dst(%dma_wait3A_379 : memref<100000xf32, #tpu.memory_space<vmem_shared>>)
      %lt3A_382 = arith.cmpi slt, %add3A_107, %add3A_23 : i32
      %convert_element_type3A_383 = arith.extui %lt3A_382 : i1 to i32
      %cond3A_384 = arith.constant 0 : i32
      %cond3A_385 = arith.cmpi ne, %convert_element_type3A_383, %cond3A_384 : i32
      scf.if %cond3A_385 {
        %mul3A_392 = arith.constant 640 : i32
        %mul3A_393 = arith.muli %add3A_107, %mul3A_392 : i32
        %dma_start3A_394 = arith.constant 1 : i32
        %dma_start3A_395 = arith.constant 0 : i32
        %dma_start3A_396 = arith.constant 0 : i32
        %dma_start3A_397 = arith.constant 0 : i32
        %dma_start3A_398 = tpu.memref_slice %arg11[%dma_start3A_395, %dma_start3A_397] : memref<2x640xi32, #tpu.memory_space<vmem>> -> memref<1x640xi32, #tpu.memory_space<vmem>>
        %dma_start3A_399 = tpu.memref_squeeze %dma_start3A_398 : memref<1x640xi32, #tpu.memory_space<vmem>> -> memref<640xi32, #tpu.memory_space<vmem>>
        %dma_start3A_400 = tpu.memref_slice %arg2[%dma_start3A_394, %mul3A_393] : memref<2x3200000xi32, #tpu.memory_space<hbm>> -> memref<1x640xi32, #tpu.memory_space<hbm>>
        %dma_start3A_401 = tpu.memref_squeeze %dma_start3A_400 : memref<1x640xi32, #tpu.memory_space<hbm>> -> memref<640xi32, #tpu.memory_space<hbm>>
        %dma_start3A_402 = tpu.memref_slice %arg14[%dma_start3A_396] : memref<2x!tpu.dma_semaphore, #tpu.memory_space<semaphore_mem>> -> memref<1x!tpu.dma_semaphore, #tpu.memory_space<semaphore_mem>>
        %dma_start3A_403 = tpu.memref_squeeze %dma_start3A_402 : memref<1x!tpu.dma_semaphore, #tpu.memory_space<semaphore_mem>> -> memref<!tpu.dma_semaphore, #tpu.memory_space<semaphore_mem>>
        %dma_start3A_404 = arith.constant 0 : i32
        %dma_start3A_405 = tpu.memref_slice %arg11[%dma_start3A_395, %dma_start3A_404] : memref<2x640xi32, #tpu.memory_space<vmem>> -> memref<1x640xi32, #tpu.memory_space<vmem>>
        %dma_start3A_406 = tpu.memref_squeeze %dma_start3A_405 : memref<1x640xi32, #tpu.memory_space<vmem>> -> memref<640xi32, #tpu.memory_space<vmem>>
        %dma_start3A_407 = tpu.memref_slice %arg2[%dma_start3A_394, %mul3A_393] : memref<2x3200000xi32, #tpu.memory_space<hbm>> -> memref<1x640xi32, #tpu.memory_space<hbm>>
        %dma_start3A_408 = tpu.memref_squeeze %dma_start3A_407 : memref<1x640xi32, #tpu.memory_space<hbm>> -> memref<640xi32, #tpu.memory_space<hbm>>
        tpu.enqueue_dma source(%dma_start3A_408 : memref<640xi32, #tpu.memory_space<hbm>>) target(%dma_start3A_406 : memref<640xi32, #tpu.memory_space<vmem>>) target_semaphore(%dma_start3A_403 : memref<!tpu.dma_semaphore, #tpu.memory_space<semaphore_mem>>)
        %mul3A_409 = arith.constant 640 : i32
        %mul3A_410 = arith.muli %add3A_107, %mul3A_409 : i32
        %dma_start3A_411 = arith.constant 0 : i32
        %dma_start3A_412 = arith.constant 0 : i32
        %dma_start3A_413 = arith.constant 0 : i32
        %dma_start3A_414 = arith.constant 0 : i32
        %dma_start3A_415 = tpu.memref_slice %arg12[%dma_start3A_411, %dma_start3A_413, %dma_start3A_414] : memref<2x640x16xf32, #tpu.memory_space<vmem>> -> memref<1x640x16xf32, #tpu.memory_space<vmem>>
        %dma_start3A_416 = tpu.memref_squeeze %dma_start3A_415 : memref<1x640x16xf32, #tpu.memory_space<vmem>> -> memref<640x16xf32, #tpu.memory_space<vmem>>
        %dma_start3A_417 = arith.constant 0 : i32
        %dma_start3A_418 = tpu.memref_slice %arg3[%mul3A_410, %dma_start3A_417] : memref<3200000x16xf32, #tpu.memory_space<hbm>> -> memref<640x16xf32, #tpu.memory_space<hbm>>
        %dma_start3A_419 = tpu.memref_slice %arg14[%dma_start3A_412] : memref<2x!tpu.dma_semaphore, #tpu.memory_space<semaphore_mem>> -> memref<1x!tpu.dma_semaphore, #tpu.memory_space<semaphore_mem>>
        %dma_start3A_420 = tpu.memref_squeeze %dma_start3A_419 : memref<1x!tpu.dma_semaphore, #tpu.memory_space<semaphore_mem>> -> memref<!tpu.dma_semaphore, #tpu.memory_space<semaphore_mem>>
        %dma_start3A_421 = arith.constant 0 : i32
        %dma_start3A_422 = arith.constant 0 : i32
        %dma_start3A_423 = tpu.memref_slice %arg12[%dma_start3A_411, %dma_start3A_421, %dma_start3A_422] : memref<2x640x16xf32, #tpu.memory_space<vmem>> -> memref<1x640x16xf32, #tpu.memory_space<vmem>>
        %dma_start3A_424 = tpu.memref_squeeze %dma_start3A_423 : memref<1x640x16xf32, #tpu.memory_space<vmem>> -> memref<640x16xf32, #tpu.memory_space<vmem>>
        %dma_start3A_425 = arith.constant 0 : i32
        %dma_start3A_426 = tpu.memref_slice %arg3[%mul3A_410, %dma_start3A_425] : memref<3200000x16xf32, #tpu.memory_space<hbm>> -> memref<640x16xf32, #tpu.memory_space<hbm>>
        tpu.enqueue_dma source(%dma_start3A_426 : memref<640x16xf32, #tpu.memory_space<hbm>>) target(%dma_start3A_424 : memref<640x16xf32, #tpu.memory_space<vmem>>) target_semaphore(%dma_start3A_420 : memref<!tpu.dma_semaphore, #tpu.memory_space<semaphore_mem>>)
      } else {
      }
      %add3A_386 = arith.constant 1 : i32
      %add3A_387 = arith.addi %add3A_105, %add3A_386 : i32
      %lt3A_388 = arith.cmpi slt, %add3A_387, %add3A_23 : i32
      %convert_element_type3A_389 = arith.extui %lt3A_388 : i1 to i32
      %cond3A_390 = arith.constant 0 : i32
      %cond3A_391 = arith.cmpi ne, %convert_element_type3A_389, %cond3A_390 : i32
      scf.if %cond3A_391 {
        %add3A_392 = arith.constant 1 : i32
        %add3A_393 = arith.addi %add3A_105, %add3A_392 : i32
        %add3A_394 = arith.constant 3 : i32
        %add3A_395 = arith.addi %add3A_105, %add3A_394 : i32
        %dma_wait3A_396 = arith.constant 1 : i32
        %dma_wait3A_397 = arith.constant 1 : i32
        %dma_wait3A_398 = arith.constant 1 : i32
        %dma_wait3A_399 = arith.constant 0 : i32
        %dma_wait3A_400 = tpu.memref_slice %arg11[%dma_wait3A_397, %dma_wait3A_399] : memref<2x640xi32, #tpu.memory_space<vmem>> -> memref<1x640xi32, #tpu.memory_space<vmem>>
        %dma_wait3A_401 = tpu.memref_squeeze %dma_wait3A_400 : memref<1x640xi32, #tpu.memory_space<vmem>> -> memref<640xi32, #tpu.memory_space<vmem>>
        %dma_wait3A_402 = arith.constant 0 : i32
        %dma_wait3A_403 = tpu.memref_slice %arg2[%dma_wait3A_396, %dma_wait3A_402] : memref<2x3200000xi32, #tpu.memory_space<hbm>> -> memref<1x640xi32, #tpu.memory_space<hbm>>
        %dma_wait3A_404 = tpu.memref_squeeze %dma_wait3A_403 : memref<1x640xi32, #tpu.memory_space<hbm>> -> memref<640xi32, #tpu.memory_space<hbm>>
        %dma_wait3A_405 = tpu.memref_slice %arg14[%dma_wait3A_398] : memref<2x!tpu.dma_semaphore, #tpu.memory_space<semaphore_mem>> -> memref<1x!tpu.dma_semaphore, #tpu.memory_space<semaphore_mem>>
        %dma_wait3A_406 = tpu.memref_squeeze %dma_wait3A_405 : memref<1x!tpu.dma_semaphore, #tpu.memory_space<semaphore_mem>> -> memref<!tpu.dma_semaphore, #tpu.memory_space<semaphore_mem>>
        %dma_wait3A_407 = arith.constant 0 : i32
        %dma_wait3A_408 = tpu.memref_slice %arg11[%dma_wait3A_397, %dma_wait3A_407] : memref<2x640xi32, #tpu.memory_space<vmem>> -> memref<1x640xi32, #tpu.memory_space<vmem>>
        %dma_wait3A_409 = tpu.memref_squeeze %dma_wait3A_408 : memref<1x640xi32, #tpu.memory_space<vmem>> -> memref<640xi32, #tpu.memory_space<vmem>>
        %dma_wait3A_410 = arith.constant 0 : i32
        %dma_wait3A_411 = tpu.memref_slice %arg2[%dma_wait3A_396, %dma_wait3A_410] : memref<2x3200000xi32, #tpu.memory_space<hbm>> -> memref<1x640xi32, #tpu.memory_space<hbm>>
        %dma_wait3A_412 = tpu.memref_squeeze %dma_wait3A_411 : memref<1x640xi32, #tpu.memory_space<hbm>> -> memref<640xi32, #tpu.memory_space<hbm>>
        tpu.wait_dma2 semaphore(%dma_wait3A_406 : memref<!tpu.dma_semaphore, #tpu.memory_space<semaphore_mem>>) src(%dma_wait3A_412 : memref<640xi32, #tpu.memory_space<hbm>>) dst(%dma_wait3A_409 : memref<640xi32, #tpu.memory_space<vmem>>)
        %dma_wait3A_413 = arith.constant 1 : i32
        %dma_wait3A_414 = arith.constant 1 : i32
        %dma_wait3A_415 = arith.constant 0 : i32
        %dma_wait3A_416 = arith.constant 0 : i32
        %dma_wait3A_417 = tpu.memref_slice %arg12[%dma_wait3A_413, %dma_wait3A_415, %dma_wait3A_416] : memref<2x640x16xf32, #tpu.memory_space<vmem>> -> memref<1x640x16xf32, #tpu.memory_space<vmem>>
        %dma_wait3A_418 = tpu.memref_squeeze %dma_wait3A_417 : memref<1x640x16xf32, #tpu.memory_space<vmem>> -> memref<640x16xf32, #tpu.memory_space<vmem>>
        %dma_wait3A_419 = arith.constant 0 : i32
        %dma_wait3A_420 = arith.constant 0 : i32
        %dma_wait3A_421 = tpu.memref_slice %arg3[%dma_wait3A_419, %dma_wait3A_420] : memref<3200000x16xf32, #tpu.memory_space<hbm>> -> memref<640x16xf32, #tpu.memory_space<hbm>>
        %dma_wait3A_422 = tpu.memref_slice %arg14[%dma_wait3A_414] : memref<2x!tpu.dma_semaphore, #tpu.memory_space<semaphore_mem>> -> memref<1x!tpu.dma_semaphore, #tpu.memory_space<semaphore_mem>>
        %dma_wait3A_423 = tpu.memref_squeeze %dma_wait3A_422 : memref<1x!tpu.dma_semaphore, #tpu.memory_space<semaphore_mem>> -> memref<!tpu.dma_semaphore, #tpu.memory_space<semaphore_mem>>
        %dma_wait3A_424 = arith.constant 0 : i32
        %dma_wait3A_425 = arith.constant 0 : i32
        %dma_wait3A_426 = tpu.memref_slice %arg12[%dma_wait3A_413, %dma_wait3A_424, %dma_wait3A_425] : memref<2x640x16xf32, #tpu.memory_space<vmem>> -> memref<1x640x16xf32, #tpu.memory_space<vmem>>
        %dma_wait3A_427 = tpu.memref_squeeze %dma_wait3A_426 : memref<1x640x16xf32, #tpu.memory_space<vmem>> -> memref<640x16xf32, #tpu.memory_space<vmem>>
        %dma_wait3A_428 = arith.constant 0 : i32
        %dma_wait3A_429 = arith.constant 0 : i32
        %dma_wait3A_430 = tpu.memref_slice %arg3[%dma_wait3A_428, %dma_wait3A_429] : memref<3200000x16xf32, #tpu.memory_space<hbm>> -> memref<640x16xf32, #tpu.memory_space<hbm>>
        tpu.wait_dma2 semaphore(%dma_wait3A_423 : memref<!tpu.dma_semaphore, #tpu.memory_space<semaphore_mem>>) src(%dma_wait3A_430 : memref<640x16xf32, #tpu.memory_space<hbm>>) dst(%dma_wait3A_427 : memref<640x16xf32, #tpu.memory_space<vmem>>)
        %dma_start3A_431 = arith.constant 1 : i32
        %dma_start3A_432 = arith.constant 1 : i32
        %dma_start3A_433 = arith.constant 1 : i32
        %dma_start3A_434 = arith.constant 0 : i32
        %dma_start3A_435 = arith.constant 0 : i32
        %dma_start3A_436 = tpu.memref_slice %arg12[%dma_start3A_431, %dma_start3A_434, %dma_start3A_435] : memref<2x640x16xf32, #tpu.memory_space<vmem>> -> memref<1x128x16xf32, #tpu.memory_space<vmem>>
        %dma_start3A_437 = tpu.memref_squeeze %dma_start3A_436 : memref<1x128x16xf32, #tpu.memory_space<vmem>> -> memref<128x16xf32, #tpu.memory_space<vmem>>
        %dma_start3A_438 = arith.constant 0 : i32
        %dma_start3A_439 = tpu.memref_slice %arg11[%dma_start3A_432, %dma_start3A_438] : memref<2x640xi32, #tpu.memory_space<vmem>> -> memref<1x128xi32, #tpu.memory_space<vmem>>
        %dma_start3A_440 = tpu.memref_squeeze %dma_start3A_439 : memref<1x128xi32, #tpu.memory_space<vmem>> -> memref<128xi32, #tpu.memory_space<vmem>>
        %dma_start3A_441 = arith.constant 0 : i32
        %dma_start3A_442 = arith.constant 0 : i32
        %dma_start3A_443 = tpu.memref_slice %arg9[%dma_start3A_441, %dma_start3A_442] : memref<100000x16xf32, #tpu.memory_space<vmem_shared>> -> memref<100000x16xf32, #tpu.memory_space<vmem_shared>>
        %dma_start3A_444 = tpu.memref_slice %arg15[%dma_start3A_433] : memref<2x!tpu.dma_semaphore, #tpu.memory_space<semaphore_mem>> -> memref<1x!tpu.dma_semaphore, #tpu.memory_space<semaphore_mem>>
        %dma_start3A_445 = tpu.memref_squeeze %dma_start3A_444 : memref<1x!tpu.dma_semaphore, #tpu.memory_space<semaphore_mem>> -> memref<!tpu.dma_semaphore, #tpu.memory_space<semaphore_mem>>
        tpu.enqueue_indirect_dma source(%dma_start3A_437 : memref<128x16xf32, #tpu.memory_space<vmem>>) target(%dma_start3A_443 : memref<100000x16xf32, #tpu.memory_space<vmem_shared>>) offsets(%dma_start3A_440 : memref<128xi32, #tpu.memory_space<vmem>>) semaphore(%dma_start3A_445 : memref<!tpu.dma_semaphore, #tpu.memory_space<semaphore_mem>>) {add = true}
        %dma_start3A_446 = arith.constant 1 : i32
        %dma_start3A_447 = arith.constant 1 : i32
        %dma_start3A_448 = arith.constant 0 : i32
        %dma_start3A_449 = tpu.memref_slice %arg11[%dma_start3A_446, %dma_start3A_448] : memref<2x640xi32, #tpu.memory_space<vmem>> -> memref<1x128xi32, #tpu.memory_space<vmem>>
        %dma_start3A_450 = tpu.memref_squeeze %dma_start3A_449 : memref<1x128xi32, #tpu.memory_space<vmem>> -> memref<128xi32, #tpu.memory_space<vmem>>
        %dma_start3A_451 = arith.constant 0 : i32
        %dma_start3A_452 = tpu.memref_slice %arg10[%dma_start3A_451] : memref<100000xf32, #tpu.memory_space<vmem_shared>> -> memref<100000xf32, #tpu.memory_space<vmem_shared>>
        %dma_start3A_453 = tpu.memref_slice %arg15[%dma_start3A_447] : memref<2x!tpu.dma_semaphore, #tpu.memory_space<semaphore_mem>> -> memref<1x!tpu.dma_semaphore, #tpu.memory_space<semaphore_mem>>
        %dma_start3A_454 = tpu.memref_squeeze %dma_start3A_453 : memref<1x!tpu.dma_semaphore, #tpu.memory_space<semaphore_mem>> -> memref<!tpu.dma_semaphore, #tpu.memory_space<semaphore_mem>>
        tpu.enqueue_indirect_dma source(%arg13 : memref<128xf32, #tpu.memory_space<vmem>>) target(%dma_start3A_452 : memref<100000xf32, #tpu.memory_space<vmem_shared>>) offsets(%dma_start3A_450 : memref<128xi32, #tpu.memory_space<vmem>>) semaphore(%dma_start3A_454 : memref<!tpu.dma_semaphore, #tpu.memory_space<semaphore_mem>>) {add = true}
        %dma_start3A_455 = arith.constant 1 : i32
        %dma_start3A_456 = arith.constant 1 : i32
        %dma_start3A_457 = arith.constant 1 : i32
        %dma_start3A_458 = arith.constant 128 : i32
        %dma_start3A_459 = arith.constant 0 : i32
        %dma_start3A_460 = tpu.memref_slice %arg12[%dma_start3A_455, %dma_start3A_458, %dma_start3A_459] : memref<2x640x16xf32, #tpu.memory_space<vmem>> -> memref<1x128x16xf32, #tpu.memory_space<vmem>>
        %dma_start3A_461 = tpu.memref_squeeze %dma_start3A_460 : memref<1x128x16xf32, #tpu.memory_space<vmem>> -> memref<128x16xf32, #tpu.memory_space<vmem>>
        %dma_start3A_462 = arith.constant 128 : i32
        %dma_start3A_463 = tpu.memref_slice %arg11[%dma_start3A_456, %dma_start3A_462] : memref<2x640xi32, #tpu.memory_space<vmem>> -> memref<1x128xi32, #tpu.memory_space<vmem>>
        %dma_start3A_464 = tpu.memref_squeeze %dma_start3A_463 : memref<1x128xi32, #tpu.memory_space<vmem>> -> memref<128xi32, #tpu.memory_space<vmem>>
        %dma_start3A_465 = arith.constant 0 : i32
        %dma_start3A_466 = arith.constant 0 : i32
        %dma_start3A_467 = tpu.memref_slice %arg9[%dma_start3A_465, %dma_start3A_466] : memref<100000x16xf32, #tpu.memory_space<vmem_shared>> -> memref<100000x16xf32, #tpu.memory_space<vmem_shared>>
        %dma_start3A_468 = tpu.memref_slice %arg15[%dma_start3A_457] : memref<2x!tpu.dma_semaphore, #tpu.memory_space<semaphore_mem>> -> memref<1x!tpu.dma_semaphore, #tpu.memory_space<semaphore_mem>>
        %dma_start3A_469 = tpu.memref_squeeze %dma_start3A_468 : memref<1x!tpu.dma_semaphore, #tpu.memory_space<semaphore_mem>> -> memref<!tpu.dma_semaphore, #tpu.memory_space<semaphore_mem>>
        tpu.enqueue_indirect_dma source(%dma_start3A_461 : memref<128x16xf32, #tpu.memory_space<vmem>>) target(%dma_start3A_467 : memref<100000x16xf32, #tpu.memory_space<vmem_shared>>) offsets(%dma_start3A_464 : memref<128xi32, #tpu.memory_space<vmem>>) semaphore(%dma_start3A_469 : memref<!tpu.dma_semaphore, #tpu.memory_space<semaphore_mem>>) {add = true}
        %dma_start3A_470 = arith.constant 1 : i32
        %dma_start3A_471 = arith.constant 1 : i32
        %dma_start3A_472 = arith.constant 128 : i32
        %dma_start3A_473 = tpu.memref_slice %arg11[%dma_start3A_470, %dma_start3A_472] : memref<2x640xi32, #tpu.memory_space<vmem>> -> memref<1x128xi32, #tpu.memory_space<vmem>>
        %dma_start3A_474 = tpu.memref_squeeze %dma_start3A_473 : memref<1x128xi32, #tpu.memory_space<vmem>> -> memref<128xi32, #tpu.memory_space<vmem>>
        %dma_start3A_475 = arith.constant 0 : i32
        %dma_start3A_476 = tpu.memref_slice %arg10[%dma_start3A_475] : memref<100000xf32, #tpu.memory_space<vmem_shared>> -> memref<100000xf32, #tpu.memory_space<vmem_shared>>
        %dma_start3A_477 = tpu.memref_slice %arg15[%dma_start3A_471] : memref<2x!tpu.dma_semaphore, #tpu.memory_space<semaphore_mem>> -> memref<1x!tpu.dma_semaphore, #tpu.memory_space<semaphore_mem>>
        %dma_start3A_478 = tpu.memref_squeeze %dma_start3A_477 : memref<1x!tpu.dma_semaphore, #tpu.memory_space<semaphore_mem>> -> memref<!tpu.dma_semaphore, #tpu.memory_space<semaphore_mem>>
        tpu.enqueue_indirect_dma source(%arg13 : memref<128xf32, #tpu.memory_space<vmem>>) target(%dma_start3A_476 : memref<100000xf32, #tpu.memory_space<vmem_shared>>) offsets(%dma_start3A_474 : memref<128xi32, #tpu.memory_space<vmem>>) semaphore(%dma_start3A_478 : memref<!tpu.dma_semaphore, #tpu.memory_space<semaphore_mem>>) {add = true}
        %dma_start3A_479 = arith.constant 1 : i32
        %dma_start3A_480 = arith.constant 1 : i32
        %dma_start3A_481 = arith.constant 1 : i32
        %dma_start3A_482 = arith.constant 256 : i32
        %dma_start3A_483 = arith.constant 0 : i32
        %dma_start3A_484 = tpu.memref_slice %arg12[%dma_start3A_479, %dma_start3A_482, %dma_start3A_483] : memref<2x640x16xf32, #tpu.memory_space<vmem>> -> memref<1x128x16xf32, #tpu.memory_space<vmem>>
        %dma_start3A_485 = tpu.memref_squeeze %dma_start3A_484 : memref<1x128x16xf32, #tpu.memory_space<vmem>> -> memref<128x16xf32, #tpu.memory_space<vmem>>
        %dma_start3A_486 = arith.constant 256 : i32
        %dma_start3A_487 = tpu.memref_slice %arg11[%dma_start3A_480, %dma_start3A_486] : memref<2x640xi32, #tpu.memory_space<vmem>> -> memref<1x128xi32, #tpu.memory_space<vmem>>
        %dma_start3A_488 = tpu.memref_squeeze %dma_start3A_487 : memref<1x128xi32, #tpu.memory_space<vmem>> -> memref<128xi32, #tpu.memory_space<vmem>>
        %dma_start3A_489 = arith.constant 0 : i32
        %dma_start3A_490 = arith.constant 0 : i32
        %dma_start3A_491 = tpu.memref_slice %arg9[%dma_start3A_489, %dma_start3A_490] : memref<100000x16xf32, #tpu.memory_space<vmem_shared>> -> memref<100000x16xf32, #tpu.memory_space<vmem_shared>>
        %dma_start3A_492 = tpu.memref_slice %arg15[%dma_start3A_481] : memref<2x!tpu.dma_semaphore, #tpu.memory_space<semaphore_mem>> -> memref<1x!tpu.dma_semaphore, #tpu.memory_space<semaphore_mem>>
        %dma_start3A_493 = tpu.memref_squeeze %dma_start3A_492 : memref<1x!tpu.dma_semaphore, #tpu.memory_space<semaphore_mem>> -> memref<!tpu.dma_semaphore, #tpu.memory_space<semaphore_mem>>
        tpu.enqueue_indirect_dma source(%dma_start3A_485 : memref<128x16xf32, #tpu.memory_space<vmem>>) target(%dma_start3A_491 : memref<100000x16xf32, #tpu.memory_space<vmem_shared>>) offsets(%dma_start3A_488 : memref<128xi32, #tpu.memory_space<vmem>>) semaphore(%dma_start3A_493 : memref<!tpu.dma_semaphore, #tpu.memory_space<semaphore_mem>>) {add = true}
        %dma_start3A_494 = arith.constant 1 : i32
        %dma_start3A_495 = arith.constant 1 : i32
        %dma_start3A_496 = arith.constant 256 : i32
        %dma_start3A_497 = tpu.memref_slice %arg11[%dma_start3A_494, %dma_start3A_496] : memref<2x640xi32, #tpu.memory_space<vmem>> -> memref<1x128xi32, #tpu.memory_space<vmem>>
        %dma_start3A_498 = tpu.memref_squeeze %dma_start3A_497 : memref<1x128xi32, #tpu.memory_space<vmem>> -> memref<128xi32, #tpu.memory_space<vmem>>
        %dma_start3A_499 = arith.constant 0 : i32
        %dma_start3A_500 = tpu.memref_slice %arg10[%dma_start3A_499] : memref<100000xf32, #tpu.memory_space<vmem_shared>> -> memref<100000xf32, #tpu.memory_space<vmem_shared>>
        %dma_start3A_501 = tpu.memref_slice %arg15[%dma_start3A_495] : memref<2x!tpu.dma_semaphore, #tpu.memory_space<semaphore_mem>> -> memref<1x!tpu.dma_semaphore, #tpu.memory_space<semaphore_mem>>
        %dma_start3A_502 = tpu.memref_squeeze %dma_start3A_501 : memref<1x!tpu.dma_semaphore, #tpu.memory_space<semaphore_mem>> -> memref<!tpu.dma_semaphore, #tpu.memory_space<semaphore_mem>>
        tpu.enqueue_indirect_dma source(%arg13 : memref<128xf32, #tpu.memory_space<vmem>>) target(%dma_start3A_500 : memref<100000xf32, #tpu.memory_space<vmem_shared>>) offsets(%dma_start3A_498 : memref<128xi32, #tpu.memory_space<vmem>>) semaphore(%dma_start3A_502 : memref<!tpu.dma_semaphore, #tpu.memory_space<semaphore_mem>>) {add = true}
        %dma_start3A_503 = arith.constant 1 : i32
        %dma_start3A_504 = arith.constant 1 : i32
        %dma_start3A_505 = arith.constant 1 : i32
        %dma_start3A_506 = arith.constant 384 : i32
        %dma_start3A_507 = arith.constant 0 : i32
        %dma_start3A_508 = tpu.memref_slice %arg12[%dma_start3A_503, %dma_start3A_506, %dma_start3A_507] : memref<2x640x16xf32, #tpu.memory_space<vmem>> -> memref<1x128x16xf32, #tpu.memory_space<vmem>>
        %dma_start3A_509 = tpu.memref_squeeze %dma_start3A_508 : memref<1x128x16xf32, #tpu.memory_space<vmem>> -> memref<128x16xf32, #tpu.memory_space<vmem>>
        %dma_start3A_510 = arith.constant 384 : i32
        %dma_start3A_511 = tpu.memref_slice %arg11[%dma_start3A_504, %dma_start3A_510] : memref<2x640xi32, #tpu.memory_space<vmem>> -> memref<1x128xi32, #tpu.memory_space<vmem>>
        %dma_start3A_512 = tpu.memref_squeeze %dma_start3A_511 : memref<1x128xi32, #tpu.memory_space<vmem>> -> memref<128xi32, #tpu.memory_space<vmem>>
        %dma_start3A_513 = arith.constant 0 : i32
        %dma_start3A_514 = arith.constant 0 : i32
        %dma_start3A_515 = tpu.memref_slice %arg9[%dma_start3A_513, %dma_start3A_514] : memref<100000x16xf32, #tpu.memory_space<vmem_shared>> -> memref<100000x16xf32, #tpu.memory_space<vmem_shared>>
        %dma_start3A_516 = tpu.memref_slice %arg15[%dma_start3A_505] : memref<2x!tpu.dma_semaphore, #tpu.memory_space<semaphore_mem>> -> memref<1x!tpu.dma_semaphore, #tpu.memory_space<semaphore_mem>>
        %dma_start3A_517 = tpu.memref_squeeze %dma_start3A_516 : memref<1x!tpu.dma_semaphore, #tpu.memory_space<semaphore_mem>> -> memref<!tpu.dma_semaphore, #tpu.memory_space<semaphore_mem>>
        tpu.enqueue_indirect_dma source(%dma_start3A_509 : memref<128x16xf32, #tpu.memory_space<vmem>>) target(%dma_start3A_515 : memref<100000x16xf32, #tpu.memory_space<vmem_shared>>) offsets(%dma_start3A_512 : memref<128xi32, #tpu.memory_space<vmem>>) semaphore(%dma_start3A_517 : memref<!tpu.dma_semaphore, #tpu.memory_space<semaphore_mem>>) {add = true}
        %dma_start3A_518 = arith.constant 1 : i32
        %dma_start3A_519 = arith.constant 1 : i32
        %dma_start3A_520 = arith.constant 384 : i32
        %dma_start3A_521 = tpu.memref_slice %arg11[%dma_start3A_518, %dma_start3A_520] : memref<2x640xi32, #tpu.memory_space<vmem>> -> memref<1x128xi32, #tpu.memory_space<vmem>>
        %dma_start3A_522 = tpu.memref_squeeze %dma_start3A_521 : memref<1x128xi32, #tpu.memory_space<vmem>> -> memref<128xi32, #tpu.memory_space<vmem>>
        %dma_start3A_523 = arith.constant 0 : i32
        %dma_start3A_524 = tpu.memref_slice %arg10[%dma_start3A_523] : memref<100000xf32, #tpu.memory_space<vmem_shared>> -> memref<100000xf32, #tpu.memory_space<vmem_shared>>
        %dma_start3A_525 = tpu.memref_slice %arg15[%dma_start3A_519] : memref<2x!tpu.dma_semaphore, #tpu.memory_space<semaphore_mem>> -> memref<1x!tpu.dma_semaphore, #tpu.memory_space<semaphore_mem>>
        %dma_start3A_526 = tpu.memref_squeeze %dma_start3A_525 : memref<1x!tpu.dma_semaphore, #tpu.memory_space<semaphore_mem>> -> memref<!tpu.dma_semaphore, #tpu.memory_space<semaphore_mem>>
        tpu.enqueue_indirect_dma source(%arg13 : memref<128xf32, #tpu.memory_space<vmem>>) target(%dma_start3A_524 : memref<100000xf32, #tpu.memory_space<vmem_shared>>) offsets(%dma_start3A_522 : memref<128xi32, #tpu.memory_space<vmem>>) semaphore(%dma_start3A_526 : memref<!tpu.dma_semaphore, #tpu.memory_space<semaphore_mem>>) {add = true}
        %dma_start3A_527 = arith.constant 1 : i32
        %dma_start3A_528 = arith.constant 1 : i32
        %dma_start3A_529 = arith.constant 1 : i32
        %dma_start3A_530 = arith.constant 512 : i32
        %dma_start3A_531 = arith.constant 0 : i32
        %dma_start3A_532 = tpu.memref_slice %arg12[%dma_start3A_527, %dma_start3A_530, %dma_start3A_531] : memref<2x640x16xf32, #tpu.memory_space<vmem>> -> memref<1x128x16xf32, #tpu.memory_space<vmem>>
        %dma_start3A_533 = tpu.memref_squeeze %dma_start3A_532 : memref<1x128x16xf32, #tpu.memory_space<vmem>> -> memref<128x16xf32, #tpu.memory_space<vmem>>
        %dma_start3A_534 = arith.constant 512 : i32
        %dma_start3A_535 = tpu.memref_slice %arg11[%dma_start3A_528, %dma_start3A_534] : memref<2x640xi32, #tpu.memory_space<vmem>> -> memref<1x128xi32, #tpu.memory_space<vmem>>
        %dma_start3A_536 = tpu.memref_squeeze %dma_start3A_535 : memref<1x128xi32, #tpu.memory_space<vmem>> -> memref<128xi32, #tpu.memory_space<vmem>>
        %dma_start3A_537 = arith.constant 0 : i32
        %dma_start3A_538 = arith.constant 0 : i32
        %dma_start3A_539 = tpu.memref_slice %arg9[%dma_start3A_537, %dma_start3A_538] : memref<100000x16xf32, #tpu.memory_space<vmem_shared>> -> memref<100000x16xf32, #tpu.memory_space<vmem_shared>>
        %dma_start3A_540 = tpu.memref_slice %arg15[%dma_start3A_529] : memref<2x!tpu.dma_semaphore, #tpu.memory_space<semaphore_mem>> -> memref<1x!tpu.dma_semaphore, #tpu.memory_space<semaphore_mem>>
        %dma_start3A_541 = tpu.memref_squeeze %dma_start3A_540 : memref<1x!tpu.dma_semaphore, #tpu.memory_space<semaphore_mem>> -> memref<!tpu.dma_semaphore, #tpu.memory_space<semaphore_mem>>
        tpu.enqueue_indirect_dma source(%dma_start3A_533 : memref<128x16xf32, #tpu.memory_space<vmem>>) target(%dma_start3A_539 : memref<100000x16xf32, #tpu.memory_space<vmem_shared>>) offsets(%dma_start3A_536 : memref<128xi32, #tpu.memory_space<vmem>>) semaphore(%dma_start3A_541 : memref<!tpu.dma_semaphore, #tpu.memory_space<semaphore_mem>>) {add = true}
        %dma_start3A_542 = arith.constant 1 : i32
        %dma_start3A_543 = arith.constant 1 : i32
        %dma_start3A_544 = arith.constant 512 : i32
        %dma_start3A_545 = tpu.memref_slice %arg11[%dma_start3A_542, %dma_start3A_544] : memref<2x640xi32, #tpu.memory_space<vmem>> -> memref<1x128xi32, #tpu.memory_space<vmem>>
        %dma_start3A_546 = tpu.memref_squeeze %dma_start3A_545 : memref<1x128xi32, #tpu.memory_space<vmem>> -> memref<128xi32, #tpu.memory_space<vmem>>
        %dma_start3A_547 = arith.constant 0 : i32
        %dma_start3A_548 = tpu.memref_slice %arg10[%dma_start3A_547] : memref<100000xf32, #tpu.memory_space<vmem_shared>> -> memref<100000xf32, #tpu.memory_space<vmem_shared>>
        %dma_start3A_549 = tpu.memref_slice %arg15[%dma_start3A_543] : memref<2x!tpu.dma_semaphore, #tpu.memory_space<semaphore_mem>> -> memref<1x!tpu.dma_semaphore, #tpu.memory_space<semaphore_mem>>
        %dma_start3A_550 = tpu.memref_squeeze %dma_start3A_549 : memref<1x!tpu.dma_semaphore, #tpu.memory_space<semaphore_mem>> -> memref<!tpu.dma_semaphore, #tpu.memory_space<semaphore_mem>>
        tpu.enqueue_indirect_dma source(%arg13 : memref<128xf32, #tpu.memory_space<vmem>>) target(%dma_start3A_548 : memref<100000xf32, #tpu.memory_space<vmem_shared>>) offsets(%dma_start3A_546 : memref<128xi32, #tpu.memory_space<vmem>>) semaphore(%dma_start3A_550 : memref<!tpu.dma_semaphore, #tpu.memory_space<semaphore_mem>>) {add = true}
        %dma_wait3A_551 = arith.constant 1 : i32
        %dma_wait3A_552 = arith.constant 1 : i32
        %dma_wait3A_553 = arith.constant 1 : i32
        %dma_wait3A_554 = arith.constant 0 : i32
        %dma_wait3A_555 = arith.constant 0 : i32
        %dma_wait3A_556 = tpu.memref_slice %arg12[%dma_wait3A_551, %dma_wait3A_554, %dma_wait3A_555] : memref<2x640x16xf32, #tpu.memory_space<vmem>> -> memref<1x128x16xf32, #tpu.memory_space<vmem>>
        %dma_wait3A_557 = tpu.memref_squeeze %dma_wait3A_556 : memref<1x128x16xf32, #tpu.memory_space<vmem>> -> memref<128x16xf32, #tpu.memory_space<vmem>>
        %dma_wait3A_558 = arith.constant 0 : i32
        %dma_wait3A_559 = tpu.memref_slice %arg11[%dma_wait3A_552, %dma_wait3A_558] : memref<2x640xi32, #tpu.memory_space<vmem>> -> memref<1x128xi32, #tpu.memory_space<vmem>>
        %dma_wait3A_560 = tpu.memref_squeeze %dma_wait3A_559 : memref<1x128xi32, #tpu.memory_space<vmem>> -> memref<128xi32, #tpu.memory_space<vmem>>
        %dma_wait3A_561 = arith.constant 0 : i32
        %dma_wait3A_562 = arith.constant 0 : i32
        %dma_wait3A_563 = tpu.memref_slice %arg9[%dma_wait3A_561, %dma_wait3A_562] : memref<100000x16xf32, #tpu.memory_space<vmem_shared>> -> memref<100000x16xf32, #tpu.memory_space<vmem_shared>>
        %dma_wait3A_564 = tpu.memref_slice %arg15[%dma_wait3A_553] : memref<2x!tpu.dma_semaphore, #tpu.memory_space<semaphore_mem>> -> memref<1x!tpu.dma_semaphore, #tpu.memory_space<semaphore_mem>>
        %dma_wait3A_565 = tpu.memref_squeeze %dma_wait3A_564 : memref<1x!tpu.dma_semaphore, #tpu.memory_space<semaphore_mem>> -> memref<!tpu.dma_semaphore, #tpu.memory_space<semaphore_mem>>
        tpu.wait_indirect_dma semaphore(%dma_wait3A_565 : memref<!tpu.dma_semaphore, #tpu.memory_space<semaphore_mem>>) src(%dma_wait3A_557 : memref<128x16xf32, #tpu.memory_space<vmem>>) dst(%dma_wait3A_563 : memref<100000x16xf32, #tpu.memory_space<vmem_shared>>)
        %dma_wait3A_566 = arith.constant 1 : i32
        %dma_wait3A_567 = arith.constant 1 : i32
        %dma_wait3A_568 = arith.constant 0 : i32
        %dma_wait3A_569 = tpu.memref_slice %arg11[%dma_wait3A_566, %dma_wait3A_568] : memref<2x640xi32, #tpu.memory_space<vmem>> -> memref<1x128xi32, #tpu.memory_space<vmem>>
        %dma_wait3A_570 = tpu.memref_squeeze %dma_wait3A_569 : memref<1x128xi32, #tpu.memory_space<vmem>> -> memref<128xi32, #tpu.memory_space<vmem>>
        %dma_wait3A_571 = arith.constant 0 : i32
        %dma_wait3A_572 = tpu.memref_slice %arg10[%dma_wait3A_571] : memref<100000xf32, #tpu.memory_space<vmem_shared>> -> memref<100000xf32, #tpu.memory_space<vmem_shared>>
        %dma_wait3A_573 = tpu.memref_slice %arg15[%dma_wait3A_567] : memref<2x!tpu.dma_semaphore, #tpu.memory_space<semaphore_mem>> -> memref<1x!tpu.dma_semaphore, #tpu.memory_space<semaphore_mem>>
        %dma_wait3A_574 = tpu.memref_squeeze %dma_wait3A_573 : memref<1x!tpu.dma_semaphore, #tpu.memory_space<semaphore_mem>> -> memref<!tpu.dma_semaphore, #tpu.memory_space<semaphore_mem>>
        tpu.wait_indirect_dma semaphore(%dma_wait3A_574 : memref<!tpu.dma_semaphore, #tpu.memory_space<semaphore_mem>>) src(%arg13 : memref<128xf32, #tpu.memory_space<vmem>>) dst(%dma_wait3A_572 : memref<100000xf32, #tpu.memory_space<vmem_shared>>)
        %dma_wait3A_575 = arith.constant 1 : i32
        %dma_wait3A_576 = arith.constant 1 : i32
        %dma_wait3A_577 = arith.constant 1 : i32
        %dma_wait3A_578 = arith.constant 128 : i32
        %dma_wait3A_579 = arith.constant 0 : i32
        %dma_wait3A_580 = tpu.memref_slice %arg12[%dma_wait3A_575, %dma_wait3A_578, %dma_wait3A_579] : memref<2x640x16xf32, #tpu.memory_space<vmem>> -> memref<1x128x16xf32, #tpu.memory_space<vmem>>
        %dma_wait3A_581 = tpu.memref_squeeze %dma_wait3A_580 : memref<1x128x16xf32, #tpu.memory_space<vmem>> -> memref<128x16xf32, #tpu.memory_space<vmem>>
        %dma_wait3A_582 = arith.constant 128 : i32
        %dma_wait3A_583 = tpu.memref_slice %arg11[%dma_wait3A_576, %dma_wait3A_582] : memref<2x640xi32, #tpu.memory_space<vmem>> -> memref<1x128xi32, #tpu.memory_space<vmem>>
        %dma_wait3A_584 = tpu.memref_squeeze %dma_wait3A_583 : memref<1x128xi32, #tpu.memory_space<vmem>> -> memref<128xi32, #tpu.memory_space<vmem>>
        %dma_wait3A_585 = arith.constant 0 : i32
        %dma_wait3A_586 = arith.constant 0 : i32
        %dma_wait3A_587 = tpu.memref_slice %arg9[%dma_wait3A_585, %dma_wait3A_586] : memref<100000x16xf32, #tpu.memory_space<vmem_shared>> -> memref<100000x16xf32, #tpu.memory_space<vmem_shared>>
        %dma_wait3A_588 = tpu.memref_slice %arg15[%dma_wait3A_577] : memref<2x!tpu.dma_semaphore, #tpu.memory_space<semaphore_mem>> -> memref<1x!tpu.dma_semaphore, #tpu.memory_space<semaphore_mem>>
        %dma_wait3A_589 = tpu.memref_squeeze %dma_wait3A_588 : memref<1x!tpu.dma_semaphore, #tpu.memory_space<semaphore_mem>> -> memref<!tpu.dma_semaphore, #tpu.memory_space<semaphore_mem>>
        tpu.wait_indirect_dma semaphore(%dma_wait3A_589 : memref<!tpu.dma_semaphore, #tpu.memory_space<semaphore_mem>>) src(%dma_wait3A_581 : memref<128x16xf32, #tpu.memory_space<vmem>>) dst(%dma_wait3A_587 : memref<100000x16xf32, #tpu.memory_space<vmem_shared>>)
        %dma_wait3A_590 = arith.constant 1 : i32
        %dma_wait3A_591 = arith.constant 1 : i32
        %dma_wait3A_592 = arith.constant 128 : i32
        %dma_wait3A_593 = tpu.memref_slice %arg11[%dma_wait3A_590, %dma_wait3A_592] : memref<2x640xi32, #tpu.memory_space<vmem>> -> memref<1x128xi32, #tpu.memory_space<vmem>>
        %dma_wait3A_594 = tpu.memref_squeeze %dma_wait3A_593 : memref<1x128xi32, #tpu.memory_space<vmem>> -> memref<128xi32, #tpu.memory_space<vmem>>
        %dma_wait3A_595 = arith.constant 0 : i32
        %dma_wait3A_596 = tpu.memref_slice %arg10[%dma_wait3A_595] : memref<100000xf32, #tpu.memory_space<vmem_shared>> -> memref<100000xf32, #tpu.memory_space<vmem_shared>>
        %dma_wait3A_597 = tpu.memref_slice %arg15[%dma_wait3A_591] : memref<2x!tpu.dma_semaphore, #tpu.memory_space<semaphore_mem>> -> memref<1x!tpu.dma_semaphore, #tpu.memory_space<semaphore_mem>>
        %dma_wait3A_598 = tpu.memref_squeeze %dma_wait3A_597 : memref<1x!tpu.dma_semaphore, #tpu.memory_space<semaphore_mem>> -> memref<!tpu.dma_semaphore, #tpu.memory_space<semaphore_mem>>
        tpu.wait_indirect_dma semaphore(%dma_wait3A_598 : memref<!tpu.dma_semaphore, #tpu.memory_space<semaphore_mem>>) src(%arg13 : memref<128xf32, #tpu.memory_space<vmem>>) dst(%dma_wait3A_596 : memref<100000xf32, #tpu.memory_space<vmem_shared>>)
        %dma_wait3A_599 = arith.constant 1 : i32
        %dma_wait3A_600 = arith.constant 1 : i32
        %dma_wait3A_601 = arith.constant 1 : i32
        %dma_wait3A_602 = arith.constant 256 : i32
        %dma_wait3A_603 = arith.constant 0 : i32
        %dma_wait3A_604 = tpu.memref_slice %arg12[%dma_wait3A_599, %dma_wait3A_602, %dma_wait3A_603] : memref<2x640x16xf32, #tpu.memory_space<vmem>> -> memref<1x128x16xf32, #tpu.memory_space<vmem>>
        %dma_wait3A_605 = tpu.memref_squeeze %dma_wait3A_604 : memref<1x128x16xf32, #tpu.memory_space<vmem>> -> memref<128x16xf32, #tpu.memory_space<vmem>>
        %dma_wait3A_606 = arith.constant 256 : i32
        %dma_wait3A_607 = tpu.memref_slice %arg11[%dma_wait3A_600, %dma_wait3A_606] : memref<2x640xi32, #tpu.memory_space<vmem>> -> memref<1x128xi32, #tpu.memory_space<vmem>>
        %dma_wait3A_608 = tpu.memref_squeeze %dma_wait3A_607 : memref<1x128xi32, #tpu.memory_space<vmem>> -> memref<128xi32, #tpu.memory_space<vmem>>
        %dma_wait3A_609 = arith.constant 0 : i32
        %dma_wait3A_610 = arith.constant 0 : i32
        %dma_wait3A_611 = tpu.memref_slice %arg9[%dma_wait3A_609, %dma_wait3A_610] : memref<100000x16xf32, #tpu.memory_space<vmem_shared>> -> memref<100000x16xf32, #tpu.memory_space<vmem_shared>>
        %dma_wait3A_612 = tpu.memref_slice %arg15[%dma_wait3A_601] : memref<2x!tpu.dma_semaphore, #tpu.memory_space<semaphore_mem>> -> memref<1x!tpu.dma_semaphore, #tpu.memory_space<semaphore_mem>>
        %dma_wait3A_613 = tpu.memref_squeeze %dma_wait3A_612 : memref<1x!tpu.dma_semaphore, #tpu.memory_space<semaphore_mem>> -> memref<!tpu.dma_semaphore, #tpu.memory_space<semaphore_mem>>
        tpu.wait_indirect_dma semaphore(%dma_wait3A_613 : memref<!tpu.dma_semaphore, #tpu.memory_space<semaphore_mem>>) src(%dma_wait3A_605 : memref<128x16xf32, #tpu.memory_space<vmem>>) dst(%dma_wait3A_611 : memref<100000x16xf32, #tpu.memory_space<vmem_shared>>)
        %dma_wait3A_614 = arith.constant 1 : i32
        %dma_wait3A_615 = arith.constant 1 : i32
        %dma_wait3A_616 = arith.constant 256 : i32
        %dma_wait3A_617 = tpu.memref_slice %arg11[%dma_wait3A_614, %dma_wait3A_616] : memref<2x640xi32, #tpu.memory_space<vmem>> -> memref<1x128xi32, #tpu.memory_space<vmem>>
        %dma_wait3A_618 = tpu.memref_squeeze %dma_wait3A_617 : memref<1x128xi32, #tpu.memory_space<vmem>> -> memref<128xi32, #tpu.memory_space<vmem>>
        %dma_wait3A_619 = arith.constant 0 : i32
        %dma_wait3A_620 = tpu.memref_slice %arg10[%dma_wait3A_619] : memref<100000xf32, #tpu.memory_space<vmem_shared>> -> memref<100000xf32, #tpu.memory_space<vmem_shared>>
        %dma_wait3A_621 = tpu.memref_slice %arg15[%dma_wait3A_615] : memref<2x!tpu.dma_semaphore, #tpu.memory_space<semaphore_mem>> -> memref<1x!tpu.dma_semaphore, #tpu.memory_space<semaphore_mem>>
        %dma_wait3A_622 = tpu.memref_squeeze %dma_wait3A_621 : memref<1x!tpu.dma_semaphore, #tpu.memory_space<semaphore_mem>> -> memref<!tpu.dma_semaphore, #tpu.memory_space<semaphore_mem>>
        tpu.wait_indirect_dma semaphore(%dma_wait3A_622 : memref<!tpu.dma_semaphore, #tpu.memory_space<semaphore_mem>>) src(%arg13 : memref<128xf32, #tpu.memory_space<vmem>>) dst(%dma_wait3A_620 : memref<100000xf32, #tpu.memory_space<vmem_shared>>)
        %dma_wait3A_623 = arith.constant 1 : i32
        %dma_wait3A_624 = arith.constant 1 : i32
        %dma_wait3A_625 = arith.constant 1 : i32
        %dma_wait3A_626 = arith.constant 384 : i32
        %dma_wait3A_627 = arith.constant 0 : i32
        %dma_wait3A_628 = tpu.memref_slice %arg12[%dma_wait3A_623, %dma_wait3A_626, %dma_wait3A_627] : memref<2x640x16xf32, #tpu.memory_space<vmem>> -> memref<1x128x16xf32, #tpu.memory_space<vmem>>
        %dma_wait3A_629 = tpu.memref_squeeze %dma_wait3A_628 : memref<1x128x16xf32, #tpu.memory_space<vmem>> -> memref<128x16xf32, #tpu.memory_space<vmem>>
        %dma_wait3A_630 = arith.constant 384 : i32
        %dma_wait3A_631 = tpu.memref_slice %arg11[%dma_wait3A_624, %dma_wait3A_630] : memref<2x640xi32, #tpu.memory_space<vmem>> -> memref<1x128xi32, #tpu.memory_space<vmem>>
        %dma_wait3A_632 = tpu.memref_squeeze %dma_wait3A_631 : memref<1x128xi32, #tpu.memory_space<vmem>> -> memref<128xi32, #tpu.memory_space<vmem>>
        %dma_wait3A_633 = arith.constant 0 : i32
        %dma_wait3A_634 = arith.constant 0 : i32
        %dma_wait3A_635 = tpu.memref_slice %arg9[%dma_wait3A_633, %dma_wait3A_634] : memref<100000x16xf32, #tpu.memory_space<vmem_shared>> -> memref<100000x16xf32, #tpu.memory_space<vmem_shared>>
        %dma_wait3A_636 = tpu.memref_slice %arg15[%dma_wait3A_625] : memref<2x!tpu.dma_semaphore, #tpu.memory_space<semaphore_mem>> -> memref<1x!tpu.dma_semaphore, #tpu.memory_space<semaphore_mem>>
        %dma_wait3A_637 = tpu.memref_squeeze %dma_wait3A_636 : memref<1x!tpu.dma_semaphore, #tpu.memory_space<semaphore_mem>> -> memref<!tpu.dma_semaphore, #tpu.memory_space<semaphore_mem>>
        tpu.wait_indirect_dma semaphore(%dma_wait3A_637 : memref<!tpu.dma_semaphore, #tpu.memory_space<semaphore_mem>>) src(%dma_wait3A_629 : memref<128x16xf32, #tpu.memory_space<vmem>>) dst(%dma_wait3A_635 : memref<100000x16xf32, #tpu.memory_space<vmem_shared>>)
        %dma_wait3A_638 = arith.constant 1 : i32
        %dma_wait3A_639 = arith.constant 1 : i32
        %dma_wait3A_640 = arith.constant 384 : i32
        %dma_wait3A_641 = tpu.memref_slice %arg11[%dma_wait3A_638, %dma_wait3A_640] : memref<2x640xi32, #tpu.memory_space<vmem>> -> memref<1x128xi32, #tpu.memory_space<vmem>>
        %dma_wait3A_642 = tpu.memref_squeeze %dma_wait3A_641 : memref<1x128xi32, #tpu.memory_space<vmem>> -> memref<128xi32, #tpu.memory_space<vmem>>
        %dma_wait3A_643 = arith.constant 0 : i32
        %dma_wait3A_644 = tpu.memref_slice %arg10[%dma_wait3A_643] : memref<100000xf32, #tpu.memory_space<vmem_shared>> -> memref<100000xf32, #tpu.memory_space<vmem_shared>>
        %dma_wait3A_645 = tpu.memref_slice %arg15[%dma_wait3A_639] : memref<2x!tpu.dma_semaphore, #tpu.memory_space<semaphore_mem>> -> memref<1x!tpu.dma_semaphore, #tpu.memory_space<semaphore_mem>>
        %dma_wait3A_646 = tpu.memref_squeeze %dma_wait3A_645 : memref<1x!tpu.dma_semaphore, #tpu.memory_space<semaphore_mem>> -> memref<!tpu.dma_semaphore, #tpu.memory_space<semaphore_mem>>
        tpu.wait_indirect_dma semaphore(%dma_wait3A_646 : memref<!tpu.dma_semaphore, #tpu.memory_space<semaphore_mem>>) src(%arg13 : memref<128xf32, #tpu.memory_space<vmem>>) dst(%dma_wait3A_644 : memref<100000xf32, #tpu.memory_space<vmem_shared>>)
        %dma_wait3A_647 = arith.constant 1 : i32
        %dma_wait3A_648 = arith.constant 1 : i32
        %dma_wait3A_649 = arith.constant 1 : i32
        %dma_wait3A_650 = arith.constant 512 : i32
        %dma_wait3A_651 = arith.constant 0 : i32
        %dma_wait3A_652 = tpu.memref_slice %arg12[%dma_wait3A_647, %dma_wait3A_650, %dma_wait3A_651] : memref<2x640x16xf32, #tpu.memory_space<vmem>> -> memref<1x128x16xf32, #tpu.memory_space<vmem>>
        %dma_wait3A_653 = tpu.memref_squeeze %dma_wait3A_652 : memref<1x128x16xf32, #tpu.memory_space<vmem>> -> memref<128x16xf32, #tpu.memory_space<vmem>>
        %dma_wait3A_654 = arith.constant 512 : i32
        %dma_wait3A_655 = tpu.memref_slice %arg11[%dma_wait3A_648, %dma_wait3A_654] : memref<2x640xi32, #tpu.memory_space<vmem>> -> memref<1x128xi32, #tpu.memory_space<vmem>>
        %dma_wait3A_656 = tpu.memref_squeeze %dma_wait3A_655 : memref<1x128xi32, #tpu.memory_space<vmem>> -> memref<128xi32, #tpu.memory_space<vmem>>
        %dma_wait3A_657 = arith.constant 0 : i32
        %dma_wait3A_658 = arith.constant 0 : i32
        %dma_wait3A_659 = tpu.memref_slice %arg9[%dma_wait3A_657, %dma_wait3A_658] : memref<100000x16xf32, #tpu.memory_space<vmem_shared>> -> memref<100000x16xf32, #tpu.memory_space<vmem_shared>>
        %dma_wait3A_660 = tpu.memref_slice %arg15[%dma_wait3A_649] : memref<2x!tpu.dma_semaphore, #tpu.memory_space<semaphore_mem>> -> memref<1x!tpu.dma_semaphore, #tpu.memory_space<semaphore_mem>>
        %dma_wait3A_661 = tpu.memref_squeeze %dma_wait3A_660 : memref<1x!tpu.dma_semaphore, #tpu.memory_space<semaphore_mem>> -> memref<!tpu.dma_semaphore, #tpu.memory_space<semaphore_mem>>
        tpu.wait_indirect_dma semaphore(%dma_wait3A_661 : memref<!tpu.dma_semaphore, #tpu.memory_space<semaphore_mem>>) src(%dma_wait3A_653 : memref<128x16xf32, #tpu.memory_space<vmem>>) dst(%dma_wait3A_659 : memref<100000x16xf32, #tpu.memory_space<vmem_shared>>)
        %dma_wait3A_662 = arith.constant 1 : i32
        %dma_wait3A_663 = arith.constant 1 : i32
        %dma_wait3A_664 = arith.constant 512 : i32
        %dma_wait3A_665 = tpu.memref_slice %arg11[%dma_wait3A_662, %dma_wait3A_664] : memref<2x640xi32, #tpu.memory_space<vmem>> -> memref<1x128xi32, #tpu.memory_space<vmem>>
        %dma_wait3A_666 = tpu.memref_squeeze %dma_wait3A_665 : memref<1x128xi32, #tpu.memory_space<vmem>> -> memref<128xi32, #tpu.memory_space<vmem>>
        %dma_wait3A_667 = arith.constant 0 : i32
        %dma_wait3A_668 = tpu.memref_slice %arg10[%dma_wait3A_667] : memref<100000xf32, #tpu.memory_space<vmem_shared>> -> memref<100000xf32, #tpu.memory_space<vmem_shared>>
        %dma_wait3A_669 = tpu.memref_slice %arg15[%dma_wait3A_663] : memref<2x!tpu.dma_semaphore, #tpu.memory_space<semaphore_mem>> -> memref<1x!tpu.dma_semaphore, #tpu.memory_space<semaphore_mem>>
        %dma_wait3A_670 = tpu.memref_squeeze %dma_wait3A_669 : memref<1x!tpu.dma_semaphore, #tpu.memory_space<semaphore_mem>> -> memref<!tpu.dma_semaphore, #tpu.memory_space<semaphore_mem>>
        tpu.wait_indirect_dma semaphore(%dma_wait3A_670 : memref<!tpu.dma_semaphore, #tpu.memory_space<semaphore_mem>>) src(%arg13 : memref<128xf32, #tpu.memory_space<vmem>>) dst(%dma_wait3A_668 : memref<100000xf32, #tpu.memory_space<vmem_shared>>)
        %lt3A_671 = arith.cmpi slt, %add3A_395, %add3A_23 : i32
        %convert_element_type3A_672 = arith.extui %lt3A_671 : i1 to i32
        %cond3A_673 = arith.constant 0 : i32
        %cond3A_674 = arith.cmpi ne, %convert_element_type3A_672, %cond3A_673 : i32
        scf.if %cond3A_674 {
          %mul3A_675 = arith.constant 640 : i32
          %mul3A_676 = arith.muli %add3A_395, %mul3A_675 : i32
          %dma_start3A_677 = arith.constant 1 : i32
          %dma_start3A_678 = arith.constant 1 : i32
          %dma_start3A_679 = arith.constant 1 : i32
          %dma_start3A_680 = arith.constant 0 : i32
          %dma_start3A_681 = tpu.memref_slice %arg11[%dma_start3A_678, %dma_start3A_680] : memref<2x640xi32, #tpu.memory_space<vmem>> -> memref<1x640xi32, #tpu.memory_space<vmem>>
          %dma_start3A_682 = tpu.memref_squeeze %dma_start3A_681 : memref<1x640xi32, #tpu.memory_space<vmem>> -> memref<640xi32, #tpu.memory_space<vmem>>
          %dma_start3A_683 = tpu.memref_slice %arg2[%dma_start3A_677, %mul3A_676] : memref<2x3200000xi32, #tpu.memory_space<hbm>> -> memref<1x640xi32, #tpu.memory_space<hbm>>
          %dma_start3A_684 = tpu.memref_squeeze %dma_start3A_683 : memref<1x640xi32, #tpu.memory_space<hbm>> -> memref<640xi32, #tpu.memory_space<hbm>>
          %dma_start3A_685 = tpu.memref_slice %arg14[%dma_start3A_679] : memref<2x!tpu.dma_semaphore, #tpu.memory_space<semaphore_mem>> -> memref<1x!tpu.dma_semaphore, #tpu.memory_space<semaphore_mem>>
          %dma_start3A_686 = tpu.memref_squeeze %dma_start3A_685 : memref<1x!tpu.dma_semaphore, #tpu.memory_space<semaphore_mem>> -> memref<!tpu.dma_semaphore, #tpu.memory_space<semaphore_mem>>
          %dma_start3A_687 = arith.constant 0 : i32
          %dma_start3A_688 = tpu.memref_slice %arg11[%dma_start3A_678, %dma_start3A_687] : memref<2x640xi32, #tpu.memory_space<vmem>> -> memref<1x640xi32, #tpu.memory_space<vmem>>
          %dma_start3A_689 = tpu.memref_squeeze %dma_start3A_688 : memref<1x640xi32, #tpu.memory_space<vmem>> -> memref<640xi32, #tpu.memory_space<vmem>>
          %dma_start3A_690 = tpu.memref_slice %arg2[%dma_start3A_677, %mul3A_676] : memref<2x3200000xi32, #tpu.memory_space<hbm>> -> memref<1x640xi32, #tpu.memory_space<hbm>>
          %dma_start3A_691 = tpu.memref_squeeze %dma_start3A_690 : memref<1x640xi32, #tpu.memory_space<hbm>> -> memref<640xi32, #tpu.memory_space<hbm>>
          tpu.enqueue_dma source(%dma_start3A_691 : memref<640xi32, #tpu.memory_space<hbm>>) target(%dma_start3A_689 : memref<640xi32, #tpu.memory_space<vmem>>) target_semaphore(%dma_start3A_686 : memref<!tpu.dma_semaphore, #tpu.memory_space<semaphore_mem>>)
          %mul3A_692 = arith.constant 640 : i32
          %mul3A_693 = arith.muli %add3A_395, %mul3A_692 : i32
          %dma_start3A_694 = arith.constant 1 : i32
          %dma_start3A_695 = arith.constant 1 : i32
          %dma_start3A_696 = arith.constant 0 : i32
          %dma_start3A_697 = arith.constant 0 : i32
          %dma_start3A_698 = tpu.memref_slice %arg12[%dma_start3A_694, %dma_start3A_696, %dma_start3A_697] : memref<2x640x16xf32, #tpu.memory_space<vmem>> -> memref<1x640x16xf32, #tpu.memory_space<vmem>>
          %dma_start3A_699 = tpu.memref_squeeze %dma_start3A_698 : memref<1x640x16xf32, #tpu.memory_space<vmem>> -> memref<640x16xf32, #tpu.memory_space<vmem>>
          %dma_start3A_700 = arith.constant 0 : i32
          %dma_start3A_701 = tpu.memref_slice %arg3[%mul3A_693, %dma_start3A_700] : memref<3200000x16xf32, #tpu.memory_space<hbm>> -> memref<640x16xf32, #tpu.memory_space<hbm>>
          %dma_start3A_702 = tpu.memref_slice %arg14[%dma_start3A_695] : memref<2x!tpu.dma_semaphore, #tpu.memory_space<semaphore_mem>> -> memref<1x!tpu.dma_semaphore, #tpu.memory_space<semaphore_mem>>
          %dma_start3A_703 = tpu.memref_squeeze %dma_start3A_702 : memref<1x!tpu.dma_semaphore, #tpu.memory_space<semaphore_mem>> -> memref<!tpu.dma_semaphore, #tpu.memory_space<semaphore_mem>>
          %dma_start3A_704 = arith.constant 0 : i32
          %dma_start3A_705 = arith.constant 0 : i32
          %dma_start3A_706 = tpu.memref_slice %arg12[%dma_start3A_694, %dma_start3A_704, %dma_start3A_705] : memref<2x640x16xf32, #tpu.memory_space<vmem>> -> memref<1x640x16xf32, #tpu.memory_space<vmem>>
          %dma_start3A_707 = tpu.memref_squeeze %dma_start3A_706 : memref<1x640x16xf32, #tpu.memory_space<vmem>> -> memref<640x16xf32, #tpu.memory_space<vmem>>
          %dma_start3A_708 = arith.constant 0 : i32
          %dma_start3A_709 = tpu.memref_slice %arg3[%mul3A_693, %dma_start3A_708] : memref<3200000x16xf32, #tpu.memory_space<hbm>> -> memref<640x16xf32, #tpu.memory_space<hbm>>
          tpu.enqueue_dma source(%dma_start3A_709 : memref<640x16xf32, #tpu.memory_space<hbm>>) target(%dma_start3A_707 : memref<640x16xf32, #tpu.memory_space<vmem>>) target_semaphore(%dma_start3A_703 : memref<!tpu.dma_semaphore, #tpu.memory_space<semaphore_mem>>)
        } else {
        }
      } else {
      }
    }
    %while3A_90 = arith.constant 1 : i32
    scf.for %while3A_102 = %while3A_88 to %while3A_84 step %while3A_90  : i32 {
      %mul3A_103 = arith.constant 2 : i32
      %mul3A_104 = arith.muli %mul3A_103, %while3A_102 : i32
      %add3A_105 = arith.addi %add3A_17, %mul3A_104 : i32
      %add3A_106 = arith.constant 2 : i32
      %add3A_107 = arith.addi %add3A_105, %add3A_106 : i32
      %dma_wait3A = arith.constant 1 : i32
      %dma_wait3A_108 = arith.constant 0 : i32
      %dma_wait3A_109 = arith.constant 0 : i32
      %dma_wait3A_110 = arith.constant 0 : i32
      %dma_wait3A_111 = tpu.memref_slice %arg11[%dma_wait3A_108, %dma_wait3A_110] : memref<2x640xi32, #tpu.memory_space<vmem>> -> memref<1x640xi32, #tpu.memory_space<vmem>>
      %dma_wait3A_112 = tpu.memref_squeeze %dma_wait3A_111 : memref<1x640xi32, #tpu.memory_space<vmem>> -> memref<640xi32, #tpu.memory_space<vmem>>
      %dma_wait3A_113 = arith.constant 0 : i32
      %dma_wait3A_114 = tpu.memref_slice %arg2[%dma_wait3A, %dma_wait3A_113] : memref<2x3200000xi32, #tpu.memory_space<hbm>> -> memref<1x640xi32, #tpu.memory_space<hbm>>
      %dma_wait3A_115 = tpu.memref_squeeze %dma_wait3A_114 : memref<1x640xi32, #tpu.memory_space<hbm>> -> memref<640xi32, #tpu.memory_space<hbm>>
      %dma_wait3A_116 = tpu.memref_slice %arg14[%dma_wait3A_109] : memref<2x!tpu.dma_semaphore, #tpu.memory_space<semaphore_mem>> -> memref<1x!tpu.dma_semaphore, #tpu.memory_space<semaphore_mem>>
      %dma_wait3A_117 = tpu.memref_squeeze %dma_wait3A_116 : memref<1x!tpu.dma_semaphore, #tpu.memory_space<semaphore_mem>> -> memref<!tpu.dma_semaphore, #tpu.memory_space<semaphore_mem>>
      %dma_wait3A_118 = arith.constant 0 : i32
      %dma_wait3A_119 = tpu.memref_slice %arg11[%dma_wait3A_108, %dma_wait3A_118] : memref<2x640xi32, #tpu.memory_space<vmem>> -> memref<1x640xi32, #tpu.memory_space<vmem>>
      %dma_wait3A_120 = tpu.memref_squeeze %dma_wait3A_119 : memref<1x640xi32, #tpu.memory_space<vmem>> -> memref<640xi32, #tpu.memory_space<vmem>>
      %dma_wait3A_121 = arith.constant 0 : i32
      %dma_wait3A_122 = tpu.memref_slice %arg2[%dma_wait3A, %dma_wait3A_121] : memref<2x3200000xi32, #tpu.memory_space<hbm>> -> memref<1x640xi32, #tpu.memory_space<hbm>>
      %dma_wait3A_123 = tpu.memref_squeeze %dma_wait3A_122 : memref<1x640xi32, #tpu.memory_space<hbm>> -> memref<640xi32, #tpu.memory_space<hbm>>
      tpu.wait_dma2 semaphore(%dma_wait3A_117 : memref<!tpu.dma_semaphore, #tpu.memory_space<semaphore_mem>>) src(%dma_wait3A_123 : memref<640xi32, #tpu.memory_space<hbm>>) dst(%dma_wait3A_120 : memref<640xi32, #tpu.memory_space<vmem>>)
      %dma_wait3A_124 = arith.constant 0 : i32
      %dma_wait3A_125 = arith.constant 0 : i32
      %dma_wait3A_126 = arith.constant 0 : i32
      %dma_wait3A_127 = arith.constant 0 : i32
      %dma_wait3A_128 = tpu.memref_slice %arg12[%dma_wait3A_124, %dma_wait3A_126, %dma_wait3A_127] : memref<2x640x16xf32, #tpu.memory_space<vmem>> -> memref<1x640x16xf32, #tpu.memory_space<vmem>>
      %dma_wait3A_129 = tpu.memref_squeeze %dma_wait3A_128 : memref<1x640x16xf32, #tpu.memory_space<vmem>> -> memref<640x16xf32, #tpu.memory_space<vmem>>
      %dma_wait3A_130 = arith.constant 0 : i32
      %dma_wait3A_131 = arith.constant 0 : i32
      %dma_wait3A_132 = tpu.memref_slice %arg3[%dma_wait3A_130, %dma_wait3A_131] : memref<3200000x16xf32, #tpu.memory_space<hbm>> -> memref<640x16xf32, #tpu.memory_space<hbm>>
      %dma_wait3A_133 = tpu.memref_slice %arg14[%dma_wait3A_125] : memref<2x!tpu.dma_semaphore, #tpu.memory_space<semaphore_mem>> -> memref<1x!tpu.dma_semaphore, #tpu.memory_space<semaphore_mem>>
      %dma_wait3A_134 = tpu.memref_squeeze %dma_wait3A_133 : memref<1x!tpu.dma_semaphore, #tpu.memory_space<semaphore_mem>> -> memref<!tpu.dma_semaphore, #tpu.memory_space<semaphore_mem>>
      %dma_wait3A_135 = arith.constant 0 : i32
      %dma_wait3A_136 = arith.constant 0 : i32
      %dma_wait3A_137 = tpu.memref_slice %arg12[%dma_wait3A_124, %dma_wait3A_135, %dma_wait3A_136] : memref<2x640x16xf32, #tpu.memory_space<vmem>> -> memref<1x640x16xf32, #tpu.memory_space<vmem>>
      %dma_wait3A_138 = tpu.memref_squeeze %dma_wait3A_137 : memref<1x640x16xf32, #tpu.memory_space<vmem>> -> memref<640x16xf32, #tpu.memory_space<vmem>>
      %dma_wait3A_139 = arith.constant 0 : i32
      %dma_wait3A_140 = arith.constant 0 : i32
      %dma_wait3A_141 = tpu.memref_slice %arg3[%dma_wait3A_139, %dma_wait3A_140] : memref<3200000x16xf32, #tpu.memory_space<hbm>> -> memref<640x16xf32, #tpu.memory_space<hbm>>
      tpu.wait_dma2 semaphore(%dma_wait3A_134 : memref<!tpu.dma_semaphore, #tpu.memory_space<semaphore_mem>>) src(%dma_wait3A_141 : memref<640x16xf32, #tpu.memory_space<hbm>>) dst(%dma_wait3A_138 : memref<640x16xf32, #tpu.memory_space<vmem>>)
      %dma_start3A_142 = arith.constant 0 : i32
      %dma_start3A_143 = arith.constant 0 : i32
      %dma_start3A_144 = arith.constant 0 : i32
      %dma_start3A_145 = arith.constant 0 : i32
      %dma_start3A_146 = arith.constant 0 : i32
      %dma_start3A_147 = tpu.memref_slice %arg12[%dma_start3A_142, %dma_start3A_145, %dma_start3A_146] : memref<2x640x16xf32, #tpu.memory_space<vmem>> -> memref<1x128x16xf32, #tpu.memory_space<vmem>>
      %dma_start3A_148 = tpu.memref_squeeze %dma_start3A_147 : memref<1x128x16xf32, #tpu.memory_space<vmem>> -> memref<128x16xf32, #tpu.memory_space<vmem>>
      %dma_start3A_149 = arith.constant 0 : i32
      %dma_start3A_150 = tpu.memref_slice %arg11[%dma_start3A_143, %dma_start3A_149] : memref<2x640xi32, #tpu.memory_space<vmem>> -> memref<1x128xi32, #tpu.memory_space<vmem>>
      %dma_start3A_151 = tpu.memref_squeeze %dma_start3A_150 : memref<1x128xi32, #tpu.memory_space<vmem>> -> memref<128xi32, #tpu.memory_space<vmem>>
      %dma_start3A_152 = arith.constant 0 : i32
      %dma_start3A_153 = arith.constant 0 : i32
      %dma_start3A_154 = tpu.memref_slice %arg9[%dma_start3A_152, %dma_start3A_153] : memref<100000x16xf32, #tpu.memory_space<vmem_shared>> -> memref<100000x16xf32, #tpu.memory_space<vmem_shared>>
      %dma_start3A_155 = tpu.memref_slice %arg15[%dma_start3A_144] : memref<2x!tpu.dma_semaphore, #tpu.memory_space<semaphore_mem>> -> memref<1x!tpu.dma_semaphore, #tpu.memory_space<semaphore_mem>>
      %dma_start3A_156 = tpu.memref_squeeze %dma_start3A_155 : memref<1x!tpu.dma_semaphore, #tpu.memory_space<semaphore_mem>> -> memref<!tpu.dma_semaphore, #tpu.memory_space<semaphore_mem>>
      tpu.enqueue_indirect_dma source(%dma_start3A_148 : memref<128x16xf32, #tpu.memory_space<vmem>>) target(%dma_start3A_154 : memref<100000x16xf32, #tpu.memory_space<vmem_shared>>) offsets(%dma_start3A_151 : memref<128xi32, #tpu.memory_space<vmem>>) semaphore(%dma_start3A_156 : memref<!tpu.dma_semaphore, #tpu.memory_space<semaphore_mem>>) {add = true}
      %dma_start3A_157 = arith.constant 0 : i32
      %dma_start3A_158 = arith.constant 0 : i32
      %dma_start3A_159 = arith.constant 0 : i32
      %dma_start3A_160 = tpu.memref_slice %arg11[%dma_start3A_157, %dma_start3A_159] : memref<2x640xi32, #tpu.memory_space<vmem>> -> memref<1x128xi32, #tpu.memory_space<vmem>>
      %dma_start3A_161 = tpu.memref_squeeze %dma_start3A_160 : memref<1x128xi32, #tpu.memory_space<vmem>> -> memref<128xi32, #tpu.memory_space<vmem>>
      %dma_start3A_162 = arith.constant 0 : i32
      %dma_start3A_163 = tpu.memref_slice %arg10[%dma_start3A_162] : memref<100000xf32, #tpu.memory_space<vmem_shared>> -> memref<100000xf32, #tpu.memory_space<vmem_shared>>
      %dma_start3A_164 = tpu.memref_slice %arg15[%dma_start3A_158] : memref<2x!tpu.dma_semaphore, #tpu.memory_space<semaphore_mem>> -> memref<1x!tpu.dma_semaphore, #tpu.memory_space<semaphore_mem>>
      %dma_start3A_165 = tpu.memref_squeeze %dma_start3A_164 : memref<1x!tpu.dma_semaphore, #tpu.memory_space<semaphore_mem>> -> memref<!tpu.dma_semaphore, #tpu.memory_space<semaphore_mem>>
      tpu.enqueue_indirect_dma source(%arg13 : memref<128xf32, #tpu.memory_space<vmem>>) target(%dma_start3A_163 : memref<100000xf32, #tpu.memory_space<vmem_shared>>) offsets(%dma_start3A_161 : memref<128xi32, #tpu.memory_space<vmem>>) semaphore(%dma_start3A_165 : memref<!tpu.dma_semaphore, #tpu.memory_space<semaphore_mem>>) {add = true}
      %dma_start3A_166 = arith.constant 0 : i32
      %dma_start3A_167 = arith.constant 0 : i32
      %dma_start3A_168 = arith.constant 0 : i32
      %dma_start3A_169 = arith.constant 128 : i32
      %dma_start3A_170 = arith.constant 0 : i32
      %dma_start3A_171 = tpu.memref_slice %arg12[%dma_start3A_166, %dma_start3A_169, %dma_start3A_170] : memref<2x640x16xf32, #tpu.memory_space<vmem>> -> memref<1x128x16xf32, #tpu.memory_space<vmem>>
      %dma_start3A_172 = tpu.memref_squeeze %dma_start3A_171 : memref<1x128x16xf32, #tpu.memory_space<vmem>> -> memref<128x16xf32, #tpu.memory_space<vmem>>
      %dma_start3A_173 = arith.constant 128 : i32
      %dma_start3A_174 = tpu.memref_slice %arg11[%dma_start3A_167, %dma_start3A_173] : memref<2x640xi32, #tpu.memory_space<vmem>> -> memref<1x128xi32, #tpu.memory_space<vmem>>
      %dma_start3A_175 = tpu.memref_squeeze %dma_start3A_174 : memref<1x128xi32, #tpu.memory_space<vmem>> -> memref<128xi32, #tpu.memory_space<vmem>>
      %dma_start3A_176 = arith.constant 0 : i32
      %dma_start3A_177 = arith.constant 0 : i32
      %dma_start3A_178 = tpu.memref_slice %arg9[%dma_start3A_176, %dma_start3A_177] : memref<100000x16xf32, #tpu.memory_space<vmem_shared>> -> memref<100000x16xf32, #tpu.memory_space<vmem_shared>>
      %dma_start3A_179 = tpu.memref_slice %arg15[%dma_start3A_168] : memref<2x!tpu.dma_semaphore, #tpu.memory_space<semaphore_mem>> -> memref<1x!tpu.dma_semaphore, #tpu.memory_space<semaphore_mem>>
      %dma_start3A_180 = tpu.memref_squeeze %dma_start3A_179 : memref<1x!tpu.dma_semaphore, #tpu.memory_space<semaphore_mem>> -> memref<!tpu.dma_semaphore, #tpu.memory_space<semaphore_mem>>
      tpu.enqueue_indirect_dma source(%dma_start3A_172 : memref<128x16xf32, #tpu.memory_space<vmem>>) target(%dma_start3A_178 : memref<100000x16xf32, #tpu.memory_space<vmem_shared>>) offsets(%dma_start3A_175 : memref<128xi32, #tpu.memory_space<vmem>>) semaphore(%dma_start3A_180 : memref<!tpu.dma_semaphore, #tpu.memory_space<semaphore_mem>>) {add = true}
      %dma_start3A_181 = arith.constant 0 : i32
      %dma_start3A_182 = arith.constant 0 : i32
      %dma_start3A_183 = arith.constant 128 : i32
      %dma_start3A_184 = tpu.memref_slice %arg11[%dma_start3A_181, %dma_start3A_183] : memref<2x640xi32, #tpu.memory_space<vmem>> -> memref<1x128xi32, #tpu.memory_space<vmem>>
      %dma_start3A_185 = tpu.memref_squeeze %dma_start3A_184 : memref<1x128xi32, #tpu.memory_space<vmem>> -> memref<128xi32, #tpu.memory_space<vmem>>
      %dma_start3A_186 = arith.constant 0 : i32
      %dma_start3A_187 = tpu.memref_slice %arg10[%dma_start3A_186] : memref<100000xf32, #tpu.memory_space<vmem_shared>> -> memref<100000xf32, #tpu.memory_space<vmem_shared>>
      %dma_start3A_188 = tpu.memref_slice %arg15[%dma_start3A_182] : memref<2x!tpu.dma_semaphore, #tpu.memory_space<semaphore_mem>> -> memref<1x!tpu.dma_semaphore, #tpu.memory_space<semaphore_mem>>
      %dma_start3A_189 = tpu.memref_squeeze %dma_start3A_188 : memref<1x!tpu.dma_semaphore, #tpu.memory_space<semaphore_mem>> -> memref<!tpu.dma_semaphore, #tpu.memory_space<semaphore_mem>>
      tpu.enqueue_indirect_dma source(%arg13 : memref<128xf32, #tpu.memory_space<vmem>>) target(%dma_start3A_187 : memref<100000xf32, #tpu.memory_space<vmem_shared>>) offsets(%dma_start3A_185 : memref<128xi32, #tpu.memory_space<vmem>>) semaphore(%dma_start3A_189 : memref<!tpu.dma_semaphore, #tpu.memory_space<semaphore_mem>>) {add = true}
      %dma_start3A_190 = arith.constant 0 : i32
      %dma_start3A_191 = arith.constant 0 : i32
      %dma_start3A_192 = arith.constant 0 : i32
      %dma_start3A_193 = arith.constant 256 : i32
      %dma_start3A_194 = arith.constant 0 : i32
      %dma_start3A_195 = tpu.memref_slice %arg12[%dma_start3A_190, %dma_start3A_193, %dma_start3A_194] : memref<2x640x16xf32, #tpu.memory_space<vmem>> -> memref<1x128x16xf32, #tpu.memory_space<vmem>>
      %dma_start3A_196 = tpu.memref_squeeze %dma_start3A_195 : memref<1x128x16xf32, #tpu.memory_space<vmem>> -> memref<128x16xf32, #tpu.memory_space<vmem>>
      %dma_start3A_197 = arith.constant 256 : i32
      %dma_start3A_198 = tpu.memref_slice %arg11[%dma_start3A_191, %dma_start3A_197] : memref<2x640xi32, #tpu.memory_space<vmem>> -> memref<1x128xi32, #tpu.memory_space<vmem>>
      %dma_start3A_199 = tpu.memref_squeeze %dma_start3A_198 : memref<1x128xi32, #tpu.memory_space<vmem>> -> memref<128xi32, #tpu.memory_space<vmem>>
      %dma_start3A_200 = arith.constant 0 : i32
      %dma_start3A_201 = arith.constant 0 : i32
      %dma_start3A_202 = tpu.memref_slice %arg9[%dma_start3A_200, %dma_start3A_201] : memref<100000x16xf32, #tpu.memory_space<vmem_shared>> -> memref<100000x16xf32, #tpu.memory_space<vmem_shared>>
      %dma_start3A_203 = tpu.memref_slice %arg15[%dma_start3A_192] : memref<2x!tpu.dma_semaphore, #tpu.memory_space<semaphore_mem>> -> memref<1x!tpu.dma_semaphore, #tpu.memory_space<semaphore_mem>>
      %dma_start3A_204 = tpu.memref_squeeze %dma_start3A_203 : memref<1x!tpu.dma_semaphore, #tpu.memory_space<semaphore_mem>> -> memref<!tpu.dma_semaphore, #tpu.memory_space<semaphore_mem>>
      tpu.enqueue_indirect_dma source(%dma_start3A_196 : memref<128x16xf32, #tpu.memory_space<vmem>>) target(%dma_start3A_202 : memref<100000x16xf32, #tpu.memory_space<vmem_shared>>) offsets(%dma_start3A_199 : memref<128xi32, #tpu.memory_space<vmem>>) semaphore(%dma_start3A_204 : memref<!tpu.dma_semaphore, #tpu.memory_space<semaphore_mem>>) {add = true}
      %dma_start3A_205 = arith.constant 0 : i32
      %dma_start3A_206 = arith.constant 0 : i32
      %dma_start3A_207 = arith.constant 256 : i32
      %dma_start3A_208 = tpu.memref_slice %arg11[%dma_start3A_205, %dma_start3A_207] : memref<2x640xi32, #tpu.memory_space<vmem>> -> memref<1x128xi32, #tpu.memory_space<vmem>>
      %dma_start3A_209 = tpu.memref_squeeze %dma_start3A_208 : memref<1x128xi32, #tpu.memory_space<vmem>> -> memref<128xi32, #tpu.memory_space<vmem>>
      %dma_start3A_210 = arith.constant 0 : i32
      %dma_start3A_211 = tpu.memref_slice %arg10[%dma_start3A_210] : memref<100000xf32, #tpu.memory_space<vmem_shared>> -> memref<100000xf32, #tpu.memory_space<vmem_shared>>
      %dma_start3A_212 = tpu.memref_slice %arg15[%dma_start3A_206] : memref<2x!tpu.dma_semaphore, #tpu.memory_space<semaphore_mem>> -> memref<1x!tpu.dma_semaphore, #tpu.memory_space<semaphore_mem>>
      %dma_start3A_213 = tpu.memref_squeeze %dma_start3A_212 : memref<1x!tpu.dma_semaphore, #tpu.memory_space<semaphore_mem>> -> memref<!tpu.dma_semaphore, #tpu.memory_space<semaphore_mem>>
      tpu.enqueue_indirect_dma source(%arg13 : memref<128xf32, #tpu.memory_space<vmem>>) target(%dma_start3A_211 : memref<100000xf32, #tpu.memory_space<vmem_shared>>) offsets(%dma_start3A_209 : memref<128xi32, #tpu.memory_space<vmem>>) semaphore(%dma_start3A_213 : memref<!tpu.dma_semaphore, #tpu.memory_space<semaphore_mem>>) {add = true}
      %dma_start3A_214 = arith.constant 0 : i32
      %dma_start3A_215 = arith.constant 0 : i32
      %dma_start3A_216 = arith.constant 0 : i32
      %dma_start3A_217 = arith.constant 384 : i32
      %dma_start3A_218 = arith.constant 0 : i32
      %dma_start3A_219 = tpu.memref_slice %arg12[%dma_start3A_214, %dma_start3A_217, %dma_start3A_218] : memref<2x640x16xf32, #tpu.memory_space<vmem>> -> memref<1x128x16xf32, #tpu.memory_space<vmem>>
      %dma_start3A_220 = tpu.memref_squeeze %dma_start3A_219 : memref<1x128x16xf32, #tpu.memory_space<vmem>> -> memref<128x16xf32, #tpu.memory_space<vmem>>
      %dma_start3A_221 = arith.constant 384 : i32
      %dma_start3A_222 = tpu.memref_slice %arg11[%dma_start3A_215, %dma_start3A_221] : memref<2x640xi32, #tpu.memory_space<vmem>> -> memref<1x128xi32, #tpu.memory_space<vmem>>
      %dma_start3A_223 = tpu.memref_squeeze %dma_start3A_222 : memref<1x128xi32, #tpu.memory_space<vmem>> -> memref<128xi32, #tpu.memory_space<vmem>>
      %dma_start3A_224 = arith.constant 0 : i32
      %dma_start3A_225 = arith.constant 0 : i32
      %dma_start3A_226 = tpu.memref_slice %arg9[%dma_start3A_224, %dma_start3A_225] : memref<100000x16xf32, #tpu.memory_space<vmem_shared>> -> memref<100000x16xf32, #tpu.memory_space<vmem_shared>>
      %dma_start3A_227 = tpu.memref_slice %arg15[%dma_start3A_216] : memref<2x!tpu.dma_semaphore, #tpu.memory_space<semaphore_mem>> -> memref<1x!tpu.dma_semaphore, #tpu.memory_space<semaphore_mem>>
      %dma_start3A_228 = tpu.memref_squeeze %dma_start3A_227 : memref<1x!tpu.dma_semaphore, #tpu.memory_space<semaphore_mem>> -> memref<!tpu.dma_semaphore, #tpu.memory_space<semaphore_mem>>
      tpu.enqueue_indirect_dma source(%dma_start3A_220 : memref<128x16xf32, #tpu.memory_space<vmem>>) target(%dma_start3A_226 : memref<100000x16xf32, #tpu.memory_space<vmem_shared>>) offsets(%dma_start3A_223 : memref<128xi32, #tpu.memory_space<vmem>>) semaphore(%dma_start3A_228 : memref<!tpu.dma_semaphore, #tpu.memory_space<semaphore_mem>>) {add = true}
      %dma_start3A_229 = arith.constant 0 : i32
      %dma_start3A_230 = arith.constant 0 : i32
      %dma_start3A_231 = arith.constant 384 : i32
      %dma_start3A_232 = tpu.memref_slice %arg11[%dma_start3A_229, %dma_start3A_231] : memref<2x640xi32, #tpu.memory_space<vmem>> -> memref<1x128xi32, #tpu.memory_space<vmem>>
      %dma_start3A_233 = tpu.memref_squeeze %dma_start3A_232 : memref<1x128xi32, #tpu.memory_space<vmem>> -> memref<128xi32, #tpu.memory_space<vmem>>
      %dma_start3A_234 = arith.constant 0 : i32
      %dma_start3A_235 = tpu.memref_slice %arg10[%dma_start3A_234] : memref<100000xf32, #tpu.memory_space<vmem_shared>> -> memref<100000xf32, #tpu.memory_space<vmem_shared>>
      %dma_start3A_236 = tpu.memref_slice %arg15[%dma_start3A_230] : memref<2x!tpu.dma_semaphore, #tpu.memory_space<semaphore_mem>> -> memref<1x!tpu.dma_semaphore, #tpu.memory_space<semaphore_mem>>
      %dma_start3A_237 = tpu.memref_squeeze %dma_start3A_236 : memref<1x!tpu.dma_semaphore, #tpu.memory_space<semaphore_mem>> -> memref<!tpu.dma_semaphore, #tpu.memory_space<semaphore_mem>>
      tpu.enqueue_indirect_dma source(%arg13 : memref<128xf32, #tpu.memory_space<vmem>>) target(%dma_start3A_235 : memref<100000xf32, #tpu.memory_space<vmem_shared>>) offsets(%dma_start3A_233 : memref<128xi32, #tpu.memory_space<vmem>>) semaphore(%dma_start3A_237 : memref<!tpu.dma_semaphore, #tpu.memory_space<semaphore_mem>>) {add = true}
      %dma_start3A_238 = arith.constant 0 : i32
      %dma_start3A_239 = arith.constant 0 : i32
      %dma_start3A_240 = arith.constant 0 : i32
      %dma_start3A_241 = arith.constant 512 : i32
      %dma_start3A_242 = arith.constant 0 : i32
      %dma_start3A_243 = tpu.memref_slice %arg12[%dma_start3A_238, %dma_start3A_241, %dma_start3A_242] : memref<2x640x16xf32, #tpu.memory_space<vmem>> -> memref<1x128x16xf32, #tpu.memory_space<vmem>>
      %dma_start3A_244 = tpu.memref_squeeze %dma_start3A_243 : memref<1x128x16xf32, #tpu.memory_space<vmem>> -> memref<128x16xf32, #tpu.memory_space<vmem>>
      %dma_start3A_245 = arith.constant 512 : i32
      %dma_start3A_246 = tpu.memref_slice %arg11[%dma_start3A_239, %dma_start3A_245] : memref<2x640xi32, #tpu.memory_space<vmem>> -> memref<1x128xi32, #tpu.memory_space<vmem>>
      %dma_start3A_247 = tpu.memref_squeeze %dma_start3A_246 : memref<1x128xi32, #tpu.memory_space<vmem>> -> memref<128xi32, #tpu.memory_space<vmem>>
      %dma_start3A_248 = arith.constant 0 : i32
      %dma_start3A_249 = arith.constant 0 : i32
      %dma_start3A_250 = tpu.memref_slice %arg9[%dma_start3A_248, %dma_start3A_249] : memref<100000x16xf32, #tpu.memory_space<vmem_shared>> -> memref<100000x16xf32, #tpu.memory_space<vmem_shared>>
      %dma_start3A_251 = tpu.memref_slice %arg15[%dma_start3A_240] : memref<2x!tpu.dma_semaphore, #tpu.memory_space<semaphore_mem>> -> memref<1x!tpu.dma_semaphore, #tpu.memory_space<semaphore_mem>>
      %dma_start3A_252 = tpu.memref_squeeze %dma_start3A_251 : memref<1x!tpu.dma_semaphore, #tpu.memory_space<semaphore_mem>> -> memref<!tpu.dma_semaphore, #tpu.memory_space<semaphore_mem>>
      tpu.enqueue_indirect_dma source(%dma_start3A_244 : memref<128x16xf32, #tpu.memory_space<vmem>>) target(%dma_start3A_250 : memref<100000x16xf32, #tpu.memory_space<vmem_shared>>) offsets(%dma_start3A_247 : memref<128xi32, #tpu.memory_space<vmem>>) semaphore(%dma_start3A_252 : memref<!tpu.dma_semaphore, #tpu.memory_space<semaphore_mem>>) {add = true}
      %dma_start3A_253 = arith.constant 0 : i32
      %dma_start3A_254 = arith.constant 0 : i32
      %dma_start3A_255 = arith.constant 512 : i32
      %dma_start3A_256 = tpu.memref_slice %arg11[%dma_start3A_253, %dma_start3A_255] : memref<2x640xi32, #tpu.memory_space<vmem>> -> memref<1x128xi32, #tpu.memory_space<vmem>>
      %dma_start3A_257 = tpu.memref_squeeze %dma_start3A_256 : memref<1x128xi32, #tpu.memory_space<vmem>> -> memref<128xi32, #tpu.memory_space<vmem>>
      %dma_start3A_258 = arith.constant 0 : i32
      %dma_start3A_259 = tpu.memref_slice %arg10[%dma_start3A_258] : memref<100000xf32, #tpu.memory_space<vmem_shared>> -> memref<100000xf32, #tpu.memory_space<vmem_shared>>
      %dma_start3A_260 = tpu.memref_slice %arg15[%dma_start3A_254] : memref<2x!tpu.dma_semaphore, #tpu.memory_space<semaphore_mem>> -> memref<1x!tpu.dma_semaphore, #tpu.memory_space<semaphore_mem>>
      %dma_start3A_261 = tpu.memref_squeeze %dma_start3A_260 : memref<1x!tpu.dma_semaphore, #tpu.memory_space<semaphore_mem>> -> memref<!tpu.dma_semaphore, #tpu.memory_space<semaphore_mem>>
      tpu.enqueue_indirect_dma source(%arg13 : memref<128xf32, #tpu.memory_space<vmem>>) target(%dma_start3A_259 : memref<100000xf32, #tpu.memory_space<vmem_shared>>) offsets(%dma_start3A_257 : memref<128xi32, #tpu.memory_space<vmem>>) semaphore(%dma_start3A_261 : memref<!tpu.dma_semaphore, #tpu.memory_space<semaphore_mem>>) {add = true}
      %dma_wait3A_262 = arith.constant 0 : i32
      %dma_wait3A_263 = arith.constant 0 : i32
      %dma_wait3A_264 = arith.constant 0 : i32
      %dma_wait3A_265 = arith.constant 0 : i32
      %dma_wait3A_266 = arith.constant 0 : i32
      %dma_wait3A_267 = tpu.memref_slice %arg12[%dma_wait3A_262, %dma_wait3A_265, %dma_wait3A_266] : memref<2x640x16xf32, #tpu.memory_space<vmem>> -> memref<1x128x16xf32, #tpu.memory_space<vmem>>
      %dma_wait3A_268 = tpu.memref_squeeze %dma_wait3A_267 : memref<1x128x16xf32, #tpu.memory_space<vmem>> -> memref<128x16xf32, #tpu.memory_space<vmem>>
      %dma_wait3A_269 = arith.constant 0 : i32
      %dma_wait3A_270 = tpu.memref_slice %arg11[%dma_wait3A_263, %dma_wait3A_269] : memref<2x640xi32, #tpu.memory_space<vmem>> -> memref<1x128xi32, #tpu.memory_space<vmem>>
      %dma_wait3A_271 = tpu.memref_squeeze %dma_wait3A_270 : memref<1x128xi32, #tpu.memory_space<vmem>> -> memref<128xi32, #tpu.memory_space<vmem>>
      %dma_wait3A_272 = arith.constant 0 : i32
      %dma_wait3A_273 = arith.constant 0 : i32
      %dma_wait3A_274 = tpu.memref_slice %arg9[%dma_wait3A_272, %dma_wait3A_273] : memref<100000x16xf32, #tpu.memory_space<vmem_shared>> -> memref<100000x16xf32, #tpu.memory_space<vmem_shared>>
      %dma_wait3A_275 = tpu.memref_slice %arg15[%dma_wait3A_264] : memref<2x!tpu.dma_semaphore, #tpu.memory_space<semaphore_mem>> -> memref<1x!tpu.dma_semaphore, #tpu.memory_space<semaphore_mem>>
      %dma_wait3A_276 = tpu.memref_squeeze %dma_wait3A_275 : memref<1x!tpu.dma_semaphore, #tpu.memory_space<semaphore_mem>> -> memref<!tpu.dma_semaphore, #tpu.memory_space<semaphore_mem>>
      tpu.wait_indirect_dma semaphore(%dma_wait3A_276 : memref<!tpu.dma_semaphore, #tpu.memory_space<semaphore_mem>>) src(%dma_wait3A_268 : memref<128x16xf32, #tpu.memory_space<vmem>>) dst(%dma_wait3A_274 : memref<100000x16xf32, #tpu.memory_space<vmem_shared>>)
      %dma_wait3A_277 = arith.constant 0 : i32
      %dma_wait3A_278 = arith.constant 0 : i32
      %dma_wait3A_279 = arith.constant 0 : i32
      %dma_wait3A_280 = tpu.memref_slice %arg11[%dma_wait3A_277, %dma_wait3A_279] : memref<2x640xi32, #tpu.memory_space<vmem>> -> memref<1x128xi32, #tpu.memory_space<vmem>>
      %dma_wait3A_281 = tpu.memref_squeeze %dma_wait3A_280 : memref<1x128xi32, #tpu.memory_space<vmem>> -> memref<128xi32, #tpu.memory_space<vmem>>
      %dma_wait3A_282 = arith.constant 0 : i32
      %dma_wait3A_283 = tpu.memref_slice %arg10[%dma_wait3A_282] : memref<100000xf32, #tpu.memory_space<vmem_shared>> -> memref<100000xf32, #tpu.memory_space<vmem_shared>>
      %dma_wait3A_284 = tpu.memref_slice %arg15[%dma_wait3A_278] : memref<2x!tpu.dma_semaphore, #tpu.memory_space<semaphore_mem>> -> memref<1x!tpu.dma_semaphore, #tpu.memory_space<semaphore_mem>>
      %dma_wait3A_285 = tpu.memref_squeeze %dma_wait3A_284 : memref<1x!tpu.dma_semaphore, #tpu.memory_space<semaphore_mem>> -> memref<!tpu.dma_semaphore, #tpu.memory_space<semaphore_mem>>
      tpu.wait_indirect_dma semaphore(%dma_wait3A_285 : memref<!tpu.dma_semaphore, #tpu.memory_space<semaphore_mem>>) src(%arg13 : memref<128xf32, #tpu.memory_space<vmem>>) dst(%dma_wait3A_283 : memref<100000xf32, #tpu.memory_space<vmem_shared>>)
      %dma_wait3A_286 = arith.constant 0 : i32
      %dma_wait3A_287 = arith.constant 0 : i32
      %dma_wait3A_288 = arith.constant 0 : i32
      %dma_wait3A_289 = arith.constant 128 : i32
      %dma_wait3A_290 = arith.constant 0 : i32
      %dma_wait3A_291 = tpu.memref_slice %arg12[%dma_wait3A_286, %dma_wait3A_289, %dma_wait3A_290] : memref<2x640x16xf32, #tpu.memory_space<vmem>> -> memref<1x128x16xf32, #tpu.memory_space<vmem>>
      %dma_wait3A_292 = tpu.memref_squeeze %dma_wait3A_291 : memref<1x128x16xf32, #tpu.memory_space<vmem>> -> memref<128x16xf32, #tpu.memory_space<vmem>>
      %dma_wait3A_293 = arith.constant 128 : i32
      %dma_wait3A_294 = tpu.memref_slice %arg11[%dma_wait3A_287, %dma_wait3A_293] : memref<2x640xi32, #tpu.memory_space<vmem>> -> memref<1x128xi32, #tpu.memory_space<vmem>>
      %dma_wait3A_295 = tpu.memref_squeeze %dma_wait3A_294 : memref<1x128xi32, #tpu.memory_space<vmem>> -> memref<128xi32, #tpu.memory_space<vmem>>
      %dma_wait3A_296 = arith.constant 0 : i32
      %dma_wait3A_297 = arith.constant 0 : i32
      %dma_wait3A_298 = tpu.memref_slice %arg9[%dma_wait3A_296, %dma_wait3A_297] : memref<100000x16xf32, #tpu.memory_space<vmem_shared>> -> memref<100000x16xf32, #tpu.memory_space<vmem_shared>>
      %dma_wait3A_299 = tpu.memref_slice %arg15[%dma_wait3A_288] : memref<2x!tpu.dma_semaphore, #tpu.memory_space<semaphore_mem>> -> memref<1x!tpu.dma_semaphore, #tpu.memory_space<semaphore_mem>>
      %dma_wait3A_300 = tpu.memref_squeeze %dma_wait3A_299 : memref<1x!tpu.dma_semaphore, #tpu.memory_space<semaphore_mem>> -> memref<!tpu.dma_semaphore, #tpu.memory_space<semaphore_mem>>
      tpu.wait_indirect_dma semaphore(%dma_wait3A_300 : memref<!tpu.dma_semaphore, #tpu.memory_space<semaphore_mem>>) src(%dma_wait3A_292 : memref<128x16xf32, #tpu.memory_space<vmem>>) dst(%dma_wait3A_298 : memref<100000x16xf32, #tpu.memory_space<vmem_shared>>)
      %dma_wait3A_301 = arith.constant 0 : i32
      %dma_wait3A_302 = arith.constant 0 : i32
      %dma_wait3A_303 = arith.constant 128 : i32
      %dma_wait3A_304 = tpu.memref_slice %arg11[%dma_wait3A_301, %dma_wait3A_303] : memref<2x640xi32, #tpu.memory_space<vmem>> -> memref<1x128xi32, #tpu.memory_space<vmem>>
      %dma_wait3A_305 = tpu.memref_squeeze %dma_wait3A_304 : memref<1x128xi32, #tpu.memory_space<vmem>> -> memref<128xi32, #tpu.memory_space<vmem>>
      %dma_wait3A_306 = arith.constant 0 : i32
      %dma_wait3A_307 = tpu.memref_slice %arg10[%dma_wait3A_306] : memref<100000xf32, #tpu.memory_space<vmem_shared>> -> memref<100000xf32, #tpu.memory_space<vmem_shared>>
      %dma_wait3A_308 = tpu.memref_slice %arg15[%dma_wait3A_302] : memref<2x!tpu.dma_semaphore, #tpu.memory_space<semaphore_mem>> -> memref<1x!tpu.dma_semaphore, #tpu.memory_space<semaphore_mem>>
      %dma_wait3A_309 = tpu.memref_squeeze %dma_wait3A_308 : memref<1x!tpu.dma_semaphore, #tpu.memory_space<semaphore_mem>> -> memref<!tpu.dma_semaphore, #tpu.memory_space<semaphore_mem>>
      tpu.wait_indirect_dma semaphore(%dma_wait3A_309 : memref<!tpu.dma_semaphore, #tpu.memory_space<semaphore_mem>>) src(%arg13 : memref<128xf32, #tpu.memory_space<vmem>>) dst(%dma_wait3A_307 : memref<100000xf32, #tpu.memory_space<vmem_shared>>)
      %dma_wait3A_310 = arith.constant 0 : i32
      %dma_wait3A_311 = arith.constant 0 : i32
      %dma_wait3A_312 = arith.constant 0 : i32
      %dma_wait3A_313 = arith.constant 256 : i32
      %dma_wait3A_314 = arith.constant 0 : i32
      %dma_wait3A_315 = tpu.memref_slice %arg12[%dma_wait3A_310, %dma_wait3A_313, %dma_wait3A_314] : memref<2x640x16xf32, #tpu.memory_space<vmem>> -> memref<1x128x16xf32, #tpu.memory_space<vmem>>
      %dma_wait3A_316 = tpu.memref_squeeze %dma_wait3A_315 : memref<1x128x16xf32, #tpu.memory_space<vmem>> -> memref<128x16xf32, #tpu.memory_space<vmem>>
      %dma_wait3A_317 = arith.constant 256 : i32
      %dma_wait3A_318 = tpu.memref_slice %arg11[%dma_wait3A_311, %dma_wait3A_317] : memref<2x640xi32, #tpu.memory_space<vmem>> -> memref<1x128xi32, #tpu.memory_space<vmem>>
      %dma_wait3A_319 = tpu.memref_squeeze %dma_wait3A_318 : memref<1x128xi32, #tpu.memory_space<vmem>> -> memref<128xi32, #tpu.memory_space<vmem>>
      %dma_wait3A_320 = arith.constant 0 : i32
      %dma_wait3A_321 = arith.constant 0 : i32
      %dma_wait3A_322 = tpu.memref_slice %arg9[%dma_wait3A_320, %dma_wait3A_321] : memref<100000x16xf32, #tpu.memory_space<vmem_shared>> -> memref<100000x16xf32, #tpu.memory_space<vmem_shared>>
      %dma_wait3A_323 = tpu.memref_slice %arg15[%dma_wait3A_312] : memref<2x!tpu.dma_semaphore, #tpu.memory_space<semaphore_mem>> -> memref<1x!tpu.dma_semaphore, #tpu.memory_space<semaphore_mem>>
      %dma_wait3A_324 = tpu.memref_squeeze %dma_wait3A_323 : memref<1x!tpu.dma_semaphore, #tpu.memory_space<semaphore_mem>> -> memref<!tpu.dma_semaphore, #tpu.memory_space<semaphore_mem>>
      tpu.wait_indirect_dma semaphore(%dma_wait3A_324 : memref<!tpu.dma_semaphore, #tpu.memory_space<semaphore_mem>>) src(%dma_wait3A_316 : memref<128x16xf32, #tpu.memory_space<vmem>>) dst(%dma_wait3A_322 : memref<100000x16xf32, #tpu.memory_space<vmem_shared>>)
      %dma_wait3A_325 = arith.constant 0 : i32
      %dma_wait3A_326 = arith.constant 0 : i32
      %dma_wait3A_327 = arith.constant 256 : i32
      %dma_wait3A_328 = tpu.memref_slice %arg11[%dma_wait3A_325, %dma_wait3A_327] : memref<2x640xi32, #tpu.memory_space<vmem>> -> memref<1x128xi32, #tpu.memory_space<vmem>>
      %dma_wait3A_329 = tpu.memref_squeeze %dma_wait3A_328 : memref<1x128xi32, #tpu.memory_space<vmem>> -> memref<128xi32, #tpu.memory_space<vmem>>
      %dma_wait3A_330 = arith.constant 0 : i32
      %dma_wait3A_331 = tpu.memref_slice %arg10[%dma_wait3A_330] : memref<100000xf32, #tpu.memory_space<vmem_shared>> -> memref<100000xf32, #tpu.memory_space<vmem_shared>>
      %dma_wait3A_332 = tpu.memref_slice %arg15[%dma_wait3A_326] : memref<2x!tpu.dma_semaphore, #tpu.memory_space<semaphore_mem>> -> memref<1x!tpu.dma_semaphore, #tpu.memory_space<semaphore_mem>>
      %dma_wait3A_333 = tpu.memref_squeeze %dma_wait3A_332 : memref<1x!tpu.dma_semaphore, #tpu.memory_space<semaphore_mem>> -> memref<!tpu.dma_semaphore, #tpu.memory_space<semaphore_mem>>
      tpu.wait_indirect_dma semaphore(%dma_wait3A_333 : memref<!tpu.dma_semaphore, #tpu.memory_space<semaphore_mem>>) src(%arg13 : memref<128xf32, #tpu.memory_space<vmem>>) dst(%dma_wait3A_331 : memref<100000xf32, #tpu.memory_space<vmem_shared>>)
      %dma_wait3A_334 = arith.constant 0 : i32
      %dma_wait3A_335 = arith.constant 0 : i32
      %dma_wait3A_336 = arith.constant 0 : i32
      %dma_wait3A_337 = arith.constant 384 : i32
      %dma_wait3A_338 = arith.constant 0 : i32
      %dma_wait3A_339 = tpu.memref_slice %arg12[%dma_wait3A_334, %dma_wait3A_337, %dma_wait3A_338] : memref<2x640x16xf32, #tpu.memory_space<vmem>> -> memref<1x128x16xf32, #tpu.memory_space<vmem>>
      %dma_wait3A_340 = tpu.memref_squeeze %dma_wait3A_339 : memref<1x128x16xf32, #tpu.memory_space<vmem>> -> memref<128x16xf32, #tpu.memory_space<vmem>>
      %dma_wait3A_341 = arith.constant 384 : i32
      %dma_wait3A_342 = tpu.memref_slice %arg11[%dma_wait3A_335, %dma_wait3A_341] : memref<2x640xi32, #tpu.memory_space<vmem>> -> memref<1x128xi32, #tpu.memory_space<vmem>>
      %dma_wait3A_343 = tpu.memref_squeeze %dma_wait3A_342 : memref<1x128xi32, #tpu.memory_space<vmem>> -> memref<128xi32, #tpu.memory_space<vmem>>
      %dma_wait3A_344 = arith.constant 0 : i32
      %dma_wait3A_345 = arith.constant 0 : i32
      %dma_wait3A_346 = tpu.memref_slice %arg9[%dma_wait3A_344, %dma_wait3A_345] : memref<100000x16xf32, #tpu.memory_space<vmem_shared>> -> memref<100000x16xf32, #tpu.memory_space<vmem_shared>>
      %dma_wait3A_347 = tpu.memref_slice %arg15[%dma_wait3A_336] : memref<2x!tpu.dma_semaphore, #tpu.memory_space<semaphore_mem>> -> memref<1x!tpu.dma_semaphore, #tpu.memory_space<semaphore_mem>>
      %dma_wait3A_348 = tpu.memref_squeeze %dma_wait3A_347 : memref<1x!tpu.dma_semaphore, #tpu.memory_space<semaphore_mem>> -> memref<!tpu.dma_semaphore, #tpu.memory_space<semaphore_mem>>
      tpu.wait_indirect_dma semaphore(%dma_wait3A_348 : memref<!tpu.dma_semaphore, #tpu.memory_space<semaphore_mem>>) src(%dma_wait3A_340 : memref<128x16xf32, #tpu.memory_space<vmem>>) dst(%dma_wait3A_346 : memref<100000x16xf32, #tpu.memory_space<vmem_shared>>)
      %dma_wait3A_349 = arith.constant 0 : i32
      %dma_wait3A_350 = arith.constant 0 : i32
      %dma_wait3A_351 = arith.constant 384 : i32
      %dma_wait3A_352 = tpu.memref_slice %arg11[%dma_wait3A_349, %dma_wait3A_351] : memref<2x640xi32, #tpu.memory_space<vmem>> -> memref<1x128xi32, #tpu.memory_space<vmem>>
      %dma_wait3A_353 = tpu.memref_squeeze %dma_wait3A_352 : memref<1x128xi32, #tpu.memory_space<vmem>> -> memref<128xi32, #tpu.memory_space<vmem>>
      %dma_wait3A_354 = arith.constant 0 : i32
      %dma_wait3A_355 = tpu.memref_slice %arg10[%dma_wait3A_354] : memref<100000xf32, #tpu.memory_space<vmem_shared>> -> memref<100000xf32, #tpu.memory_space<vmem_shared>>
      %dma_wait3A_356 = tpu.memref_slice %arg15[%dma_wait3A_350] : memref<2x!tpu.dma_semaphore, #tpu.memory_space<semaphore_mem>> -> memref<1x!tpu.dma_semaphore, #tpu.memory_space<semaphore_mem>>
      %dma_wait3A_357 = tpu.memref_squeeze %dma_wait3A_356 : memref<1x!tpu.dma_semaphore, #tpu.memory_space<semaphore_mem>> -> memref<!tpu.dma_semaphore, #tpu.memory_space<semaphore_mem>>
      tpu.wait_indirect_dma semaphore(%dma_wait3A_357 : memref<!tpu.dma_semaphore, #tpu.memory_space<semaphore_mem>>) src(%arg13 : memref<128xf32, #tpu.memory_space<vmem>>) dst(%dma_wait3A_355 : memref<100000xf32, #tpu.memory_space<vmem_shared>>)
      %dma_wait3A_358 = arith.constant 0 : i32
      %dma_wait3A_359 = arith.constant 0 : i32
      %dma_wait3A_360 = arith.constant 0 : i32
      %dma_wait3A_361 = arith.constant 512 : i32
      %dma_wait3A_362 = arith.constant 0 : i32
      %dma_wait3A_363 = tpu.memref_slice %arg12[%dma_wait3A_358, %dma_wait3A_361, %dma_wait3A_362] : memref<2x640x16xf32, #tpu.memory_space<vmem>> -> memref<1x128x16xf32, #tpu.memory_space<vmem>>
      %dma_wait3A_364 = tpu.memref_squeeze %dma_wait3A_363 : memref<1x128x16xf32, #tpu.memory_space<vmem>> -> memref<128x16xf32, #tpu.memory_space<vmem>>
      %dma_wait3A_365 = arith.constant 512 : i32
      %dma_wait3A_366 = tpu.memref_slice %arg11[%dma_wait3A_359, %dma_wait3A_365] : memref<2x640xi32, #tpu.memory_space<vmem>> -> memref<1x128xi32, #tpu.memory_space<vmem>>
      %dma_wait3A_367 = tpu.memref_squeeze %dma_wait3A_366 : memref<1x128xi32, #tpu.memory_space<vmem>> -> memref<128xi32, #tpu.memory_space<vmem>>
      %dma_wait3A_368 = arith.constant 0 : i32
      %dma_wait3A_369 = arith.constant 0 : i32
      %dma_wait3A_370 = tpu.memref_slice %arg9[%dma_wait3A_368, %dma_wait3A_369] : memref<100000x16xf32, #tpu.memory_space<vmem_shared>> -> memref<100000x16xf32, #tpu.memory_space<vmem_shared>>
      %dma_wait3A_371 = tpu.memref_slice %arg15[%dma_wait3A_360] : memref<2x!tpu.dma_semaphore, #tpu.memory_space<semaphore_mem>> -> memref<1x!tpu.dma_semaphore, #tpu.memory_space<semaphore_mem>>
      %dma_wait3A_372 = tpu.memref_squeeze %dma_wait3A_371 : memref<1x!tpu.dma_semaphore, #tpu.memory_space<semaphore_mem>> -> memref<!tpu.dma_semaphore, #tpu.memory_space<semaphore_mem>>
      tpu.wait_indirect_dma semaphore(%dma_wait3A_372 : memref<!tpu.dma_semaphore, #tpu.memory_space<semaphore_mem>>) src(%dma_wait3A_364 : memref<128x16xf32, #tpu.memory_space<vmem>>) dst(%dma_wait3A_370 : memref<100000x16xf32, #tpu.memory_space<vmem_shared>>)
      %dma_wait3A_373 = arith.constant 0 : i32
      %dma_wait3A_374 = arith.constant 0 : i32
      %dma_wait3A_375 = arith.constant 512 : i32
      %dma_wait3A_376 = tpu.memref_slice %arg11[%dma_wait3A_373, %dma_wait3A_375] : memref<2x640xi32, #tpu.memory_space<vmem>> -> memref<1x128xi32, #tpu.memory_space<vmem>>
      %dma_wait3A_377 = tpu.memref_squeeze %dma_wait3A_376 : memref<1x128xi32, #tpu.memory_space<vmem>> -> memref<128xi32, #tpu.memory_space<vmem>>
      %dma_wait3A_378 = arith.constant 0 : i32
      %dma_wait3A_379 = tpu.memref_slice %arg10[%dma_wait3A_378] : memref<100000xf32, #tpu.memory_space<vmem_shared>> -> memref<100000xf32, #tpu.memory_space<vmem_shared>>
      %dma_wait3A_380 = tpu.memref_slice %arg15[%dma_wait3A_374] : memref<2x!tpu.dma_semaphore, #tpu.memory_space<semaphore_mem>> -> memref<1x!tpu.dma_semaphore, #tpu.memory_space<semaphore_mem>>
      %dma_wait3A_381 = tpu.memref_squeeze %dma_wait3A_380 : memref<1x!tpu.dma_semaphore, #tpu.memory_space<semaphore_mem>> -> memref<!tpu.dma_semaphore, #tpu.memory_space<semaphore_mem>>
      tpu.wait_indirect_dma semaphore(%dma_wait3A_381 : memref<!tpu.dma_semaphore, #tpu.memory_space<semaphore_mem>>) src(%arg13 : memref<128xf32, #tpu.memory_space<vmem>>) dst(%dma_wait3A_379 : memref<100000xf32, #tpu.memory_space<vmem_shared>>)
      %lt3A_382 = arith.cmpi slt, %add3A_107, %add3A_23 : i32
      %convert_element_type3A_383 = arith.extui %lt3A_382 : i1 to i32
      %cond3A_384 = arith.constant 0 : i32
      %cond3A_385 = arith.cmpi ne, %convert_element_type3A_383, %cond3A_384 : i32
      scf.if %cond3A_385 {
        %mul3A_392 = arith.constant 640 : i32
        %mul3A_393 = arith.muli %add3A_107, %mul3A_392 : i32
        %dma_start3A_394 = arith.constant 1 : i32
        %dma_start3A_395 = arith.constant 0 : i32
        %dma_start3A_396 = arith.constant 0 : i32
        %dma_start3A_397 = arith.constant 0 : i32
        %dma_start3A_398 = tpu.memref_slice %arg11[%dma_start3A_395, %dma_start3A_397] : memref<2x640xi32, #tpu.memory_space<vmem>> -> memref<1x640xi32, #tpu.memory_space<vmem>>
        %dma_start3A_399 = tpu.memref_squeeze %dma_start3A_398 : memref<1x640xi32, #tpu.memory_space<vmem>> -> memref<640xi32, #tpu.memory_space<vmem>>
        %dma_start3A_400 = tpu.memref_slice %arg2[%dma_start3A_394, %mul3A_393] : memref<2x3200000xi32, #tpu.memory_space<hbm>> -> memref<1x640xi32, #tpu.memory_space<hbm>>
        %dma_start3A_401 = tpu.memref_squeeze %dma_start3A_400 : memref<1x640xi32, #tpu.memory_space<hbm>> -> memref<640xi32, #tpu.memory_space<hbm>>
        %dma_start3A_402 = tpu.memref_slice %arg14[%dma_start3A_396] : memref<2x!tpu.dma_semaphore, #tpu.memory_space<semaphore_mem>> -> memref<1x!tpu.dma_semaphore, #tpu.memory_space<semaphore_mem>>
        %dma_start3A_403 = tpu.memref_squeeze %dma_start3A_402 : memref<1x!tpu.dma_semaphore, #tpu.memory_space<semaphore_mem>> -> memref<!tpu.dma_semaphore, #tpu.memory_space<semaphore_mem>>
        %dma_start3A_404 = arith.constant 0 : i32
        %dma_start3A_405 = tpu.memref_slice %arg11[%dma_start3A_395, %dma_start3A_404] : memref<2x640xi32, #tpu.memory_space<vmem>> -> memref<1x640xi32, #tpu.memory_space<vmem>>
        %dma_start3A_406 = tpu.memref_squeeze %dma_start3A_405 : memref<1x640xi32, #tpu.memory_space<vmem>> -> memref<640xi32, #tpu.memory_space<vmem>>
        %dma_start3A_407 = tpu.memref_slice %arg2[%dma_start3A_394, %mul3A_393] : memref<2x3200000xi32, #tpu.memory_space<hbm>> -> memref<1x640xi32, #tpu.memory_space<hbm>>
        %dma_start3A_408 = tpu.memref_squeeze %dma_start3A_407 : memref<1x640xi32, #tpu.memory_space<hbm>> -> memref<640xi32, #tpu.memory_space<hbm>>
        tpu.enqueue_dma source(%dma_start3A_408 : memref<640xi32, #tpu.memory_space<hbm>>) target(%dma_start3A_406 : memref<640xi32, #tpu.memory_space<vmem>>) target_semaphore(%dma_start3A_403 : memref<!tpu.dma_semaphore, #tpu.memory_space<semaphore_mem>>)
        %mul3A_409 = arith.constant 640 : i32
        %mul3A_410 = arith.muli %add3A_107, %mul3A_409 : i32
        %dma_start3A_411 = arith.constant 0 : i32
        %dma_start3A_412 = arith.constant 0 : i32
        %dma_start3A_413 = arith.constant 0 : i32
        %dma_start3A_414 = arith.constant 0 : i32
        %dma_start3A_415 = tpu.memref_slice %arg12[%dma_start3A_411, %dma_start3A_413, %dma_start3A_414] : memref<2x640x16xf32, #tpu.memory_space<vmem>> -> memref<1x640x16xf32, #tpu.memory_space<vmem>>
        %dma_start3A_416 = tpu.memref_squeeze %dma_start3A_415 : memref<1x640x16xf32, #tpu.memory_space<vmem>> -> memref<640x16xf32, #tpu.memory_space<vmem>>
        %dma_start3A_417 = arith.constant 0 : i32
        %dma_start3A_418 = tpu.memref_slice %arg3[%mul3A_410, %dma_start3A_417] : memref<3200000x16xf32, #tpu.memory_space<hbm>> -> memref<640x16xf32, #tpu.memory_space<hbm>>
        %dma_start3A_419 = tpu.memref_slice %arg14[%dma_start3A_412] : memref<2x!tpu.dma_semaphore, #tpu.memory_space<semaphore_mem>> -> memref<1x!tpu.dma_semaphore, #tpu.memory_space<semaphore_mem>>
        %dma_start3A_420 = tpu.memref_squeeze %dma_start3A_419 : memref<1x!tpu.dma_semaphore, #tpu.memory_space<semaphore_mem>> -> memref<!tpu.dma_semaphore, #tpu.memory_space<semaphore_mem>>
        %dma_start3A_421 = arith.constant 0 : i32
        %dma_start3A_422 = arith.constant 0 : i32
        %dma_start3A_423 = tpu.memref_slice %arg12[%dma_start3A_411, %dma_start3A_421, %dma_start3A_422] : memref<2x640x16xf32, #tpu.memory_space<vmem>> -> memref<1x640x16xf32, #tpu.memory_space<vmem>>
        %dma_start3A_424 = tpu.memref_squeeze %dma_start3A_423 : memref<1x640x16xf32, #tpu.memory_space<vmem>> -> memref<640x16xf32, #tpu.memory_space<vmem>>
        %dma_start3A_425 = arith.constant 0 : i32
        %dma_start3A_426 = tpu.memref_slice %arg3[%mul3A_410, %dma_start3A_425] : memref<3200000x16xf32, #tpu.memory_space<hbm>> -> memref<640x16xf32, #tpu.memory_space<hbm>>
        tpu.enqueue_dma source(%dma_start3A_426 : memref<640x16xf32, #tpu.memory_space<hbm>>) target(%dma_start3A_424 : memref<640x16xf32, #tpu.memory_space<vmem>>) target_semaphore(%dma_start3A_420 : memref<!tpu.dma_semaphore, #tpu.memory_space<semaphore_mem>>)
      } else {
      }
      %add3A_386 = arith.constant 1 : i32
      %add3A_387 = arith.addi %add3A_105, %add3A_386 : i32
      %lt3A_388 = arith.cmpi slt, %add3A_387, %add3A_23 : i32
      %convert_element_type3A_389 = arith.extui %lt3A_388 : i1 to i32
      %cond3A_390 = arith.constant 0 : i32
      %cond3A_391 = arith.cmpi ne, %convert_element_type3A_389, %cond3A_390 : i32
      scf.if %cond3A_391 {
        %add3A_392 = arith.constant 1 : i32
        %add3A_393 = arith.addi %add3A_105, %add3A_392 : i32
        %add3A_394 = arith.constant 3 : i32
        %add3A_395 = arith.addi %add3A_105, %add3A_394 : i32
        %dma_wait3A_396 = arith.constant 1 : i32
        %dma_wait3A_397 = arith.constant 1 : i32
        %dma_wait3A_398 = arith.constant 1 : i32
        %dma_wait3A_399 = arith.constant 0 : i32
        %dma_wait3A_400 = tpu.memref_slice %arg11[%dma_wait3A_397, %dma_wait3A_399] : memref<2x640xi32, #tpu.memory_space<vmem>> -> memref<1x640xi32, #tpu.memory_space<vmem>>
        %dma_wait3A_401 = tpu.memref_squeeze %dma_wait3A_400 : memref<1x640xi32, #tpu.memory_space<vmem>> -> memref<640xi32, #tpu.memory_space<vmem>>
        %dma_wait3A_402 = arith.constant 0 : i32
        %dma_wait3A_403 = tpu.memref_slice %arg2[%dma_wait3A_396, %dma_wait3A_402] : memref<2x3200000xi32, #tpu.memory_space<hbm>> -> memref<1x640xi32, #tpu.memory_space<hbm>>
        %dma_wait3A_404 = tpu.memref_squeeze %dma_wait3A_403 : memref<1x640xi32, #tpu.memory_space<hbm>> -> memref<640xi32, #tpu.memory_space<hbm>>
        %dma_wait3A_405 = tpu.memref_slice %arg14[%dma_wait3A_398] : memref<2x!tpu.dma_semaphore, #tpu.memory_space<semaphore_mem>> -> memref<1x!tpu.dma_semaphore, #tpu.memory_space<semaphore_mem>>
        %dma_wait3A_406 = tpu.memref_squeeze %dma_wait3A_405 : memref<1x!tpu.dma_semaphore, #tpu.memory_space<semaphore_mem>> -> memref<!tpu.dma_semaphore, #tpu.memory_space<semaphore_mem>>
        %dma_wait3A_407 = arith.constant 0 : i32
        %dma_wait3A_408 = tpu.memref_slice %arg11[%dma_wait3A_397, %dma_wait3A_407] : memref<2x640xi32, #tpu.memory_space<vmem>> -> memref<1x640xi32, #tpu.memory_space<vmem>>
        %dma_wait3A_409 = tpu.memref_squeeze %dma_wait3A_408 : memref<1x640xi32, #tpu.memory_space<vmem>> -> memref<640xi32, #tpu.memory_space<vmem>>
        %dma_wait3A_410 = arith.constant 0 : i32
        %dma_wait3A_411 = tpu.memref_slice %arg2[%dma_wait3A_396, %dma_wait3A_410] : memref<2x3200000xi32, #tpu.memory_space<hbm>> -> memref<1x640xi32, #tpu.memory_space<hbm>>
        %dma_wait3A_412 = tpu.memref_squeeze %dma_wait3A_411 : memref<1x640xi32, #tpu.memory_space<hbm>> -> memref<640xi32, #tpu.memory_space<hbm>>
        tpu.wait_dma2 semaphore(%dma_wait3A_406 : memref<!tpu.dma_semaphore, #tpu.memory_space<semaphore_mem>>) src(%dma_wait3A_412 : memref<640xi32, #tpu.memory_space<hbm>>) dst(%dma_wait3A_409 : memref<640xi32, #tpu.memory_space<vmem>>)
        %dma_wait3A_413 = arith.constant 1 : i32
        %dma_wait3A_414 = arith.constant 1 : i32
        %dma_wait3A_415 = arith.constant 0 : i32
        %dma_wait3A_416 = arith.constant 0 : i32
        %dma_wait3A_417 = tpu.memref_slice %arg12[%dma_wait3A_413, %dma_wait3A_415, %dma_wait3A_416] : memref<2x640x16xf32, #tpu.memory_space<vmem>> -> memref<1x640x16xf32, #tpu.memory_space<vmem>>
        %dma_wait3A_418 = tpu.memref_squeeze %dma_wait3A_417 : memref<1x640x16xf32, #tpu.memory_space<vmem>> -> memref<640x16xf32, #tpu.memory_space<vmem>>
        %dma_wait3A_419 = arith.constant 0 : i32
        %dma_wait3A_420 = arith.constant 0 : i32
        %dma_wait3A_421 = tpu.memref_slice %arg3[%dma_wait3A_419, %dma_wait3A_420] : memref<3200000x16xf32, #tpu.memory_space<hbm>> -> memref<640x16xf32, #tpu.memory_space<hbm>>
        %dma_wait3A_422 = tpu.memref_slice %arg14[%dma_wait3A_414] : memref<2x!tpu.dma_semaphore, #tpu.memory_space<semaphore_mem>> -> memref<1x!tpu.dma_semaphore, #tpu.memory_space<semaphore_mem>>
        %dma_wait3A_423 = tpu.memref_squeeze %dma_wait3A_422 : memref<1x!tpu.dma_semaphore, #tpu.memory_space<semaphore_mem>> -> memref<!tpu.dma_semaphore, #tpu.memory_space<semaphore_mem>>
        %dma_wait3A_424 = arith.constant 0 : i32
        %dma_wait3A_425 = arith.constant 0 : i32
        %dma_wait3A_426 = tpu.memref_slice %arg12[%dma_wait3A_413, %dma_wait3A_424, %dma_wait3A_425] : memref<2x640x16xf32, #tpu.memory_space<vmem>> -> memref<1x640x16xf32, #tpu.memory_space<vmem>>
        %dma_wait3A_427 = tpu.memref_squeeze %dma_wait3A_426 : memref<1x640x16xf32, #tpu.memory_space<vmem>> -> memref<640x16xf32, #tpu.memory_space<vmem>>
        %dma_wait3A_428 = arith.constant 0 : i32
        %dma_wait3A_429 = arith.constant 0 : i32
        %dma_wait3A_430 = tpu.memref_slice %arg3[%dma_wait3A_428, %dma_wait3A_429] : memref<3200000x16xf32, #tpu.memory_space<hbm>> -> memref<640x16xf32, #tpu.memory_space<hbm>>
        tpu.wait_dma2 semaphore(%dma_wait3A_423 : memref<!tpu.dma_semaphore, #tpu.memory_space<semaphore_mem>>) src(%dma_wait3A_430 : memref<640x16xf32, #tpu.memory_space<hbm>>) dst(%dma_wait3A_427 : memref<640x16xf32, #tpu.memory_space<vmem>>)
        %dma_start3A_431 = arith.constant 1 : i32
        %dma_start3A_432 = arith.constant 1 : i32
        %dma_start3A_433 = arith.constant 1 : i32
        %dma_start3A_434 = arith.constant 0 : i32
        %dma_start3A_435 = arith.constant 0 : i32
        %dma_start3A_436 = tpu.memref_slice %arg12[%dma_start3A_431, %dma_start3A_434, %dma_start3A_435] : memref<2x640x16xf32, #tpu.memory_space<vmem>> -> memref<1x128x16xf32, #tpu.memory_space<vmem>>
        %dma_start3A_437 = tpu.memref_squeeze %dma_start3A_436 : memref<1x128x16xf32, #tpu.memory_space<vmem>> -> memref<128x16xf32, #tpu.memory_space<vmem>>
        %dma_start3A_438 = arith.constant 0 : i32
        %dma_start3A_439 = tpu.memref_slice %arg11[%dma_start3A_432, %dma_start3A_438] : memref<2x640xi32, #tpu.memory_space<vmem>> -> memref<1x128xi32, #tpu.memory_space<vmem>>
        %dma_start3A_440 = tpu.memref_squeeze %dma_start3A_439 : memref<1x128xi32, #tpu.memory_space<vmem>> -> memref<128xi32, #tpu.memory_space<vmem>>
        %dma_start3A_441 = arith.constant 0 : i32
        %dma_start3A_442 = arith.constant 0 : i32
        %dma_start3A_443 = tpu.memref_slice %arg9[%dma_start3A_441, %dma_start3A_442] : memref<100000x16xf32, #tpu.memory_space<vmem_shared>> -> memref<100000x16xf32, #tpu.memory_space<vmem_shared>>
        %dma_start3A_444 = tpu.memref_slice %arg15[%dma_start3A_433] : memref<2x!tpu.dma_semaphore, #tpu.memory_space<semaphore_mem>> -> memref<1x!tpu.dma_semaphore, #tpu.memory_space<semaphore_mem>>
        %dma_start3A_445 = tpu.memref_squeeze %dma_start3A_444 : memref<1x!tpu.dma_semaphore, #tpu.memory_space<semaphore_mem>> -> memref<!tpu.dma_semaphore, #tpu.memory_space<semaphore_mem>>
        tpu.enqueue_indirect_dma source(%dma_start3A_437 : memref<128x16xf32, #tpu.memory_space<vmem>>) target(%dma_start3A_443 : memref<100000x16xf32, #tpu.memory_space<vmem_shared>>) offsets(%dma_start3A_440 : memref<128xi32, #tpu.memory_space<vmem>>) semaphore(%dma_start3A_445 : memref<!tpu.dma_semaphore, #tpu.memory_space<semaphore_mem>>) {add = true}
        %dma_start3A_446 = arith.constant 1 : i32
        %dma_start3A_447 = arith.constant 1 : i32
        %dma_start3A_448 = arith.constant 0 : i32
        %dma_start3A_449 = tpu.memref_slice %arg11[%dma_start3A_446, %dma_start3A_448] : memref<2x640xi32, #tpu.memory_space<vmem>> -> memref<1x128xi32, #tpu.memory_space<vmem>>
        %dma_start3A_450 = tpu.memref_squeeze %dma_start3A_449 : memref<1x128xi32, #tpu.memory_space<vmem>> -> memref<128xi32, #tpu.memory_space<vmem>>
        %dma_start3A_451 = arith.constant 0 : i32
        %dma_start3A_452 = tpu.memref_slice %arg10[%dma_start3A_451] : memref<100000xf32, #tpu.memory_space<vmem_shared>> -> memref<100000xf32, #tpu.memory_space<vmem_shared>>
        %dma_start3A_453 = tpu.memref_slice %arg15[%dma_start3A_447] : memref<2x!tpu.dma_semaphore, #tpu.memory_space<semaphore_mem>> -> memref<1x!tpu.dma_semaphore, #tpu.memory_space<semaphore_mem>>
        %dma_start3A_454 = tpu.memref_squeeze %dma_start3A_453 : memref<1x!tpu.dma_semaphore, #tpu.memory_space<semaphore_mem>> -> memref<!tpu.dma_semaphore, #tpu.memory_space<semaphore_mem>>
        tpu.enqueue_indirect_dma source(%arg13 : memref<128xf32, #tpu.memory_space<vmem>>) target(%dma_start3A_452 : memref<100000xf32, #tpu.memory_space<vmem_shared>>) offsets(%dma_start3A_450 : memref<128xi32, #tpu.memory_space<vmem>>) semaphore(%dma_start3A_454 : memref<!tpu.dma_semaphore, #tpu.memory_space<semaphore_mem>>) {add = true}
        %dma_start3A_455 = arith.constant 1 : i32
        %dma_start3A_456 = arith.constant 1 : i32
        %dma_start3A_457 = arith.constant 1 : i32
        %dma_start3A_458 = arith.constant 128 : i32
        %dma_start3A_459 = arith.constant 0 : i32
        %dma_start3A_460 = tpu.memref_slice %arg12[%dma_start3A_455, %dma_start3A_458, %dma_start3A_459] : memref<2x640x16xf32, #tpu.memory_space<vmem>> -> memref<1x128x16xf32, #tpu.memory_space<vmem>>
        %dma_start3A_461 = tpu.memref_squeeze %dma_start3A_460 : memref<1x128x16xf32, #tpu.memory_space<vmem>> -> memref<128x16xf32, #tpu.memory_space<vmem>>
        %dma_start3A_462 = arith.constant 128 : i32
        %dma_start3A_463 = tpu.memref_slice %arg11[%dma_start3A_456, %dma_start3A_462] : memref<2x640xi32, #tpu.memory_space<vmem>> -> memref<1x128xi32, #tpu.memory_space<vmem>>
        %dma_start3A_464 = tpu.memref_squeeze %dma_start3A_463 : memref<1x128xi32, #tpu.memory_space<vmem>> -> memref<128xi32, #tpu.memory_space<vmem>>
        %dma_start3A_465 = arith.constant 0 : i32
        %dma_start3A_466 = arith.constant 0 : i32
        %dma_start3A_467 = tpu.memref_slice %arg9[%dma_start3A_465, %dma_start3A_466] : memref<100000x16xf32, #tpu.memory_space<vmem_shared>> -> memref<100000x16xf32, #tpu.memory_space<vmem_shared>>
        %dma_start3A_468 = tpu.memref_slice %arg15[%dma_start3A_457] : memref<2x!tpu.dma_semaphore, #tpu.memory_space<semaphore_mem>> -> memref<1x!tpu.dma_semaphore, #tpu.memory_space<semaphore_mem>>
        %dma_start3A_469 = tpu.memref_squeeze %dma_start3A_468 : memref<1x!tpu.dma_semaphore, #tpu.memory_space<semaphore_mem>> -> memref<!tpu.dma_semaphore, #tpu.memory_space<semaphore_mem>>
        tpu.enqueue_indirect_dma source(%dma_start3A_461 : memref<128x16xf32, #tpu.memory_space<vmem>>) target(%dma_start3A_467 : memref<100000x16xf32, #tpu.memory_space<vmem_shared>>) offsets(%dma_start3A_464 : memref<128xi32, #tpu.memory_space<vmem>>) semaphore(%dma_start3A_469 : memref<!tpu.dma_semaphore, #tpu.memory_space<semaphore_mem>>) {add = true}
        %dma_start3A_470 = arith.constant 1 : i32
        %dma_start3A_471 = arith.constant 1 : i32
        %dma_start3A_472 = arith.constant 128 : i32
        %dma_start3A_473 = tpu.memref_slice %arg11[%dma_start3A_470, %dma_start3A_472] : memref<2x640xi32, #tpu.memory_space<vmem>> -> memref<1x128xi32, #tpu.memory_space<vmem>>
        %dma_start3A_474 = tpu.memref_squeeze %dma_start3A_473 : memref<1x128xi32, #tpu.memory_space<vmem>> -> memref<128xi32, #tpu.memory_space<vmem>>
        %dma_start3A_475 = arith.constant 0 : i32
        %dma_start3A_476 = tpu.memref_slice %arg10[%dma_start3A_475] : memref<100000xf32, #tpu.memory_space<vmem_shared>> -> memref<100000xf32, #tpu.memory_space<vmem_shared>>
        %dma_start3A_477 = tpu.memref_slice %arg15[%dma_start3A_471] : memref<2x!tpu.dma_semaphore, #tpu.memory_space<semaphore_mem>> -> memref<1x!tpu.dma_semaphore, #tpu.memory_space<semaphore_mem>>
        %dma_start3A_478 = tpu.memref_squeeze %dma_start3A_477 : memref<1x!tpu.dma_semaphore, #tpu.memory_space<semaphore_mem>> -> memref<!tpu.dma_semaphore, #tpu.memory_space<semaphore_mem>>
        tpu.enqueue_indirect_dma source(%arg13 : memref<128xf32, #tpu.memory_space<vmem>>) target(%dma_start3A_476 : memref<100000xf32, #tpu.memory_space<vmem_shared>>) offsets(%dma_start3A_474 : memref<128xi32, #tpu.memory_space<vmem>>) semaphore(%dma_start3A_478 : memref<!tpu.dma_semaphore, #tpu.memory_space<semaphore_mem>>) {add = true}
        %dma_start3A_479 = arith.constant 1 : i32
        %dma_start3A_480 = arith.constant 1 : i32
        %dma_start3A_481 = arith.constant 1 : i32
        %dma_start3A_482 = arith.constant 256 : i32
        %dma_start3A_483 = arith.constant 0 : i32
        %dma_start3A_484 = tpu.memref_slice %arg12[%dma_start3A_479, %dma_start3A_482, %dma_start3A_483] : memref<2x640x16xf32, #tpu.memory_space<vmem>> -> memref<1x128x16xf32, #tpu.memory_space<vmem>>
        %dma_start3A_485 = tpu.memref_squeeze %dma_start3A_484 : memref<1x128x16xf32, #tpu.memory_space<vmem>> -> memref<128x16xf32, #tpu.memory_space<vmem>>
        %dma_start3A_486 = arith.constant 256 : i32
        %dma_start3A_487 = tpu.memref_slice %arg11[%dma_start3A_480, %dma_start3A_486] : memref<2x640xi32, #tpu.memory_space<vmem>> -> memref<1x128xi32, #tpu.memory_space<vmem>>
        %dma_start3A_488 = tpu.memref_squeeze %dma_start3A_487 : memref<1x128xi32, #tpu.memory_space<vmem>> -> memref<128xi32, #tpu.memory_space<vmem>>
        %dma_start3A_489 = arith.constant 0 : i32
        %dma_start3A_490 = arith.constant 0 : i32
        %dma_start3A_491 = tpu.memref_slice %arg9[%dma_start3A_489, %dma_start3A_490] : memref<100000x16xf32, #tpu.memory_space<vmem_shared>> -> memref<100000x16xf32, #tpu.memory_space<vmem_shared>>
        %dma_start3A_492 = tpu.memref_slice %arg15[%dma_start3A_481] : memref<2x!tpu.dma_semaphore, #tpu.memory_space<semaphore_mem>> -> memref<1x!tpu.dma_semaphore, #tpu.memory_space<semaphore_mem>>
        %dma_start3A_493 = tpu.memref_squeeze %dma_start3A_492 : memref<1x!tpu.dma_semaphore, #tpu.memory_space<semaphore_mem>> -> memref<!tpu.dma_semaphore, #tpu.memory_space<semaphore_mem>>
        tpu.enqueue_indirect_dma source(%dma_start3A_485 : memref<128x16xf32, #tpu.memory_space<vmem>>) target(%dma_start3A_491 : memref<100000x16xf32, #tpu.memory_space<vmem_shared>>) offsets(%dma_start3A_488 : memref<128xi32, #tpu.memory_space<vmem>>) semaphore(%dma_start3A_493 : memref<!tpu.dma_semaphore, #tpu.memory_space<semaphore_mem>>) {add = true}
        %dma_start3A_494 = arith.constant 1 : i32
        %dma_start3A_495 = arith.constant 1 : i32
        %dma_start3A_496 = arith.constant 256 : i32
        %dma_start3A_497 = tpu.memref_slice %arg11[%dma_start3A_494, %dma_start3A_496] : memref<2x640xi32, #tpu.memory_space<vmem>> -> memref<1x128xi32, #tpu.memory_space<vmem>>
        %dma_start3A_498 = tpu.memref_squeeze %dma_start3A_497 : memref<1x128xi32, #tpu.memory_space<vmem>> -> memref<128xi32, #tpu.memory_space<vmem>>
        %dma_start3A_499 = arith.constant 0 : i32
        %dma_start3A_500 = tpu.memref_slice %arg10[%dma_start3A_499] : memref<100000xf32, #tpu.memory_space<vmem_shared>> -> memref<100000xf32, #tpu.memory_space<vmem_shared>>
        %dma_start3A_501 = tpu.memref_slice %arg15[%dma_start3A_495] : memref<2x!tpu.dma_semaphore, #tpu.memory_space<semaphore_mem>> -> memref<1x!tpu.dma_semaphore, #tpu.memory_space<semaphore_mem>>
        %dma_start3A_502 = tpu.memref_squeeze %dma_start3A_501 : memref<1x!tpu.dma_semaphore, #tpu.memory_space<semaphore_mem>> -> memref<!tpu.dma_semaphore, #tpu.memory_space<semaphore_mem>>
        tpu.enqueue_indirect_dma source(%arg13 : memref<128xf32, #tpu.memory_space<vmem>>) target(%dma_start3A_500 : memref<100000xf32, #tpu.memory_space<vmem_shared>>) offsets(%dma_start3A_498 : memref<128xi32, #tpu.memory_space<vmem>>) semaphore(%dma_start3A_502 : memref<!tpu.dma_semaphore, #tpu.memory_space<semaphore_mem>>) {add = true}
        %dma_start3A_503 = arith.constant 1 : i32
        %dma_start3A_504 = arith.constant 1 : i32
        %dma_start3A_505 = arith.constant 1 : i32
        %dma_start3A_506 = arith.constant 384 : i32
        %dma_start3A_507 = arith.constant 0 : i32
        %dma_start3A_508 = tpu.memref_slice %arg12[%dma_start3A_503, %dma_start3A_506, %dma_start3A_507] : memref<2x640x16xf32, #tpu.memory_space<vmem>> -> memref<1x128x16xf32, #tpu.memory_space<vmem>>
        %dma_start3A_509 = tpu.memref_squeeze %dma_start3A_508 : memref<1x128x16xf32, #tpu.memory_space<vmem>> -> memref<128x16xf32, #tpu.memory_space<vmem>>
        %dma_start3A_510 = arith.constant 384 : i32
        %dma_start3A_511 = tpu.memref_slice %arg11[%dma_start3A_504, %dma_start3A_510] : memref<2x640xi32, #tpu.memory_space<vmem>> -> memref<1x128xi32, #tpu.memory_space<vmem>>
        %dma_start3A_512 = tpu.memref_squeeze %dma_start3A_511 : memref<1x128xi32, #tpu.memory_space<vmem>> -> memref<128xi32, #tpu.memory_space<vmem>>
        %dma_start3A_513 = arith.constant 0 : i32
        %dma_start3A_514 = arith.constant 0 : i32
        %dma_start3A_515 = tpu.memref_slice %arg9[%dma_start3A_513, %dma_start3A_514] : memref<100000x16xf32, #tpu.memory_space<vmem_shared>> -> memref<100000x16xf32, #tpu.memory_space<vmem_shared>>
        %dma_start3A_516 = tpu.memref_slice %arg15[%dma_start3A_505] : memref<2x!tpu.dma_semaphore, #tpu.memory_space<semaphore_mem>> -> memref<1x!tpu.dma_semaphore, #tpu.memory_space<semaphore_mem>>
        %dma_start3A_517 = tpu.memref_squeeze %dma_start3A_516 : memref<1x!tpu.dma_semaphore, #tpu.memory_space<semaphore_mem>> -> memref<!tpu.dma_semaphore, #tpu.memory_space<semaphore_mem>>
        tpu.enqueue_indirect_dma source(%dma_start3A_509 : memref<128x16xf32, #tpu.memory_space<vmem>>) target(%dma_start3A_515 : memref<100000x16xf32, #tpu.memory_space<vmem_shared>>) offsets(%dma_start3A_512 : memref<128xi32, #tpu.memory_space<vmem>>) semaphore(%dma_start3A_517 : memref<!tpu.dma_semaphore, #tpu.memory_space<semaphore_mem>>) {add = true}
        %dma_start3A_518 = arith.constant 1 : i32
        %dma_start3A_519 = arith.constant 1 : i32
        %dma_start3A_520 = arith.constant 384 : i32
        %dma_start3A_521 = tpu.memref_slice %arg11[%dma_start3A_518, %dma_start3A_520] : memref<2x640xi32, #tpu.memory_space<vmem>> -> memref<1x128xi32, #tpu.memory_space<vmem>>
        %dma_start3A_522 = tpu.memref_squeeze %dma_start3A_521 : memref<1x128xi32, #tpu.memory_space<vmem>> -> memref<128xi32, #tpu.memory_space<vmem>>
        %dma_start3A_523 = arith.constant 0 : i32
        %dma_start3A_524 = tpu.memref_slice %arg10[%dma_start3A_523] : memref<100000xf32, #tpu.memory_space<vmem_shared>> -> memref<100000xf32, #tpu.memory_space<vmem_shared>>
        %dma_start3A_525 = tpu.memref_slice %arg15[%dma_start3A_519] : memref<2x!tpu.dma_semaphore, #tpu.memory_space<semaphore_mem>> -> memref<1x!tpu.dma_semaphore, #tpu.memory_space<semaphore_mem>>
        %dma_start3A_526 = tpu.memref_squeeze %dma_start3A_525 : memref<1x!tpu.dma_semaphore, #tpu.memory_space<semaphore_mem>> -> memref<!tpu.dma_semaphore, #tpu.memory_space<semaphore_mem>>
        tpu.enqueue_indirect_dma source(%arg13 : memref<128xf32, #tpu.memory_space<vmem>>) target(%dma_start3A_524 : memref<100000xf32, #tpu.memory_space<vmem_shared>>) offsets(%dma_start3A_522 : memref<128xi32, #tpu.memory_space<vmem>>) semaphore(%dma_start3A_526 : memref<!tpu.dma_semaphore, #tpu.memory_space<semaphore_mem>>) {add = true}
        %dma_start3A_527 = arith.constant 1 : i32
        %dma_start3A_528 = arith.constant 1 : i32
        %dma_start3A_529 = arith.constant 1 : i32
        %dma_start3A_530 = arith.constant 512 : i32
        %dma_start3A_531 = arith.constant 0 : i32
        %dma_start3A_532 = tpu.memref_slice %arg12[%dma_start3A_527, %dma_start3A_530, %dma_start3A_531] : memref<2x640x16xf32, #tpu.memory_space<vmem>> -> memref<1x128x16xf32, #tpu.memory_space<vmem>>
        %dma_start3A_533 = tpu.memref_squeeze %dma_start3A_532 : memref<1x128x16xf32, #tpu.memory_space<vmem>> -> memref<128x16xf32, #tpu.memory_space<vmem>>
        %dma_start3A_534 = arith.constant 512 : i32
        %dma_start3A_535 = tpu.memref_slice %arg11[%dma_start3A_528, %dma_start3A_534] : memref<2x640xi32, #tpu.memory_space<vmem>> -> memref<1x128xi32, #tpu.memory_space<vmem>>
        %dma_start3A_536 = tpu.memref_squeeze %dma_start3A_535 : memref<1x128xi32, #tpu.memory_space<vmem>> -> memref<128xi32, #tpu.memory_space<vmem>>
        %dma_start3A_537 = arith.constant 0 : i32
        %dma_start3A_538 = arith.constant 0 : i32
        %dma_start3A_539 = tpu.memref_slice %arg9[%dma_start3A_537, %dma_start3A_538] : memref<100000x16xf32, #tpu.memory_space<vmem_shared>> -> memref<100000x16xf32, #tpu.memory_space<vmem_shared>>
        %dma_start3A_540 = tpu.memref_slice %arg15[%dma_start3A_529] : memref<2x!tpu.dma_semaphore, #tpu.memory_space<semaphore_mem>> -> memref<1x!tpu.dma_semaphore, #tpu.memory_space<semaphore_mem>>
        %dma_start3A_541 = tpu.memref_squeeze %dma_start3A_540 : memref<1x!tpu.dma_semaphore, #tpu.memory_space<semaphore_mem>> -> memref<!tpu.dma_semaphore, #tpu.memory_space<semaphore_mem>>
        tpu.enqueue_indirect_dma source(%dma_start3A_533 : memref<128x16xf32, #tpu.memory_space<vmem>>) target(%dma_start3A_539 : memref<100000x16xf32, #tpu.memory_space<vmem_shared>>) offsets(%dma_start3A_536 : memref<128xi32, #tpu.memory_space<vmem>>) semaphore(%dma_start3A_541 : memref<!tpu.dma_semaphore, #tpu.memory_space<semaphore_mem>>) {add = true}
        %dma_start3A_542 = arith.constant 1 : i32
        %dma_start3A_543 = arith.constant 1 : i32
        %dma_start3A_544 = arith.constant 512 : i32
        %dma_start3A_545 = tpu.memref_slice %arg11[%dma_start3A_542, %dma_start3A_544] : memref<2x640xi32, #tpu.memory_space<vmem>> -> memref<1x128xi32, #tpu.memory_space<vmem>>
        %dma_start3A_546 = tpu.memref_squeeze %dma_start3A_545 : memref<1x128xi32, #tpu.memory_space<vmem>> -> memref<128xi32, #tpu.memory_space<vmem>>
        %dma_start3A_547 = arith.constant 0 : i32
        %dma_start3A_548 = tpu.memref_slice %arg10[%dma_start3A_547] : memref<100000xf32, #tpu.memory_space<vmem_shared>> -> memref<100000xf32, #tpu.memory_space<vmem_shared>>
        %dma_start3A_549 = tpu.memref_slice %arg15[%dma_start3A_543] : memref<2x!tpu.dma_semaphore, #tpu.memory_space<semaphore_mem>> -> memref<1x!tpu.dma_semaphore, #tpu.memory_space<semaphore_mem>>
        %dma_start3A_550 = tpu.memref_squeeze %dma_start3A_549 : memref<1x!tpu.dma_semaphore, #tpu.memory_space<semaphore_mem>> -> memref<!tpu.dma_semaphore, #tpu.memory_space<semaphore_mem>>
        tpu.enqueue_indirect_dma source(%arg13 : memref<128xf32, #tpu.memory_space<vmem>>) target(%dma_start3A_548 : memref<100000xf32, #tpu.memory_space<vmem_shared>>) offsets(%dma_start3A_546 : memref<128xi32, #tpu.memory_space<vmem>>) semaphore(%dma_start3A_550 : memref<!tpu.dma_semaphore, #tpu.memory_space<semaphore_mem>>) {add = true}
        %dma_wait3A_551 = arith.constant 1 : i32
        %dma_wait3A_552 = arith.constant 1 : i32
        %dma_wait3A_553 = arith.constant 1 : i32
        %dma_wait3A_554 = arith.constant 0 : i32
        %dma_wait3A_555 = arith.constant 0 : i32
        %dma_wait3A_556 = tpu.memref_slice %arg12[%dma_wait3A_551, %dma_wait3A_554, %dma_wait3A_555] : memref<2x640x16xf32, #tpu.memory_space<vmem>> -> memref<1x128x16xf32, #tpu.memory_space<vmem>>
        %dma_wait3A_557 = tpu.memref_squeeze %dma_wait3A_556 : memref<1x128x16xf32, #tpu.memory_space<vmem>> -> memref<128x16xf32, #tpu.memory_space<vmem>>
        %dma_wait3A_558 = arith.constant 0 : i32
        %dma_wait3A_559 = tpu.memref_slice %arg11[%dma_wait3A_552, %dma_wait3A_558] : memref<2x640xi32, #tpu.memory_space<vmem>> -> memref<1x128xi32, #tpu.memory_space<vmem>>
        %dma_wait3A_560 = tpu.memref_squeeze %dma_wait3A_559 : memref<1x128xi32, #tpu.memory_space<vmem>> -> memref<128xi32, #tpu.memory_space<vmem>>
        %dma_wait3A_561 = arith.constant 0 : i32
        %dma_wait3A_562 = arith.constant 0 : i32
        %dma_wait3A_563 = tpu.memref_slice %arg9[%dma_wait3A_561, %dma_wait3A_562] : memref<100000x16xf32, #tpu.memory_space<vmem_shared>> -> memref<100000x16xf32, #tpu.memory_space<vmem_shared>>
        %dma_wait3A_564 = tpu.memref_slice %arg15[%dma_wait3A_553] : memref<2x!tpu.dma_semaphore, #tpu.memory_space<semaphore_mem>> -> memref<1x!tpu.dma_semaphore, #tpu.memory_space<semaphore_mem>>
        %dma_wait3A_565 = tpu.memref_squeeze %dma_wait3A_564 : memref<1x!tpu.dma_semaphore, #tpu.memory_space<semaphore_mem>> -> memref<!tpu.dma_semaphore, #tpu.memory_space<semaphore_mem>>
        tpu.wait_indirect_dma semaphore(%dma_wait3A_565 : memref<!tpu.dma_semaphore, #tpu.memory_space<semaphore_mem>>) src(%dma_wait3A_557 : memref<128x16xf32, #tpu.memory_space<vmem>>) dst(%dma_wait3A_563 : memref<100000x16xf32, #tpu.memory_space<vmem_shared>>)
        %dma_wait3A_566 = arith.constant 1 : i32
        %dma_wait3A_567 = arith.constant 1 : i32
        %dma_wait3A_568 = arith.constant 0 : i32
        %dma_wait3A_569 = tpu.memref_slice %arg11[%dma_wait3A_566, %dma_wait3A_568] : memref<2x640xi32, #tpu.memory_space<vmem>> -> memref<1x128xi32, #tpu.memory_space<vmem>>
        %dma_wait3A_570 = tpu.memref_squeeze %dma_wait3A_569 : memref<1x128xi32, #tpu.memory_space<vmem>> -> memref<128xi32, #tpu.memory_space<vmem>>
        %dma_wait3A_571 = arith.constant 0 : i32
        %dma_wait3A_572 = tpu.memref_slice %arg10[%dma_wait3A_571] : memref<100000xf32, #tpu.memory_space<vmem_shared>> -> memref<100000xf32, #tpu.memory_space<vmem_shared>>
        %dma_wait3A_573 = tpu.memref_slice %arg15[%dma_wait3A_567] : memref<2x!tpu.dma_semaphore, #tpu.memory_space<semaphore_mem>> -> memref<1x!tpu.dma_semaphore, #tpu.memory_space<semaphore_mem>>
        %dma_wait3A_574 = tpu.memref_squeeze %dma_wait3A_573 : memref<1x!tpu.dma_semaphore, #tpu.memory_space<semaphore_mem>> -> memref<!tpu.dma_semaphore, #tpu.memory_space<semaphore_mem>>
        tpu.wait_indirect_dma semaphore(%dma_wait3A_574 : memref<!tpu.dma_semaphore, #tpu.memory_space<semaphore_mem>>) src(%arg13 : memref<128xf32, #tpu.memory_space<vmem>>) dst(%dma_wait3A_572 : memref<100000xf32, #tpu.memory_space<vmem_shared>>)
        %dma_wait3A_575 = arith.constant 1 : i32
        %dma_wait3A_576 = arith.constant 1 : i32
        %dma_wait3A_577 = arith.constant 1 : i32
        %dma_wait3A_578 = arith.constant 128 : i32
        %dma_wait3A_579 = arith.constant 0 : i32
        %dma_wait3A_580 = tpu.memref_slice %arg12[%dma_wait3A_575, %dma_wait3A_578, %dma_wait3A_579] : memref<2x640x16xf32, #tpu.memory_space<vmem>> -> memref<1x128x16xf32, #tpu.memory_space<vmem>>
        %dma_wait3A_581 = tpu.memref_squeeze %dma_wait3A_580 : memref<1x128x16xf32, #tpu.memory_space<vmem>> -> memref<128x16xf32, #tpu.memory_space<vmem>>
        %dma_wait3A_582 = arith.constant 128 : i32
        %dma_wait3A_583 = tpu.memref_slice %arg11[%dma_wait3A_576, %dma_wait3A_582] : memref<2x640xi32, #tpu.memory_space<vmem>> -> memref<1x128xi32, #tpu.memory_space<vmem>>
        %dma_wait3A_584 = tpu.memref_squeeze %dma_wait3A_583 : memref<1x128xi32, #tpu.memory_space<vmem>> -> memref<128xi32, #tpu.memory_space<vmem>>
        %dma_wait3A_585 = arith.constant 0 : i32
        %dma_wait3A_586 = arith.constant 0 : i32
        %dma_wait3A_587 = tpu.memref_slice %arg9[%dma_wait3A_585, %dma_wait3A_586] : memref<100000x16xf32, #tpu.memory_space<vmem_shared>> -> memref<100000x16xf32, #tpu.memory_space<vmem_shared>>
        %dma_wait3A_588 = tpu.memref_slice %arg15[%dma_wait3A_577] : memref<2x!tpu.dma_semaphore, #tpu.memory_space<semaphore_mem>> -> memref<1x!tpu.dma_semaphore, #tpu.memory_space<semaphore_mem>>
        %dma_wait3A_589 = tpu.memref_squeeze %dma_wait3A_588 : memref<1x!tpu.dma_semaphore, #tpu.memory_space<semaphore_mem>> -> memref<!tpu.dma_semaphore, #tpu.memory_space<semaphore_mem>>
        tpu.wait_indirect_dma semaphore(%dma_wait3A_589 : memref<!tpu.dma_semaphore, #tpu.memory_space<semaphore_mem>>) src(%dma_wait3A_581 : memref<128x16xf32, #tpu.memory_space<vmem>>) dst(%dma_wait3A_587 : memref<100000x16xf32, #tpu.memory_space<vmem_shared>>)
        %dma_wait3A_590 = arith.constant 1 : i32
        %dma_wait3A_591 = arith.constant 1 : i32
        %dma_wait3A_592 = arith.constant 128 : i32
        %dma_wait3A_593 = tpu.memref_slice %arg11[%dma_wait3A_590, %dma_wait3A_592] : memref<2x640xi32, #tpu.memory_space<vmem>> -> memref<1x128xi32, #tpu.memory_space<vmem>>
        %dma_wait3A_594 = tpu.memref_squeeze %dma_wait3A_593 : memref<1x128xi32, #tpu.memory_space<vmem>> -> memref<128xi32, #tpu.memory_space<vmem>>
        %dma_wait3A_595 = arith.constant 0 : i32
        %dma_wait3A_596 = tpu.memref_slice %arg10[%dma_wait3A_595] : memref<100000xf32, #tpu.memory_space<vmem_shared>> -> memref<100000xf32, #tpu.memory_space<vmem_shared>>
        %dma_wait3A_597 = tpu.memref_slice %arg15[%dma_wait3A_591] : memref<2x!tpu.dma_semaphore, #tpu.memory_space<semaphore_mem>> -> memref<1x!tpu.dma_semaphore, #tpu.memory_space<semaphore_mem>>
        %dma_wait3A_598 = tpu.memref_squeeze %dma_wait3A_597 : memref<1x!tpu.dma_semaphore, #tpu.memory_space<semaphore_mem>> -> memref<!tpu.dma_semaphore, #tpu.memory_space<semaphore_mem>>
        tpu.wait_indirect_dma semaphore(%dma_wait3A_598 : memref<!tpu.dma_semaphore, #tpu.memory_space<semaphore_mem>>) src(%arg13 : memref<128xf32, #tpu.memory_space<vmem>>) dst(%dma_wait3A_596 : memref<100000xf32, #tpu.memory_space<vmem_shared>>)
        %dma_wait3A_599 = arith.constant 1 : i32
        %dma_wait3A_600 = arith.constant 1 : i32
        %dma_wait3A_601 = arith.constant 1 : i32
        %dma_wait3A_602 = arith.constant 256 : i32
        %dma_wait3A_603 = arith.constant 0 : i32
        %dma_wait3A_604 = tpu.memref_slice %arg12[%dma_wait3A_599, %dma_wait3A_602, %dma_wait3A_603] : memref<2x640x16xf32, #tpu.memory_space<vmem>> -> memref<1x128x16xf32, #tpu.memory_space<vmem>>
        %dma_wait3A_605 = tpu.memref_squeeze %dma_wait3A_604 : memref<1x128x16xf32, #tpu.memory_space<vmem>> -> memref<128x16xf32, #tpu.memory_space<vmem>>
        %dma_wait3A_606 = arith.constant 256 : i32
        %dma_wait3A_607 = tpu.memref_slice %arg11[%dma_wait3A_600, %dma_wait3A_606] : memref<2x640xi32, #tpu.memory_space<vmem>> -> memref<1x128xi32, #tpu.memory_space<vmem>>
        %dma_wait3A_608 = tpu.memref_squeeze %dma_wait3A_607 : memref<1x128xi32, #tpu.memory_space<vmem>> -> memref<128xi32, #tpu.memory_space<vmem>>
        %dma_wait3A_609 = arith.constant 0 : i32
        %dma_wait3A_610 = arith.constant 0 : i32
        %dma_wait3A_611 = tpu.memref_slice %arg9[%dma_wait3A_609, %dma_wait3A_610] : memref<100000x16xf32, #tpu.memory_space<vmem_shared>> -> memref<100000x16xf32, #tpu.memory_space<vmem_shared>>
        %dma_wait3A_612 = tpu.memref_slice %arg15[%dma_wait3A_601] : memref<2x!tpu.dma_semaphore, #tpu.memory_space<semaphore_mem>> -> memref<1x!tpu.dma_semaphore, #tpu.memory_space<semaphore_mem>>
        %dma_wait3A_613 = tpu.memref_squeeze %dma_wait3A_612 : memref<1x!tpu.dma_semaphore, #tpu.memory_space<semaphore_mem>> -> memref<!tpu.dma_semaphore, #tpu.memory_space<semaphore_mem>>
        tpu.wait_indirect_dma semaphore(%dma_wait3A_613 : memref<!tpu.dma_semaphore, #tpu.memory_space<semaphore_mem>>) src(%dma_wait3A_605 : memref<128x16xf32, #tpu.memory_space<vmem>>) dst(%dma_wait3A_611 : memref<100000x16xf32, #tpu.memory_space<vmem_shared>>)
        %dma_wait3A_614 = arith.constant 1 : i32
        %dma_wait3A_615 = arith.constant 1 : i32
        %dma_wait3A_616 = arith.constant 256 : i32
        %dma_wait3A_617 = tpu.memref_slice %arg11[%dma_wait3A_614, %dma_wait3A_616] : memref<2x640xi32, #tpu.memory_space<vmem>> -> memref<1x128xi32, #tpu.memory_space<vmem>>
        %dma_wait3A_618 = tpu.memref_squeeze %dma_wait3A_617 : memref<1x128xi32, #tpu.memory_space<vmem>> -> memref<128xi32, #tpu.memory_space<vmem>>
        %dma_wait3A_619 = arith.constant 0 : i32
        %dma_wait3A_620 = tpu.memref_slice %arg10[%dma_wait3A_619] : memref<100000xf32, #tpu.memory_space<vmem_shared>> -> memref<100000xf32, #tpu.memory_space<vmem_shared>>
        %dma_wait3A_621 = tpu.memref_slice %arg15[%dma_wait3A_615] : memref<2x!tpu.dma_semaphore, #tpu.memory_space<semaphore_mem>> -> memref<1x!tpu.dma_semaphore, #tpu.memory_space<semaphore_mem>>
        %dma_wait3A_622 = tpu.memref_squeeze %dma_wait3A_621 : memref<1x!tpu.dma_semaphore, #tpu.memory_space<semaphore_mem>> -> memref<!tpu.dma_semaphore, #tpu.memory_space<semaphore_mem>>
        tpu.wait_indirect_dma semaphore(%dma_wait3A_622 : memref<!tpu.dma_semaphore, #tpu.memory_space<semaphore_mem>>) src(%arg13 : memref<128xf32, #tpu.memory_space<vmem>>) dst(%dma_wait3A_620 : memref<100000xf32, #tpu.memory_space<vmem_shared>>)
        %dma_wait3A_623 = arith.constant 1 : i32
        %dma_wait3A_624 = arith.constant 1 : i32
        %dma_wait3A_625 = arith.constant 1 : i32
        %dma_wait3A_626 = arith.constant 384 : i32
        %dma_wait3A_627 = arith.constant 0 : i32
        %dma_wait3A_628 = tpu.memref_slice %arg12[%dma_wait3A_623, %dma_wait3A_626, %dma_wait3A_627] : memref<2x640x16xf32, #tpu.memory_space<vmem>> -> memref<1x128x16xf32, #tpu.memory_space<vmem>>
        %dma_wait3A_629 = tpu.memref_squeeze %dma_wait3A_628 : memref<1x128x16xf32, #tpu.memory_space<vmem>> -> memref<128x16xf32, #tpu.memory_space<vmem>>
        %dma_wait3A_630 = arith.constant 384 : i32
        %dma_wait3A_631 = tpu.memref_slice %arg11[%dma_wait3A_624, %dma_wait3A_630] : memref<2x640xi32, #tpu.memory_space<vmem>> -> memref<1x128xi32, #tpu.memory_space<vmem>>
        %dma_wait3A_632 = tpu.memref_squeeze %dma_wait3A_631 : memref<1x128xi32, #tpu.memory_space<vmem>> -> memref<128xi32, #tpu.memory_space<vmem>>
        %dma_wait3A_633 = arith.constant 0 : i32
        %dma_wait3A_634 = arith.constant 0 : i32
        %dma_wait3A_635 = tpu.memref_slice %arg9[%dma_wait3A_633, %dma_wait3A_634] : memref<100000x16xf32, #tpu.memory_space<vmem_shared>> -> memref<100000x16xf32, #tpu.memory_space<vmem_shared>>
        %dma_wait3A_636 = tpu.memref_slice %arg15[%dma_wait3A_625] : memref<2x!tpu.dma_semaphore, #tpu.memory_space<semaphore_mem>> -> memref<1x!tpu.dma_semaphore, #tpu.memory_space<semaphore_mem>>
        %dma_wait3A_637 = tpu.memref_squeeze %dma_wait3A_636 : memref<1x!tpu.dma_semaphore, #tpu.memory_space<semaphore_mem>> -> memref<!tpu.dma_semaphore, #tpu.memory_space<semaphore_mem>>
        tpu.wait_indirect_dma semaphore(%dma_wait3A_637 : memref<!tpu.dma_semaphore, #tpu.memory_space<semaphore_mem>>) src(%dma_wait3A_629 : memref<128x16xf32, #tpu.memory_space<vmem>>) dst(%dma_wait3A_635 : memref<100000x16xf32, #tpu.memory_space<vmem_shared>>)
        %dma_wait3A_638 = arith.constant 1 : i32
        %dma_wait3A_639 = arith.constant 1 : i32
        %dma_wait3A_640 = arith.constant 384 : i32
        %dma_wait3A_641 = tpu.memref_slice %arg11[%dma_wait3A_638, %dma_wait3A_640] : memref<2x640xi32, #tpu.memory_space<vmem>> -> memref<1x128xi32, #tpu.memory_space<vmem>>
        %dma_wait3A_642 = tpu.memref_squeeze %dma_wait3A_641 : memref<1x128xi32, #tpu.memory_space<vmem>> -> memref<128xi32, #tpu.memory_space<vmem>>
        %dma_wait3A_643 = arith.constant 0 : i32
        %dma_wait3A_644 = tpu.memref_slice %arg10[%dma_wait3A_643] : memref<100000xf32, #tpu.memory_space<vmem_shared>> -> memref<100000xf32, #tpu.memory_space<vmem_shared>>
        %dma_wait3A_645 = tpu.memref_slice %arg15[%dma_wait3A_639] : memref<2x!tpu.dma_semaphore, #tpu.memory_space<semaphore_mem>> -> memref<1x!tpu.dma_semaphore, #tpu.memory_space<semaphore_mem>>
        %dma_wait3A_646 = tpu.memref_squeeze %dma_wait3A_645 : memref<1x!tpu.dma_semaphore, #tpu.memory_space<semaphore_mem>> -> memref<!tpu.dma_semaphore, #tpu.memory_space<semaphore_mem>>
        tpu.wait_indirect_dma semaphore(%dma_wait3A_646 : memref<!tpu.dma_semaphore, #tpu.memory_space<semaphore_mem>>) src(%arg13 : memref<128xf32, #tpu.memory_space<vmem>>) dst(%dma_wait3A_644 : memref<100000xf32, #tpu.memory_space<vmem_shared>>)
        %dma_wait3A_647 = arith.constant 1 : i32
        %dma_wait3A_648 = arith.constant 1 : i32
        %dma_wait3A_649 = arith.constant 1 : i32
        %dma_wait3A_650 = arith.constant 512 : i32
        %dma_wait3A_651 = arith.constant 0 : i32
        %dma_wait3A_652 = tpu.memref_slice %arg12[%dma_wait3A_647, %dma_wait3A_650, %dma_wait3A_651] : memref<2x640x16xf32, #tpu.memory_space<vmem>> -> memref<1x128x16xf32, #tpu.memory_space<vmem>>
        %dma_wait3A_653 = tpu.memref_squeeze %dma_wait3A_652 : memref<1x128x16xf32, #tpu.memory_space<vmem>> -> memref<128x16xf32, #tpu.memory_space<vmem>>
        %dma_wait3A_654 = arith.constant 512 : i32
        %dma_wait3A_655 = tpu.memref_slice %arg11[%dma_wait3A_648, %dma_wait3A_654] : memref<2x640xi32, #tpu.memory_space<vmem>> -> memref<1x128xi32, #tpu.memory_space<vmem>>
        %dma_wait3A_656 = tpu.memref_squeeze %dma_wait3A_655 : memref<1x128xi32, #tpu.memory_space<vmem>> -> memref<128xi32, #tpu.memory_space<vmem>>
        %dma_wait3A_657 = arith.constant 0 : i32
        %dma_wait3A_658 = arith.constant 0 : i32
        %dma_wait3A_659 = tpu.memref_slice %arg9[%dma_wait3A_657, %dma_wait3A_658] : memref<100000x16xf32, #tpu.memory_space<vmem_shared>> -> memref<100000x16xf32, #tpu.memory_space<vmem_shared>>
        %dma_wait3A_660 = tpu.memref_slice %arg15[%dma_wait3A_649] : memref<2x!tpu.dma_semaphore, #tpu.memory_space<semaphore_mem>> -> memref<1x!tpu.dma_semaphore, #tpu.memory_space<semaphore_mem>>
        %dma_wait3A_661 = tpu.memref_squeeze %dma_wait3A_660 : memref<1x!tpu.dma_semaphore, #tpu.memory_space<semaphore_mem>> -> memref<!tpu.dma_semaphore, #tpu.memory_space<semaphore_mem>>
        tpu.wait_indirect_dma semaphore(%dma_wait3A_661 : memref<!tpu.dma_semaphore, #tpu.memory_space<semaphore_mem>>) src(%dma_wait3A_653 : memref<128x16xf32, #tpu.memory_space<vmem>>) dst(%dma_wait3A_659 : memref<100000x16xf32, #tpu.memory_space<vmem_shared>>)
        %dma_wait3A_662 = arith.constant 1 : i32
        %dma_wait3A_663 = arith.constant 1 : i32
        %dma_wait3A_664 = arith.constant 512 : i32
        %dma_wait3A_665 = tpu.memref_slice %arg11[%dma_wait3A_662, %dma_wait3A_664] : memref<2x640xi32, #tpu.memory_space<vmem>> -> memref<1x128xi32, #tpu.memory_space<vmem>>
        %dma_wait3A_666 = tpu.memref_squeeze %dma_wait3A_665 : memref<1x128xi32, #tpu.memory_space<vmem>> -> memref<128xi32, #tpu.memory_space<vmem>>
        %dma_wait3A_667 = arith.constant 0 : i32
        %dma_wait3A_668 = tpu.memref_slice %arg10[%dma_wait3A_667] : memref<100000xf32, #tpu.memory_space<vmem_shared>> -> memref<100000xf32, #tpu.memory_space<vmem_shared>>
        %dma_wait3A_669 = tpu.memref_slice %arg15[%dma_wait3A_663] : memref<2x!tpu.dma_semaphore, #tpu.memory_space<semaphore_mem>> -> memref<1x!tpu.dma_semaphore, #tpu.memory_space<semaphore_mem>>
        %dma_wait3A_670 = tpu.memref_squeeze %dma_wait3A_669 : memref<1x!tpu.dma_semaphore, #tpu.memory_space<semaphore_mem>> -> memref<!tpu.dma_semaphore, #tpu.memory_space<semaphore_mem>>
        tpu.wait_indirect_dma semaphore(%dma_wait3A_670 : memref<!tpu.dma_semaphore, #tpu.memory_space<semaphore_mem>>) src(%arg13 : memref<128xf32, #tpu.memory_space<vmem>>) dst(%dma_wait3A_668 : memref<100000xf32, #tpu.memory_space<vmem_shared>>)
        %lt3A_671 = arith.cmpi slt, %add3A_395, %add3A_23 : i32
        %convert_element_type3A_672 = arith.extui %lt3A_671 : i1 to i32
        %cond3A_673 = arith.constant 0 : i32
        %cond3A_674 = arith.cmpi ne, %convert_element_type3A_672, %cond3A_673 : i32
        scf.if %cond3A_674 {
          %mul3A_675 = arith.constant 640 : i32
          %mul3A_676 = arith.muli %add3A_395, %mul3A_675 : i32
          %dma_start3A_677 = arith.constant 1 : i32
          %dma_start3A_678 = arith.constant 1 : i32
          %dma_start3A_679 = arith.constant 1 : i32
          %dma_start3A_680 = arith.constant 0 : i32
          %dma_start3A_681 = tpu.memref_slice %arg11[%dma_start3A_678, %dma_start3A_680] : memref<2x640xi32, #tpu.memory_space<vmem>> -> memref<1x640xi32, #tpu.memory_space<vmem>>
          %dma_start3A_682 = tpu.memref_squeeze %dma_start3A_681 : memref<1x640xi32, #tpu.memory_space<vmem>> -> memref<640xi32, #tpu.memory_space<vmem>>
          %dma_start3A_683 = tpu.memref_slice %arg2[%dma_start3A_677, %mul3A_676] : memref<2x3200000xi32, #tpu.memory_space<hbm>> -> memref<1x640xi32, #tpu.memory_space<hbm>>
          %dma_start3A_684 = tpu.memref_squeeze %dma_start3A_683 : memref<1x640xi32, #tpu.memory_space<hbm>> -> memref<640xi32, #tpu.memory_space<hbm>>
          %dma_start3A_685 = tpu.memref_slice %arg14[%dma_start3A_679] : memref<2x!tpu.dma_semaphore, #tpu.memory_space<semaphore_mem>> -> memref<1x!tpu.dma_semaphore, #tpu.memory_space<semaphore_mem>>
          %dma_start3A_686 = tpu.memref_squeeze %dma_start3A_685 : memref<1x!tpu.dma_semaphore, #tpu.memory_space<semaphore_mem>> -> memref<!tpu.dma_semaphore, #tpu.memory_space<semaphore_mem>>
          %dma_start3A_687 = arith.constant 0 : i32
          %dma_start3A_688 = tpu.memref_slice %arg11[%dma_start3A_678, %dma_start3A_687] : memref<2x640xi32, #tpu.memory_space<vmem>> -> memref<1x640xi32, #tpu.memory_space<vmem>>
          %dma_start3A_689 = tpu.memref_squeeze %dma_start3A_688 : memref<1x640xi32, #tpu.memory_space<vmem>> -> memref<640xi32, #tpu.memory_space<vmem>>
          %dma_start3A_690 = tpu.memref_slice %arg2[%dma_start3A_677, %mul3A_676] : memref<2x3200000xi32, #tpu.memory_space<hbm>> -> memref<1x640xi32, #tpu.memory_space<hbm>>
          %dma_start3A_691 = tpu.memref_squeeze %dma_start3A_690 : memref<1x640xi32, #tpu.memory_space<hbm>> -> memref<640xi32, #tpu.memory_space<hbm>>
          tpu.enqueue_dma source(%dma_start3A_691 : memref<640xi32, #tpu.memory_space<hbm>>) target(%dma_start3A_689 : memref<640xi32, #tpu.memory_space<vmem>>) target_semaphore(%dma_start3A_686 : memref<!tpu.dma_semaphore, #tpu.memory_space<semaphore_mem>>)
          %mul3A_692 = arith.constant 640 : i32
          %mul3A_693 = arith.muli %add3A_395, %mul3A_692 : i32
          %dma_start3A_694 = arith.constant 1 : i32
          %dma_start3A_695 = arith.constant 1 : i32
          %dma_start3A_696 = arith.constant 0 : i32
          %dma_start3A_697 = arith.constant 0 : i32
          %dma_start3A_698 = tpu.memref_slice %arg12[%dma_start3A_694, %dma_start3A_696, %dma_start3A_697] : memref<2x640x16xf32, #tpu.memory_space<vmem>> -> memref<1x640x16xf32, #tpu.memory_space<vmem>>
          %dma_start3A_699 = tpu.memref_squeeze %dma_start3A_698 : memref<1x640x16xf32, #tpu.memory_space<vmem>> -> memref<640x16xf32, #tpu.memory_space<vmem>>
          %dma_start3A_700 = arith.constant 0 : i32
          %dma_start3A_701 = tpu.memref_slice %arg3[%mul3A_693, %dma_start3A_700] : memref<3200000x16xf32, #tpu.memory_space<hbm>> -> memref<640x16xf32, #tpu.memory_space<hbm>>
          %dma_start3A_702 = tpu.memref_slice %arg14[%dma_start3A_695] : memref<2x!tpu.dma_semaphore, #tpu.memory_space<semaphore_mem>> -> memref<1x!tpu.dma_semaphore, #tpu.memory_space<semaphore_mem>>
          %dma_start3A_703 = tpu.memref_squeeze %dma_start3A_702 : memref<1x!tpu.dma_semaphore, #tpu.memory_space<semaphore_mem>> -> memref<!tpu.dma_semaphore, #tpu.memory_space<semaphore_mem>>
          %dma_start3A_704 = arith.constant 0 : i32
          %dma_start3A_705 = arith.constant 0 : i32
          %dma_start3A_706 = tpu.memref_slice %arg12[%dma_start3A_694, %dma_start3A_704, %dma_start3A_705] : memref<2x640x16xf32, #tpu.memory_space<vmem>> -> memref<1x640x16xf32, #tpu.memory_space<vmem>>
          %dma_start3A_707 = tpu.memref_squeeze %dma_start3A_706 : memref<1x640x16xf32, #tpu.memory_space<vmem>> -> memref<640x16xf32, #tpu.memory_space<vmem>>
          %dma_start3A_708 = arith.constant 0 : i32
          %dma_start3A_709 = tpu.memref_slice %arg3[%mul3A_693, %dma_start3A_708] : memref<3200000x16xf32, #tpu.memory_space<hbm>> -> memref<640x16xf32, #tpu.memory_space<hbm>>
          tpu.enqueue_dma source(%dma_start3A_709 : memref<640x16xf32, #tpu.memory_space<hbm>>) target(%dma_start3A_707 : memref<640x16xf32, #tpu.memory_space<vmem>>) target_semaphore(%dma_start3A_703 : memref<!tpu.dma_semaphore, #tpu.memory_space<semaphore_mem>>)
        } else {
        }
      } else {
      }
    }
    %barrier3A_91 = arith.constant 0 : index
    tpu.barrier barrier_id(%barrier3A_91)
    %lt3A_92 = arith.constant 4 : i32
    %lt3A_93 = arith.cmpi slt, %arg1, %lt3A_92 : i32
    %convert_element_type3A_94 = arith.extui %lt3A_93 : i1 to i32
    %cond3A_95 = arith.constant 0 : i32
    %cond3A_96 = arith.cmpi ne, %convert_element_type3A_94, %cond3A_95 : i32
    scf.if %cond3A_96 {
      "tpu.region"() ({
        %run_scoped3A = tpu.sem_alloc : memref<!tpu.dma_semaphore, #tpu.memory_space<semaphore_mem>>
        %dma_start3A_102 = arith.constant 0 : i32
        %dma_start3A_103 = tpu.memref_slice %arg7[%arg0, %mul3A_6, %dma_start3A_102] : memref<2x100000x16xf32, #tpu.memory_space<hbm>> -> memref<1x6256x16xf32, #tpu.memory_space<hbm>>
        %dma_start3A_104 = tpu.memref_squeeze %dma_start3A_103 : memref<1x6256x16xf32, #tpu.memory_space<hbm>> -> memref<6256x16xf32, #tpu.memory_space<hbm>>
        %dma_start3A_105 = arith.constant 0 : i32
        %dma_start3A_106 = tpu.memref_slice %arg9[%mul3A_6, %dma_start3A_105] : memref<100000x16xf32, #tpu.memory_space<vmem_shared>> -> memref<6256x16xf32, #tpu.memory_space<vmem_shared>>
        tpu.enqueue_dma source(%dma_start3A_106 : memref<6256x16xf32, #tpu.memory_space<vmem_shared>>) target(%dma_start3A_104 : memref<6256x16xf32, #tpu.memory_space<hbm>>) target_semaphore(%run_scoped3A : memref<!tpu.dma_semaphore, #tpu.memory_space<semaphore_mem>>)
        %dma_wait3A = arith.constant 0 : i32
        %dma_wait3A_107 = tpu.memref_slice %arg7[%arg0, %mul3A_6, %dma_wait3A] : memref<2x100000x16xf32, #tpu.memory_space<hbm>> -> memref<1x6256x16xf32, #tpu.memory_space<hbm>>
        %dma_wait3A_108 = tpu.memref_squeeze %dma_wait3A_107 : memref<1x6256x16xf32, #tpu.memory_space<hbm>> -> memref<6256x16xf32, #tpu.memory_space<hbm>>
        %dma_wait3A_109 = arith.constant 0 : i32
        %dma_wait3A_110 = tpu.memref_slice %arg9[%mul3A_6, %dma_wait3A_109] : memref<100000x16xf32, #tpu.memory_space<vmem_shared>> -> memref<6256x16xf32, #tpu.memory_space<vmem_shared>>
        tpu.wait_dma2 semaphore(%run_scoped3A : memref<!tpu.dma_semaphore, #tpu.memory_space<semaphore_mem>>) src(%dma_wait3A_110 : memref<6256x16xf32, #tpu.memory_space<vmem_shared>>) dst(%dma_wait3A_108 : memref<6256x16xf32, #tpu.memory_space<hbm>>)
        tpu.yield
      }) : () -> ()
      "tpu.region"() ({
        %run_scoped3A = tpu.sem_alloc : memref<!tpu.dma_semaphore, #tpu.memory_space<semaphore_mem>>
        %dma_start3A_102 = tpu.memref_slice %arg8[%arg0, %mul3A_6] : memref<2x100000xf32, #tpu.memory_space<hbm>> -> memref<1x6256xf32, #tpu.memory_space<hbm>>
        %dma_start3A_103 = tpu.memref_squeeze %dma_start3A_102 : memref<1x6256xf32, #tpu.memory_space<hbm>> -> memref<6256xf32, #tpu.memory_space<hbm>>
        %dma_start3A_104 = tpu.memref_slice %arg10[%mul3A_6] : memref<100000xf32, #tpu.memory_space<vmem_shared>> -> memref<6256xf32, #tpu.memory_space<vmem_shared>>
        tpu.enqueue_dma source(%dma_start3A_104 : memref<6256xf32, #tpu.memory_space<vmem_shared>>) target(%dma_start3A_103 : memref<6256xf32, #tpu.memory_space<hbm>>) target_semaphore(%run_scoped3A : memref<!tpu.dma_semaphore, #tpu.memory_space<semaphore_mem>>)
        %dma_wait3A = tpu.memref_slice %arg8[%arg0, %mul3A_6] : memref<2x100000xf32, #tpu.memory_space<hbm>> -> memref<1x6256xf32, #tpu.memory_space<hbm>>
        %dma_wait3A_105 = tpu.memref_squeeze %dma_wait3A : memref<1x6256xf32, #tpu.memory_space<hbm>> -> memref<6256xf32, #tpu.memory_space<hbm>>
        %dma_wait3A_106 = tpu.memref_slice %arg10[%mul3A_6] : memref<100000xf32, #tpu.memory_space<vmem_shared>> -> memref<6256xf32, #tpu.memory_space<vmem_shared>>
        tpu.wait_dma2 semaphore(%run_scoped3A : memref<!tpu.dma_semaphore, #tpu.memory_space<semaphore_mem>>) src(%dma_wait3A_106 : memref<6256xf32, #tpu.memory_space<vmem_shared>>) dst(%dma_wait3A_105 : memref<6256xf32, #tpu.memory_space<hbm>>)
        tpu.yield
      }) : () -> ()
    } else {
    }
    %ge3A_97 = arith.constant 4 : i32
    %ge3A_98 = arith.cmpi sge, %arg1, %ge3A_97 : i32
    %convert_element_type3A_99 = arith.extui %ge3A_98 : i1 to i32
    %cond3A_100 = arith.constant 0 : i32
    %cond3A_101 = arith.cmpi ne, %convert_element_type3A_99, %cond3A_100 : i32
    scf.if %cond3A_101 {
      "tpu.region"() ({
        %run_scoped3A = tpu.sem_alloc : memref<!tpu.dma_semaphore, #tpu.memory_space<semaphore_mem>>
        %dma_start3A_102 = arith.constant 0 : i32
        %dma_start3A_103 = tpu.memref_slice %arg7[%arg0, %mul3A_6, %dma_start3A_102] : memref<2x100000x16xf32, #tpu.memory_space<hbm>> -> memref<1x6248x16xf32, #tpu.memory_space<hbm>>
        %dma_start3A_104 = tpu.memref_squeeze %dma_start3A_103 : memref<1x6248x16xf32, #tpu.memory_space<hbm>> -> memref<6248x16xf32, #tpu.memory_space<hbm>>
        %dma_start3A_105 = arith.constant 0 : i32
        %dma_start3A_106 = tpu.memref_slice %arg9[%mul3A_6, %dma_start3A_105] : memref<100000x16xf32, #tpu.memory_space<vmem_shared>> -> memref<6248x16xf32, #tpu.memory_space<vmem_shared>>
        tpu.enqueue_dma source(%dma_start3A_106 : memref<6248x16xf32, #tpu.memory_space<vmem_shared>>) target(%dma_start3A_104 : memref<6248x16xf32, #tpu.memory_space<hbm>>) target_semaphore(%run_scoped3A : memref<!tpu.dma_semaphore, #tpu.memory_space<semaphore_mem>>)
        %dma_wait3A = arith.constant 0 : i32
        %dma_wait3A_107 = tpu.memref_slice %arg7[%arg0, %mul3A_6, %dma_wait3A] : memref<2x100000x16xf32, #tpu.memory_space<hbm>> -> memref<1x6248x16xf32, #tpu.memory_space<hbm>>
        %dma_wait3A_108 = tpu.memref_squeeze %dma_wait3A_107 : memref<1x6248x16xf32, #tpu.memory_space<hbm>> -> memref<6248x16xf32, #tpu.memory_space<hbm>>
        %dma_wait3A_109 = arith.constant 0 : i32
        %dma_wait3A_110 = tpu.memref_slice %arg9[%mul3A_6, %dma_wait3A_109] : memref<100000x16xf32, #tpu.memory_space<vmem_shared>> -> memref<6248x16xf32, #tpu.memory_space<vmem_shared>>
        tpu.wait_dma2 semaphore(%run_scoped3A : memref<!tpu.dma_semaphore, #tpu.memory_space<semaphore_mem>>) src(%dma_wait3A_110 : memref<6248x16xf32, #tpu.memory_space<vmem_shared>>) dst(%dma_wait3A_108 : memref<6248x16xf32, #tpu.memory_space<hbm>>)
        tpu.yield
      }) : () -> ()
      "tpu.region"() ({
        %run_scoped3A = tpu.sem_alloc : memref<!tpu.dma_semaphore, #tpu.memory_space<semaphore_mem>>
        %dma_start3A_102 = tpu.memref_slice %arg8[%arg0, %mul3A_6] : memref<2x100000xf32, #tpu.memory_space<hbm>> -> memref<1x6248xf32, #tpu.memory_space<hbm>>
        %dma_start3A_103 = tpu.memref_squeeze %dma_start3A_102 : memref<1x6248xf32, #tpu.memory_space<hbm>> -> memref<6248xf32, #tpu.memory_space<hbm>>
        %dma_start3A_104 = tpu.memref_slice %arg10[%mul3A_6] : memref<100000xf32, #tpu.memory_space<vmem_shared>> -> memref<6248xf32, #tpu.memory_space<vmem_shared>>
        tpu.enqueue_dma source(%dma_start3A_104 : memref<6248xf32, #tpu.memory_space<vmem_shared>>) target(%dma_start3A_103 : memref<6248xf32, #tpu.memory_space<hbm>>) target_semaphore(%run_scoped3A : memref<!tpu.dma_semaphore, #tpu.memory_space<semaphore_mem>>)
        %dma_wait3A = tpu.memref_slice %arg8[%arg0, %mul3A_6] : memref<2x100000xf32, #tpu.memory_space<hbm>> -> memref<1x6248xf32, #tpu.memory_space<hbm>>
        %dma_wait3A_105 = tpu.memref_squeeze %dma_wait3A : memref<1x6248xf32, #tpu.memory_space<hbm>> -> memref<6248xf32, #tpu.memory_space<hbm>>
        %dma_wait3A_106 = tpu.memref_slice %arg10[%mul3A_6] : memref<100000xf32, #tpu.memory_space<vmem_shared>> -> memref<6248xf32, #tpu.memory_space<vmem_shared>>
        tpu.wait_dma2 semaphore(%run_scoped3A : memref<!tpu.dma_semaphore, #tpu.memory_space<semaphore_mem>>) src(%dma_wait3A_106 : memref<6248xf32, #tpu.memory_space<vmem_shared>>) dst(%dma_wait3A_105 : memref<6248xf32, #tpu.memory_space<hbm>>)
        tpu.yield
      }) : () -> ()
    } else {
    }
    return
  }
}

</mosaic_0001>

<sc_bundles>
// kernel: kernel.3.cloned.1.call-start
scs
__scs_entry_jumppad:
0x0: {  	(pc) =	sbr.rel $0x88, $3  }
0x1: {  	(tag) =	ssettag $0x0;
	lr =	simm.s32 $0x1  }
0x2: {  	[smem:$0x3F9E] =	sst lr;
	_ =	strace $0xD0000000  }
0x3: {  	_ = 	snop  }
0x4: {  	_ = 	snop  }
0x5: {  	_ = 	snop  }
0x6: {  	_ = 	snop  }
0x7: {  	_ = 	snop  }
__scs_overlays_trampoline_lowered:
0x8: {  	[smem:$0x3FAD] =	sst s0  }
0x9: {  	[smem:$0x3FAE] =	sst s1  }
0xa: {  	[smem:$0x3FAF] =	sst s2  }
0xb: {  	[smem:$0x3FB0] =	sst s3  }
0xc: {  	[smem:$0x3FB1] =	sst s4  }
0xd: {  	[smem:$0x3FB2] =	sst s5  }
0xe: {  	[smem:$0x3FB3] =	sst s6  }
0xf: {  	[smem:$0x3FB4] =	sst s7  }
0x10: {  	[smem:$0x3FB5] =	sst s8  }
0x11: {  	[smem:$0x3FB6] =	sst s9;
	s0 =	simm.s32 @!p0 $0x0  }
0x12: {  	s1 =	sld [smem:$0x3F9C];
	s0 =	simm.s32 @p0 $0x1  }
0x13: {  	[smem:$0x3FB7] =	sst s0;
	s0 =	simm.s32 @!p1 $0x0  }
0x14: {  	s2 =	sld [smem:$0x3F9B];
	s0 =	simm.s32 @p1 $0x1  }
0x15: {  	[smem:$0x3FB8] =	sst s0;
	s0 =	simm.s32 @!p2 $0x0  }
0x16: {  	s3 =	sld [smem:$0x3FDB];
	s0 =	simm.s32 @p2 $0x1  }
0x17: {  	s4 =	simm.s32 $0x1BF5;
	[smem:$0x3FBA] =	sst s0  }
0x18: {  	s0 =	sld [smem:$0x3F9D];
	_ =	swait.ge [sflag:s4], $0x0  }
0x19: {  	s7 =	sld [smem:$0x3F9E]  }
0x1a: {  	s8 =	sadd.s32 $0xFFFFE003, lr  }
0x1b: {  	s9 =	sadd.s32 $0xFFFFFEF7, lr;
	s5 =	simm.s32 $0xFFFFFFFF;
	p2 =	slt.u32 s8, $0xFFFFF086  }
0x1c: {  	p1 =	slt.u32 s9, $0xF7A;
	s5 =	simm.s32 @!p2 $0x0  }
0x1d: {  	s5 =	simm.s32 @p1 $0x1;
	p0 =	seq.s32 s7, s2  }
0x1e: {  	s7 =	smul.u32 @!p0 $0xF7A, s2;
	p2 =	seq.s32 @!p0 s5, $0x0  }
0x1f: {  	s9 =	smul.u32 $0xF7A, s1;
	s8 =	simm.s32 @!p0 $0x1BF5;
	p2 =	por !p2, p0  }
0x20: {  	[sflag:s8] =	ssyncset.s32 @!p0 $0xFFFFF086;
	s6 =	sadd.s32 @!p0 s3, s7;
	s7 =	simm.s32 @!p0 $0x108  }
0x21: {  	s3 =	sadd.s32 s3, s9;
	s6 =	sadd.s32 @!p0 $0x88, s6;
	s7 =	simm.s32 @p2 $0x1082  }
0x22: {  	[simem:s7], [sflag:s8] =	dma.local @!p0 [hbm:s6], $0xF7A  }
0x23: {  	s9 =	sor.u32 $0xD0000000, s2;
	s6 =	simm.s32 $0x108;
	_ =	swait.ge @!p0 [sflag:s8], $0x0  }
0x24: {  	s3 =	sadd.s32 $0x88, s3;
	s6 =	simm.s32 @!p1 $0x1082;
	[sflag:s4] =	ssyncset.s32 $0xFFFFF086  }
0x25: {  	[simem:s6], [sflag:s4] =	dma.local [hbm:s3], $0xF7A  }
0x26: {  	[smem:$0x3F9E] =	sst s1;
	(tag) =	ssettag s2;
	_ =	strace s9  }
0x27: {  	s1 =	sld [smem:$0x3FAE]  }
0x28: {  	s2 =	sld [smem:$0x3FAF]  }
0x29: {  	s4 =	sld [smem:$0x3FB1]  }
0x2a: {  	p0 =	seq.s32 s5, $0x0;
	s5 =	sld [smem:$0x3FB2]  }
0x2b: {  	s6 =	sld [smem:$0x3FB3]  }
0x2c: {  	s7 =	sld [smem:$0x3FB4]  }
0x2d: {  	s3 =	simm.s32 $0x108;
	s8 =	sld [smem:$0x3FB5]  }
0x2e: {  	s3 =	simm.s32 @!p0 $0x1082;
	s9 =	sld [smem:$0x3FB6]  }
0x2f: {  	lr =	sadd.s32 s0, s3;
	s0 =	sld [smem:$0x3FAD]  }
0x30: {  	s3 =	sld [smem:$0x3FB0]  }
0x31: {  	[smem:$0x3FB9] =	sst s10  }
0x32: {  	s10 =	sld [smem:$0x3FB7];
	_ =	sdelay $0x3  }
0x33: {  	p0 =	seq.s32 s10, $0x1;
	s10 =	sld [smem:$0x3FB9];
	_ =	sdelay $0x3  }
0x34: {  	[smem:$0x3FB9] =	sst s10  }
0x35: {  	s10 =	sld [smem:$0x3FB8];
	_ =	sdelay $0x3  }
0x36: {  	p1 =	seq.s32 s10, $0x1;
	s10 =	sld [smem:$0x3FB9];
	_ =	sdelay $0x3  }
0x37: {  	[smem:$0x3FB9] =	sst s10  }
0x38: {  	s10 =	sld [smem:$0x3FBA]  }
0x39: {  	_ = 	snop;
	(pc) =	sbr.ind lr, $3  }
0x3a: {  	_ = 	snop  }
0x3b: {  	_ = 	snop  }
0x3c: {  	p2 =	seq.s32 s10, $0x1;
	s10 =	sld [smem:$0x3FB9]  }
0x3d: {  	_ =	shalt  }
0x3e: {  	_ =	shalt  }
0x3f: {  	_ =	shalt  }
0x40: {  	_ =	shalt  }
0x41: {  	_ =	shalt  }
0x42: {  	_ =	shalt  }
0x43: {  	_ =	shalt  }
0x44: {  	_ =	shalt  }
0x45: {  	_ =	shalt  }
0x46: {  	_ =	shalt  }
0x47: {  	_ =	shalt  }
0x48: {  	_ =	shalt  }
0x49: {  	_ =	shalt  }
0x4a: {  	_ =	shalt  }
0x4b: {  	_ =	shalt  }
0x4c: {  	_ =	shalt  }
0x4d: {  	_ =	shalt  }
0x4e: {  	_ =	shalt  }
0x4f: {  	_ =	shalt  }
0x50: {  	_ =	shalt  }
0x51: {  	_ =	shalt  }
0x52: {  	_ =	shalt  }
0x53: {  	_ =	shalt  }
0x54: {  	_ =	shalt  }
0x55: {  	_ =	shalt  }
0x56: {  	_ =	shalt  }
0x57: {  	_ =	shalt  }
0x58: {  	_ =	shalt  }
0x59: {  	_ =	shalt  }
0x5a: {  	_ =	shalt  }
0x5b: {  	_ =	shalt  }
0x5c: {  	_ =	shalt  }
0x5d: {  	_ =	shalt  }
0x5e: {  	_ =	shalt  }
0x5f: {  	_ =	shalt  }
0x60: {  	_ =	shalt  }
0x61: {  	_ =	shalt  }
0x62: {  	_ =	shalt  }
0x63: {  	_ =	shalt  }
0x64: {  	_ =	shalt  }
0x65: {  	_ =	shalt  }
0x66: {  	_ =	shalt  }
0x67: {  	_ =	shalt  }
0x68: {  	_ =	shalt  }
0x69: {  	_ =	shalt  }
0x6a: {  	_ =	shalt  }
0x6b: {  	_ =	shalt  }
0x6c: {  	_ =	shalt  }
0x6d: {  	_ =	shalt  }
0x6e: {  	_ =	shalt  }
0x6f: {  	_ =	shalt  }
0x70: {  	_ =	shalt  }
0x71: {  	_ =	shalt  }
0x72: {  	_ =	shalt  }
0x73: {  	_ =	shalt  }
0x74: {  	_ =	shalt  }
0x75: {  	_ =	shalt  }
0x76: {  	_ =	shalt  }
0x77: {  	_ =	shalt  }
0x78: {  	_ =	shalt  }
0x79: {  	_ =	shalt  }
0x7a: {  	_ =	shalt  }
0x7b: {  	_ =	shalt  }
0x7c: {  	_ =	shalt  }
0x7d: {  	_ =	shalt  }
0x7e: {  	_ =	shalt  }
0x7f: {  	_ =	shalt  }
0x80: {  	_ =	shalt  }
0x81: {  	_ =	shalt  }
0x82: {  	_ =	shalt  }
0x83: {  	_ =	shalt  }
0x84: {  	_ =	shalt  }
0x85: {  	_ =	shalt  }
0x86: {  	_ =	shalt  }
0x87: {  	_ =	shalt  }
.Lfunc_end0:
.L_simem_size_0:
called_computation_lowered:
.L_overlay_start_0:
0x88: {  	s2 =	sld [smem:$0x3FD9]  }
0x89: {  	s3 =	sld [smem:$0x3FFE];
	_ =	sdelay $0x1  }
0x8a: {  	s1 =	srdreg.scid  }
0x8b: {  	s0 =	sand.u32 $0x1, s1  }
0x8c: {  	s17 =	sshll.u32 s0, $0xA;
	s2 =	sadd.s32 s3, s2  }
0x8d: {  	s2 =	sadd.s32 s2, s17  }
0x8e: {  	[smem:$0x3FC5] =	sst s2  }
0x8f: {  	_ = 	snop  }
0x90: {  	s2 =	sld [smem:$0x3FD0];
	(tm) =	ssettm $0x1  }
0x91: {  	s18 =	sld [smem:$0x3FFB];
	_ =	sdelay $0x3  }
0x92: {  	_ =	strace s18  }
0x93: {  	s3 =	sld [smem:$0x3FFC];
	_ =	sdelay $0x3  }
0x94: {  	_ =	strace s3  }
0x95: {  	s3 =	sld [smem:$0x3FFD];
	_ =	sdelay $0x3  }
0x96: {  	_ =	strace s3  }
0x97: {  	_ =	strace $0x8FFFFFFF  }
0x98: {  	s19 =	sld [smem:$0x3FDB];
	_ =	sdelay $0x1  }
0x99: {  	s4 =	simm.s32 $_scs_section_size  }
0x9a: {  	s5 =	simm.s32 $_size__tile_overlayer_lowered;
	s6 =	simm.s32 $_tile_overlayer_lowered  }
0x9b: {  	s22 =	simm.s32 $0x1BFF;
	s21 =	sshll.u32 s6, $0x1;
	s3 =	sadd.s32 s4, s19  }
0x9c: {  	s7 =	simm.s32 $0x0;
	s20 =	sshll.u32 s5, $0x1;
	s5 =	sadd.s32 s21, s3  }
0x9d: {  	[timem:s7], [sflag:s22] =	dma.local [hbm:s5], s20  }
0x9e: {  	_ =	swait.ge [sflag:s22], s20  }
0x9f: {  	s4 =	ssub.s32 $0x0, s20;
	[sflag:s22] =	ssyncset.done $0x0  }
0xa0: {  	[sflag:s22] =	ssyncadd.s32 s4;
	_ =	sdelay $0x1  }
0xa1: {  	s23 =	simm.s32 $0x1B8B  }
0xa2: {  	_ =	swait.ge [sflag:s23], $0x1  }
0xa3: {  	[sflag:s23] =	ssyncset.done $0x0  }
0xa4: {  	s25 =	simm.s32 $0x1B8E;
	s24 =	sld [smem:$0x3FFE];
	[sflag:s23] =	ssyncadd.s32 $0xFFFFFFFF  }
0xa5: {  	s26 =	simm.s32 $execute0_lowered;
	[smem:$0x3FD2] =	sst s25  }
0xa6: {  	s5 =	sshll.u32 s26, $0x1;
	_ =	strace $0x80000046;
	[dreg:$0x1] =	wrdreg $0xFFFFFFFF  }
0xa7: {  	s28 =	simm.s32 $_size_execute0_lowered;
	s3 =	sadd.s32 s3, s5;
	[dreg:$0x0] =	wrdreg $0x0  }
0xa8: {  	s5 =	sshll.u32 s28, $0x1;
	[dreg:$0x2] =	wrdreg s3  }
0xa9: {  	[dreg:$0x3] =	wrdreg s5  }
0xaa: {  	[dreg:$0x4] =	wrdreg $0xC0  }
0xab: {  	_ =	task [dreg:s7], $0x5FFFF  }
0xac: {  	[dreg:$0x1] =	wrdreg $0xFFFFFFFF  }
0xad: {  	[dreg:$0x0] =	wrdreg $0x60  }
0xae: {  	[dreg:$0x2] =	wrdreg s2  }
0xaf: {  	[dreg:$0x3] =	wrdreg s24  }
0xb0: {  	[dreg:$0x4] =	wrdreg $0x0  }
0xb1: {  	[dreg:$0x5] =	wrdreg $0x186A00  }
0xb2: {  	[dreg:$0x6] =	wrdreg $0x9  }
0xb3: {  	_ =	task.clear_ibuf [dreg:s7], $0x7FFFF;
	_ =	strace $0x90000046  }
0xb4: {  	s29 =	simm.s32 $0x9;
	_ =	strace $0x80000048  }
0xb5: {  	_ =	swait.ge [sflag:s29], $0x1  }
0xb6: {  	[sflag:s29] =	ssyncadd.s32 $0xFFFFFFFF  }
0xb7: {  	_ =	strace $0x90000048  }
0xb8: {  	_ =	sfence  }
0xb9: {  	s30 =	sld [smem:$0x0];
	_ =	sdelay $0x2  }
0xba: {  	s31 =	sshll.u32 s1, $0xD;
	s1 =	sshrl.u32 s1, $0x2  }
0xbb: {  	s3 =	sand.u32 $0x4000, s31;
	s1 =	sadd.s32 s1, s30  }
0xbc: {  	s0 =	sor.u32 s3, s0;
	s1 =	sshll.u32 s1, $0x11  }
0xbd: {  	s0 =	sor.u32 s1, s0  }
0xbe: {  	s0 =	sadd.s32 $0x8F2B, s0  }
0xbf: {  	[sflag:s0] =	ssyncadd.remote.s32 $0x1  }
0xc0: {  	_ =	sfence.sel $0xFFFF  }
0xc1: {  	[dreg:$0x0] =	wrdreg $0xFFFFFFFF;
	(pc) =	sbr.abs _section_cstart, $3  }
0xc2: {  	[dreg:$0x1] =	wrdreg $0xFFFFFFFF  }
0xc3: {  	_ =	task.clear_ibuf [dreg:s7], $0x2FFFF;
	_ =	strace $0x9FFFFFFF  }
0xc4: {  	(tm) =	ssettm $0x7FFFFFFF  }
0xc5: {  	_ =	shalt  }
tec
execute0_lowered:
.L_overlay_start_1:
0x0: {  	(tag) =	ssettag $0x1  }
0x1: {  	s0 =	rddreg [dreg:$0x0]  }
0x2: {  	s1 =	rddreg [dreg:$0x1]  }
0x3: {  	s2 =	rddreg [dreg:$0x2]  }
0x4: {  	s3 =	rddreg [dreg:$0x3];
	s14 =	stileid.u32;
	s5 =	simm.s32 $0x0  }
0x5: {  	s20 =	srdreg.scid;
	s28 =	simm.s32 $0x1A190;
	s30 =	simm.s32 $0x1  }
0x6: {  	s31 =	simm.s32 $0x80;
	s4 =	smul.u32 $0x30D, s14;
	[smem:$0x7FF] =	sst s5  }
0x7: {  	s19 =	smin.u32 s14, $0x4;
	s6 =	sadd.s32 $0x30D4200, s1;
	s5 =	sand.u32 $0x1, s20  }
0x8: {  	s9 =	sshll.u32 s14, $0x1;
	s12 =	sadd.s32 $0x34200, s1;
	s8 =	smul.u32 $0x186A00, s5  }
0x9: {  	p0 =	sgt.u32 s14, $0x3;
	_ =	strace $0x80000047;
	s29 =	smul.u32 $0x30D4, s5  }
0xa: {  	s9 =	sor.u32 s5, s9;
	[dreg:$0x5] =	wrdreg s12;
	s17 =	smul.u32 $0x30C00, s5  }
0xb: {  	s13 =	ssub.s32 $0x2, s5;
	s4 =	sadd.s32 s19, s4;
	s21 =	smul.u32 $0x9C, s9  }
0xc: {  	s9 =	smin.u32 s9, $0x8;
	s22 =	sshrl.u32 s13, $0x1;
	s19 =	smul.u32 $0x30C00, s14  }
0xd: {  	s7 =	sshll.u32 s4, $0x4;
	s10 =	sadd.s32 s4, s1;
	s11 =	sshll.u32 s4, $0x7  }
0xe: {  	s4 =	sshll.u32 s4, $0x3;
	s7 =	sadd.s32 s7, s1;
	s8 =	sadd.s32 s8, s11  }
0xf: {  	s15 =	sadd.s32 s9, s21;
	s11 =	sadd.s32 s11, s2;
	s4 =	sadd.s32 s4, s3  }
0x10: {  	s23 =	sadd.s32 $0x31000, s10;
	s21 =	smul.u32 $0x18600, s5;
	[dreg:$0x7] =	wrdreg s11  }
0x11: {  	s10 =	sadd.s32 s29, s10;
	s5 =	smul.u32 $0x9C, s5;
	[dreg:$0x9] =	wrdreg s4  }
0x12: {  	s8 =	sshrl.u32 s8, $0x3;
	s12 =	smul.u32 $0x280, s15;
	[dreg:$0xa] =	wrdreg s23  }
0x13: {  	s7 =	sadd.s32 $0x200, s7;
	[dreg:$0x6] =	wrdreg s15;
	s25 =	smul.u32 $0x500, s15  }
0x14: {  	s15 =	smul.u32 $0x61800, s14;
	s23 =	sshll.u32 s14, $0x6;
	s10 =	sadd.s32 $0x96000, s10  }
0x15: {  	s1 =	sadd.s32 s8, s1;
	s8 =	ssub.s32 s13, s22;
	[dreg:$0x8] =	wrdreg s7  }
0x16: {  	s22 =	smul.u32 $0x500, s9;
	[dreg:$0x10] =	wrdreg s10;
	s10 =	simm.s32 $0x1A390  }
0x17: {  	s7 =	simm.s32 $0x0;
	s24 =	sshrl.u32 s12, $0x3;
	s26 =	sadd.s32 $0x280, s12  }
0x18: {  	s16 =	sadd.s32 s6, s25;
	s1 =	sadd.s32 $0x34400, s1;
	s20 =	sadd.s32 s15, s6  }
0x19: {  	s8 =	smax.u32 s8, $0x1;
	s15 =	sor.u32 $0x1C05, s23;
	s25 =	smul.u32 $0x138, s14  }
0x1a: {  	s23 =	simm.s32 $0x1F410;
	s14 =	simm.s32 $0x1A110;
	s12 =	simm.s32 $0x1C410  }
0x1b: {  	s4 =	sadd.s32 s0, s24;
	s13 =	sshrl.u32 s26, $0x3;
	[dreg:$0xc] =	wrdreg s16  }
0x1c: {  	s18 =	sadd.s32 $0x500, s16;
	[dreg:$0xf] =	wrdreg s1;
	s1 =	sadd.s32 s17, s20  }
0x1d: {  	s24 =	smul.u32 $0x280, s9;
	[dreg:$0x11] =	wrdreg s8;
	s17 =	simm.s32 $0x3  }
0x1e: {  	s20 =	simm.s32 $0x1A210;
	s8 =	simm.s32 $0x1A310;
	[dreg:$0x12] =	wrdreg s15  }
0x1f: {  	s16 =	simm.s32 $0x4;
	s4 =	sadd.s32 $0x61A80, s4;
	[dreg:$0xe] =	wrdreg s18  }
0x20: {  	s1 =	sadd.s32 s22, s1;
	[dreg:$0xb] =	wrdreg s4;
	s4 =	sadd.s32 s0, s13  }
0x21: {  	s6 =	sadd.s32 s25, s9;
	s25 =	simm.s32 $0x19F10;
	s4 =	sadd.s32 $0x61A80, s4  }
0x22: {  	s1 =	sadd.s32 $0xF00, s1;
	[dreg:$0xd] =	wrdreg s4;
	s4 =	sadd.s32 s21, s19  }
0x23: {  	s13 =	simm.s32 $0x1BC10;
	[dreg:$0x13] =	wrdreg s1;
	s4 =	sadd.s32 s24, s4  }
.Ltmp0:
0x24: {  	s21 =	sadd.s32 s5, s6;
	s26 =	sadd.s32 $0x30DB80, s4;
	(pc) =	sbr.rel .LBB2_1-.Ltmp0, $4  }
0x25: {  	s5 =	simm.s32 $0x1A010;
	s4 =	sadd.s32 $0x30D900, s4;
	s1 =	sshrl.u32 s26, $0x3  }
0x26: {  	s6 =	simm.s32 $0x1A090;
	s29 =	sshrl.u32 s4, $0x3;
	s1 =	sadd.s32 s1, s0  }
0x27: {  	s19 =	simm.s32 $0x2;
	s0 =	sadd.s32 s29, s0;
	[dreg:$0x14] =	wrdreg s1  }
0x28: {  	s24 =	simm.s32 $0x1A290;
	[dreg:$0x15] =	wrdreg s0;
	s0 =	simm.s32 $0x19F90  }
.LBB2_5:
0x29: {  	[bflag:$0x0] =	sbarrier.arrive $0xFFFF  }
0x2a: {  	s4 =	rddreg [dreg:$0xf]  }
0x2b: {  	s15 =	rddreg [dreg:$0x12]  }
0x2c: {  	s1 =	rddreg [dreg:$0x17]  }
0x2d: {  	[hbm:s4], [sflag:s15] =	dma.local @p0 [spmem:s1], $0x30D0  }
0x2e: {  	s1 =	simm.s32 @p0 $0x5  }
0x2f: {  	_ =	swait.ge @p0 [sflag:s1], $0x30D0  }
0x30: {  	[sflag:s1] =	ssyncset.done @p0 $0x0;
	s7 =	rddreg [dreg:$0x10]  }
0x31: {  	s9 =	rddreg [dreg:$0x18];
	[sflag:s1] =	ssyncadd.s32 @p0 $0xFFFFCF30  }
0x32: {  	[hbm:s7], [sflag:s15] =	dma.local @p0 [spmem:s9], $0x30D  }
0x33: {  	_ =	swait.ge @p0 [sflag:s1], $0x30D  }
0x34: {  	[sflag:s1] =	ssyncset.done @p0 $0x0  }
0x35: {  	[sflag:s1] =	ssyncadd.s32 @p0 $0xFFFFFCF3;
	s1 =	rddreg [dreg:$0x19]  }
0x36: {  	[hbm:s4], [sflag:s15] =	dma.local @!p0 [spmem:s1], $0x30E0  }
0x37: {  	s1 =	simm.s32 @!p0 $0x5  }
0x38: {  	_ =	swait.ge @!p0 [sflag:s1], $0x30E0  }
0x39: {  	[sflag:s1] =	ssyncset.done @!p0 $0x0  }
0x3a: {  	s4 =	rddreg [dreg:$0x1a];
	[sflag:s1] =	ssyncadd.s32 @!p0 $0xFFFFCF20  }
0x3b: {  	[hbm:s7], [sflag:s15] =	dma.local @!p0 [spmem:s4], $0x30E  }
0x3c: {  	_ =	swait.ge @!p0 [sflag:s1], $0x30E  }
0x3d: {  	s26 =	rddreg [dreg:$0x16]  }
0x3e: {  	s29 =	rddreg [dreg:$0x11];
	s7 =	sadd.s32 $0x1, s26  }
0x3f: {  	p1 =	sne.s32 s7, s29  }
.Ltmp1:
0x40: {  	_ = 	snop;
	(pc) =	sbr.rel @!p1 .LBB2_6-.Ltmp1, $3  }
0x41: {  	_ =	sdelay $0x1  }
0x42: {  	[sflag:s1] =	ssyncset.done @!p0 $0x0  }
0x43: {  	[sflag:s1] =	ssyncadd.s32 @!p0 $0xFFFFFCF2  }
.LBB2_1:
0x44: {  	[dreg:$0x16] =	wrdreg s7  }
0x45: {  	s1 =	rddreg [dreg:$0x7]  }
0x46: {  	s7 =	rddreg [dreg:$0x8];
	s4 =	sshrl.u32 @p0 s1, $0x3  }
0x47: {  	[dreg:$0x17] =	wrdreg s4  }
0x48: {  	[spmem:s4], [sflag:s15] =	dma.local @p0 [hbm:s7], $0x30D0  }
0x49: {  	s4 =	simm.s32 @p0 $0x5  }
0x4a: {  	_ =	swait.ge @p0 [sflag:s4], $0x30D0  }
0x4b: {  	s9 =	rddreg [dreg:$0x9]  }
0x4c: {  	[sflag:s4] =	ssyncset.done @p0 $0x0;
	s11 =	rddreg [dreg:$0xa];
	s18 =	sshrl.u32 @p0 s9, $0x3  }
0x4d: {  	[sflag:s4] =	ssyncadd.s32 @p0 $0xFFFFCF30;
	[dreg:$0x18] =	wrdreg s18  }
0x4e: {  	[spmem:s18], [sflag:s15] =	dma.local @p0 [hbm:s11], $0x30D  }
0x4f: {  	_ =	swait.ge @p0 [sflag:s4], $0x30D  }
0x50: {  	s1 =	sshrl.u32 @!p0 s1, $0x3;
	[sflag:s4] =	ssyncset.done @p0 $0x0  }
0x51: {  	[dreg:$0x19] =	wrdreg s1;
	[sflag:s4] =	ssyncadd.s32 @p0 $0xFFFFFCF3;
	s4 =	simm.s32 @!p0 $0x5  }
0x52: {  	[spmem:s1], [sflag:s15] =	dma.local @!p0 [hbm:s7], $0x30E0  }
0x53: {  	_ =	swait.ge @!p0 [sflag:s4], $0x30E0  }
0x54: {  	s1 =	sshrl.u32 @!p0 s9, $0x3;
	[sflag:s4] =	ssyncset.done @!p0 $0x0  }
0x55: {  	[dreg:$0x1a] =	wrdreg s1;
	[sflag:s4] =	ssyncadd.s32 @!p0 $0xFFFFCF20  }
0x56: {  	[spmem:s1], [sflag:s15] =	dma.local @!p0 [hbm:s11], $0x30E  }
0x57: {  	_ =	swait.ge @!p0 [sflag:s4], $0x30E  }
0x58: {  	s26 =	simm.s32 $0x5;
	[sflag:s4] =	ssyncset.done @!p0 $0x0  }
0x59: {  	s1 =	simm.s32 $0x0;
	s22 =	rddreg [dreg:$0x5];
	[sflag:s4] =	ssyncadd.s32 @!p0 $0xFFFFFCF2  }
0x5a: {  	[tilespmem:s23], [sflag:$0x5] =	stream.linear.gather [hbm4b:s22+s1], $0x80, $0x38;
	[tilespmem:$0x1F490] =	vst v63  }
0x5b: {  	_ =	swait.ge [sflag:s26], $0x80  }
0x5c: {  	[sflag:s26] =	ssyncset.done $0x0  }
0x5d: {  	[sflag:s26] =	ssyncadd.s32 $0xFFFFFF80  }
0x5e: {  	[bflag:$0x0] =	sbarrier.arrive $0xFFFF  }
0x5f: {  	s7 =	rddreg [dreg:$0xb]  }
0x60: {  	s9 =	rddreg [dreg:$0xc]  }
0x61: {  	[tilespmem:s25], [sflag:$0x1] =	stream.linear.gather [hbm4b:s7+s1], $0x280, $0x38;
	[tilespmem:$0x1F490] =	vst v63  }
0x62: {  	s11 =	simm.s32 $0x1A410;
	s15 =	rddreg [dreg:$0xd]  }
0x63: {  	[tilespmem:s11], [sflag:$0x1] =	stream.linear.gather [hbm4b:s9+s1], $0x2800, $0x38;
	[tilespmem:$0x1F490] =	vst v63  }
0x64: {  	s4 =	simm.s32 @!p0 $0x9D;
	s18 =	rddreg [dreg:$0xe]  }
0x65: {  	[tilespmem:s28], [sflag:$0x2] =	stream.linear.gather [hbm4b:s15+s1], $0x280, $0x38;
	[tilespmem:$0x1F490] =	vst v63  }
.Ltmp2:
0x66: {  	s22 =	simm.s32 $0x1CC10;
	s26 =	rddreg [dreg:$0x6];
	(pc) =	sbr.rel .LBB2_2-.Ltmp2, $4  }
0x67: {  	s4 =	simm.s32 @p0 $0x9C;
	s29 =	rddreg [dreg:$0x15];
	s7 =	simm.s32 @!p0 $0x4F  }
0x68: {  	[tilespmem:s22], [sflag:$0x2] =	stream.linear.gather [hbm4b:s18+s1], $0x2800, $0x38;
	[tilespmem:$0x1F490] =	vst v63  }
0x69: {  	s7 =	simm.s32 @p0 $0x4E;
	s9 =	simm.s32 $0x0;
	s22 =	rddreg [dreg:$0x14]  }
0x6a: {  	s18 =	sadd.s32 s26, s4;
	s4 =	sshll.u32 s7, $0x1;
	s7 =	rddreg [dreg:$0x13]  }
.LBB2_4:
0x6b: {  	s9 =	sadd.s32 $0x2, s9  }
0x6c: {  	p1 =	sne.s32 s4, s9  }
.Ltmp3:
0x6d: {  	_ = 	snop;
	(pc) =	sbr.rel @!p1 .LBB2_5-.Ltmp3, $2  }
0x6e: {  	_ =	sdelay $0x2  }
0x6f: {  	s7 =	sadd.s32 $0xA00, s7;
	s22 =	sadd.s32 $0xA0, s22;
	s29 =	sadd.s32 $0xA0, s29  }
.LBB2_2:
0x70: {  	_ =	swait.ge [sflag:s30], $0x280  }
0x71: {  	[sflag:s30] =	ssyncset.done $0x0  }
0x72: {  	[sflag:s30] =	ssyncadd.s32 $0xFFFFFD80  }
0x73: {  	_ =	swait.ge [sflag:s30], $0x2800  }
0x74: {  	[sflag:s30] =	ssyncset.done $0x0  }
0x75: {  	s1 =	simm.s32 $0x1A410;
	[sflag:s30] =	ssyncadd.s32 $0xFFFFD800  }
0x76: {  	[spmem:s2] =	stream.indirect.scatter.add.f32 [tilespmem:s1], [sflag:$0x3], $0x10, s25, s31, $0xb8;
	[tilespmem:$0x1F490] =	vst v63  }
0x77: {  	_ = 	snop  }
0x78: {  	[spmem:s3] =	stream.indirect.scatter.add.f32 [tilespmem:s23], [sflag:$0x3], $0x1, s25, s31, $0xb8;
	[tilespmem:$0x1F490] =	vst v63  }
0x79: {  	s15 =	simm.s32 $0x1AC10  }
0x7a: {  	[spmem:s2] =	stream.indirect.scatter.add.f32 [tilespmem:s15], [sflag:$0x3], $0x10, s0, s31, $0xb8;
	[tilespmem:$0x1F490] =	vst v63  }
0x7b: {  	_ = 	snop  }
0x7c: {  	[spmem:s3] =	stream.indirect.scatter.add.f32 [tilespmem:s23], [sflag:$0x3], $0x1, s0, s31, $0xb8;
	[tilespmem:$0x1F490] =	vst v63  }
0x7d: {  	s26 =	simm.s32 $0x1B410  }
0x7e: {  	[spmem:s2] =	stream.indirect.scatter.add.f32 [tilespmem:s26], [sflag:$0x3], $0x10, s5, s31, $0xb8;
	[tilespmem:$0x1F490] =	vst v63  }
0x7f: {  	_ = 	snop  }
0x80: {  	[spmem:s3] =	stream.indirect.scatter.add.f32 [tilespmem:s23], [sflag:$0x3], $0x1, s5, s31, $0xb8;
	[tilespmem:$0x1F490] =	vst v63  }
0x81: {  	_ = 	snop  }
0x82: {  	[spmem:s2] =	stream.indirect.scatter.add.f32 [tilespmem:s13], [sflag:$0x3], $0x10, s6, s31, $0xb8;
	[tilespmem:$0x1F490] =	vst v63  }
0x83: {  	_ = 	snop  }
0x84: {  	[spmem:s3] =	stream.indirect.scatter.add.f32 [tilespmem:s23], [sflag:$0x3], $0x1, s6, s31, $0xb8;
	[tilespmem:$0x1F490] =	vst v63  }
0x85: {  	_ = 	snop  }
0x86: {  	[spmem:s2] =	stream.indirect.scatter.add.f32 [tilespmem:s12], [sflag:$0x3], $0x10, s14, s31, $0xb8;
	[tilespmem:$0x1F490] =	vst v63  }
0x87: {  	_ = 	snop  }
0x88: {  	[spmem:s3] =	stream.indirect.scatter.add.f32 [tilespmem:s23], [sflag:$0x3], $0x1, s14, s31, $0xb8;
	[tilespmem:$0x1F490] =	vst v63  }
0x89: {  	_ =	swait.ge [sflag:s17], $0x800  }
0x8a: {  	[sflag:s17] =	ssyncset.done $0x0  }
0x8b: {  	[sflag:s17] =	ssyncadd.s32 $0xFFFFF800  }
0x8c: {  	_ =	swait.ge [sflag:s17], $0x80  }
0x8d: {  	[sflag:s17] =	ssyncset.done $0x0  }
0x8e: {  	[sflag:s17] =	ssyncadd.s32 $0xFFFFFF80  }
0x8f: {  	_ =	swait.ge [sflag:s17], $0x800  }
0x90: {  	[sflag:s17] =	ssyncset.done $0x0  }
0x91: {  	[sflag:s17] =	ssyncadd.s32 $0xFFFFF800  }
0x92: {  	_ =	swait.ge [sflag:s17], $0x80  }
0x93: {  	[sflag:s17] =	ssyncset.done $0x0  }
0x94: {  	[sflag:s17] =	ssyncadd.s32 $0xFFFFFF80  }
0x95: {  	_ =	swait.ge [sflag:s17], $0x800  }
0x96: {  	[sflag:s17] =	ssyncset.done $0x0  }
0x97: {  	[sflag:s17] =	ssyncadd.s32 $0xFFFFF800  }
0x98: {  	_ =	swait.ge [sflag:s17], $0x80  }
0x99: {  	[sflag:s17] =	ssyncset.done $0x0  }
0x9a: {  	[sflag:s17] =	ssyncadd.s32 $0xFFFFFF80  }
0x9b: {  	_ =	swait.ge [sflag:s17], $0x800  }
0x9c: {  	[sflag:s17] =	ssyncset.done $0x0  }
0x9d: {  	[sflag:s17] =	ssyncadd.s32 $0xFFFFF800  }
0x9e: {  	_ =	swait.ge [sflag:s17], $0x80  }
0x9f: {  	[sflag:s17] =	ssyncset.done $0x0  }
0xa0: {  	[sflag:s17] =	ssyncadd.s32 $0xFFFFFF80  }
0xa1: {  	_ =	swait.ge [sflag:s17], $0x800  }
0xa2: {  	[sflag:s17] =	ssyncset.done $0x0  }
0xa3: {  	s15 =	sadd.s32 s9, s21;
	[sflag:s17] =	ssyncadd.s32 $0xFFFFF800  }
0xa4: {  	s11 =	sadd.s32 $0x2, s15;
	_ =	swait.ge [sflag:s17], $0x80  }
0xa5: {  	p1 =	sge.u32 s11, s18;
	[sflag:s17] =	ssyncset.done $0x0  }
0xa6: {  	s1 =	simm.s32 @!p1 $0x0;
	s26 =	simm.s32 @!p1 $0x19F10;
	[sflag:s17] =	ssyncadd.s32 $0xFFFFFF80  }
0xa7: {  	[tilespmem:s26], [sflag:$0x1] =	stream.linear.gather @!p1 [hbm4b:s29+s1], $0x280, $0x38;
	[tilespmem:$0x1F490] =	vst v63  }
0xa8: {  	s11 =	simm.s32 @!p1 $0x1A410;
	s26 =	sadd.s32 @!p1 $0xFFFFFB00, s7  }
0xa9: {  	[tilespmem:s11], [sflag:$0x1] =	stream.linear.gather @!p1 [hbm4b:s26+s1], $0x2800, $0x38;
	[tilespmem:$0x1F490] =	vst v63  }
0xaa: {  	s26 =	sadd.s32 $0x1, s15  }
0xab: {  	p1 =	sge.u32 s26, s18  }
.Ltmp4:
0xac: {  	_ = 	snop;
	(pc) =	sbr.rel @p1 .LBB2_4-.Ltmp4, $1  }
0xad: {  	_ =	sdelay $0x3  }
0xae: {  	_ =	swait.ge [sflag:s19], $0x280  }
0xaf: {  	[sflag:s19] =	ssyncset.done $0x0  }
0xb0: {  	[sflag:s19] =	ssyncadd.s32 $0xFFFFFD80  }
0xb1: {  	_ =	swait.ge [sflag:s19], $0x2800  }
0xb2: {  	[sflag:s19] =	ssyncset.done $0x0  }
0xb3: {  	s1 =	simm.s32 $0x1CC10;
	[sflag:s19] =	ssyncadd.s32 $0xFFFFD800  }
0xb4: {  	[spmem:s2] =	stream.indirect.scatter.add.f32 [tilespmem:s1], [sflag:$0x4], $0x10, s28, s31, $0xb8;
	[tilespmem:$0x1F490] =	vst v63  }
0xb5: {  	_ = 	snop  }
0xb6: {  	[spmem:s3] =	stream.indirect.scatter.add.f32 [tilespmem:s23], [sflag:$0x4], $0x1, s28, s31, $0xb8;
	[tilespmem:$0x1F490] =	vst v63  }
0xb7: {  	s26 =	simm.s32 $0x1D410  }
0xb8: {  	[spmem:s2] =	stream.indirect.scatter.add.f32 [tilespmem:s26], [sflag:$0x4], $0x10, s20, s31, $0xb8;
	[tilespmem:$0x1F490] =	vst v63  }
0xb9: {  	_ = 	snop  }
0xba: {  	[spmem:s3] =	stream.indirect.scatter.add.f32 [tilespmem:s23], [sflag:$0x4], $0x1, s20, s31, $0xb8;
	[tilespmem:$0x1F490] =	vst v63  }
0xbb: {  	s11 =	simm.s32 $0x1DC10  }
0xbc: {  	[spmem:s2] =	stream.indirect.scatter.add.f32 [tilespmem:s11], [sflag:$0x4], $0x10, s24, s31, $0xb8;
	[tilespmem:$0x1F490] =	vst v63  }
0xbd: {  	_ = 	snop  }
0xbe: {  	[spmem:s3] =	stream.indirect.scatter.add.f32 [tilespmem:s23], [sflag:$0x4], $0x1, s24, s31, $0xb8;
	[tilespmem:$0x1F490] =	vst v63  }
0xbf: {  	s26 =	simm.s32 $0x1E410  }
0xc0: {  	[spmem:s2] =	stream.indirect.scatter.add.f32 [tilespmem:s26], [sflag:$0x4], $0x10, s8, s31, $0xb8;
	[tilespmem:$0x1F490] =	vst v63  }
0xc1: {  	_ = 	snop  }
0xc2: {  	[spmem:s3] =	stream.indirect.scatter.add.f32 [tilespmem:s23], [sflag:$0x4], $0x1, s8, s31, $0xb8;
	[tilespmem:$0x1F490] =	vst v63  }
0xc3: {  	s11 =	simm.s32 $0x1EC10  }
0xc4: {  	[spmem:s2] =	stream.indirect.scatter.add.f32 [tilespmem:s11], [sflag:$0x4], $0x10, s10, s31, $0xb8;
	[tilespmem:$0x1F490] =	vst v63  }
0xc5: {  	_ = 	snop  }
0xc6: {  	[spmem:s3] =	stream.indirect.scatter.add.f32 [tilespmem:s23], [sflag:$0x4], $0x1, s10, s31, $0xb8;
	[tilespmem:$0x1F490] =	vst v63  }
0xc7: {  	_ =	swait.ge [sflag:s16], $0x800  }
0xc8: {  	[sflag:s16] =	ssyncset.done $0x0  }
0xc9: {  	[sflag:s16] =	ssyncadd.s32 $0xFFFFF800  }
0xca: {  	_ =	swait.ge [sflag:s16], $0x80  }
0xcb: {  	[sflag:s16] =	ssyncset.done $0x0  }
0xcc: {  	[sflag:s16] =	ssyncadd.s32 $0xFFFFFF80  }
0xcd: {  	_ =	swait.ge [sflag:s16], $0x800  }
0xce: {  	[sflag:s16] =	ssyncset.done $0x0  }
0xcf: {  	[sflag:s16] =	ssyncadd.s32 $0xFFFFF800  }
0xd0: {  	_ =	swait.ge [sflag:s16], $0x80  }
0xd1: {  	[sflag:s16] =	ssyncset.done $0x0  }
0xd2: {  	[sflag:s16] =	ssyncadd.s32 $0xFFFFFF80  }
0xd3: {  	_ =	swait.ge [sflag:s16], $0x800  }
0xd4: {  	[sflag:s16] =	ssyncset.done $0x0  }
0xd5: {  	[sflag:s16] =	ssyncadd.s32 $0xFFFFF800  }
0xd6: {  	_ =	swait.ge [sflag:s16], $0x80  }
0xd7: {  	[sflag:s16] =	ssyncset.done $0x0  }
0xd8: {  	[sflag:s16] =	ssyncadd.s32 $0xFFFFFF80  }
0xd9: {  	_ =	swait.ge [sflag:s16], $0x800  }
0xda: {  	[sflag:s16] =	ssyncset.done $0x0  }
0xdb: {  	[sflag:s16] =	ssyncadd.s32 $0xFFFFF800  }
0xdc: {  	_ =	swait.ge [sflag:s16], $0x80  }
0xdd: {  	[sflag:s16] =	ssyncset.done $0x0  }
0xde: {  	[sflag:s16] =	ssyncadd.s32 $0xFFFFFF80  }
0xdf: {  	_ =	swait.ge [sflag:s16], $0x800  }
0xe0: {  	[sflag:s16] =	ssyncset.done $0x0  }
0xe1: {  	[sflag:s16] =	ssyncadd.s32 $0xFFFFF800  }
0xe2: {  	s26 =	sadd.s32 $0x3, s15;
	_ =	swait.ge [sflag:s16], $0x80  }
.Ltmp5:
0xe3: {  	p1 =	sge.u32 s26, s18;
	[sflag:s16] =	ssyncset.done $0x0;
	(pc) =	sbr.rel .LBB2_4-.Ltmp5, $4  }
0xe4: {  	s1 =	simm.s32 @!p1 $0x0;
	s11 =	simm.s32 @!p1 $0x1A190;
	[sflag:s16] =	ssyncadd.s32 $0xFFFFFF80  }
0xe5: {  	[tilespmem:s11], [sflag:$0x2] =	stream.linear.gather @!p1 [hbm4b:s22+s1], $0x280, $0x38;
	[tilespmem:$0x1F490] =	vst v63  }
0xe6: {  	s11 =	simm.s32 @!p1 $0x1CC10  }
0xe7: {  	[tilespmem:s11], [sflag:$0x2] =	stream.linear.gather @!p1 [hbm4b:s7+s1], $0x2800, $0x38;
	[tilespmem:$0x1F490] =	vst v63  }
.LBB2_6:
0xe8: {  	_ =	sfence.sel $0x180000  }
0xe9: {  	[bflag:$0x0] =	sbarrier.arrive $0xFFFF  }
0xea: {  	_ =	strace $0x90000047  }
0xeb: {  	s0 =	stileid.u32;
	[bflag:$0x2] =	sbarrier.arrive $0xFFFF  }
0xec: {  	p0 =	sne.s32 s0, $0x0;
	s0 =	rddreg [dreg:$0x4]  }
0xed: {  	s0 =	sadd.s32 @!p0 $0x100000, s0  }
0xee: {  	[sflag:s0] =	ssyncadd.tile.s32 @!p0 $0x1;
	_ =	shalt  }
.Lfunc_end2:
_tile_overlayer_lowered:
.L_overlay_start_2:
0xef: {  	(tag) =	ssettag $0x2  }
0xf0: {  	s0 =	rddreg [dreg:$0x0];
	s2 =	stileid.u32  }
0xf1: {  	s1 =	rddreg [dreg:$0x1];
	p0 =	sne.s32 s2, $0x0  }
0xf2: {  	s3 =	rddreg [dreg:$0x2];
	[bflag:$0x3] =	sbarrier.arrive $0xFFFF;
	s2 =	simm.s32 @!p0 $0x1C05  }
0xf3: {  	[timem:s3], [sflag:s2] =	dma.local @!p0 [hbm:s0], s1  }
0xf4: {  	s0 =	simm.s32 @!p0 $0x5  }
0xf5: {  	_ =	swait.ge @!p0 [sflag:s0], s1  }
0xf6: {  	s1 =	ssub.s32 @!p0 $0x0, s1;
	[sflag:s0] =	ssyncset.done @!p0 $0x0  }
0xf7: {  	[sflag:s0] =	ssyncadd.s32 @!p0 s1  }
0xf8: {  	[bflag:$0x3] =	sbarrier.arrive $0xFFFF  }
0xf9: {  	_ =	shalt  }

</sc_bundles>
